<compile_context>
chip_gen: v7x
topology: tpu7x:2x2x1
jax: 0.10.2.dev20260603
libtpu: 0.0.44.dev20260713+nightly
codegen_flags: <defaults>
</compile_context>

<pallas_src>
import functools

import jax
import jax.numpy as jnp
from jax import lax
from jax.experimental import pallas as pl
from jax.experimental.pallas import tpu as pltpu
from jax.experimental.pallas import tpu_sc as plsc

NC = 2
NS = 16
NW = NC * NS
L = 16
LB = 32

D = 128
E = 80
NB = 5


def _decoder_body(num_edges, z1_hbm, z2_hbm, ei_hbm, out_hbm,
                  idx1_v, idx2_v, rows1_v, rows2_v, out_v, *sems):
    per_w = num_edges // NW
    groups = per_w // E
    wid = lax.axis_index("s") * NC + lax.axis_index("c")
    base = wid * per_w

    lane = lax.iota(jnp.int32, L)
    last = lane == (L - 1)

    pltpu.sync_copy(ei_hbm.at[0, pl.ds(base, per_w)], idx1_v)
    pltpu.sync_copy(ei_hbm.at[1, pl.ds(base, per_w)], idx2_v)

    def start_gathers(g, b, sem):
        pltpu.async_copy(z1_hbm.at[idx1_v.at[pl.ds(g * E, E)]],
                         rows1_v.at[b], sem)
        pltpu.async_copy(z2_hbm.at[idx2_v.at[pl.ds(g * E, E)]],
                         rows2_v.at[b], sem)

    def wait_gathers(g, b, sem):
        pltpu.make_async_copy(z1_hbm.at[idx1_v.at[pl.ds(g * E, E)]],
                              rows1_v.at[b], sem).wait()
        pltpu.make_async_copy(z2_hbm.at[idx2_v.at[pl.ds(g * E, E)]],
                              rows2_v.at[b], sem).wait()

    def compute(g, b):
        gbase = g * E

        @plsc.parallel_loop(0, E, unroll=8)
        def edge(e):
            acc = None
            for k in range(0, D // LB, 2):
                p0 = (rows1_v[b, e, pl.ds(k * LB, LB)]
                      * rows2_v[b, e, pl.ds(k * LB, LB)])
                p1 = (rows1_v[b, e, pl.ds((k + 1) * LB, LB)]
                      * rows2_v[b, e, pl.ds((k + 1) * LB, LB)])
                s = p0 + p1
                pe, po = plsc.unpack(s, format=plsc.PackFormat.INTERLEAVED,
                                     preferred_element_type=jnp.float32)
                acc = pe + po if acc is None else acc + pe + po
            csum = plsc.cumsum(acc)
            plsc.store_scatter(out_v, [jnp.full((L,), gbase + e, jnp.int32)],
                               csum, mask=last)

    for b in range(NB):
        start_gathers(b, b, sems[b])

    def ring(t, carry):
        for j in range(NB):
            g = NB * t + j
            wait_gathers(g, j, sems[j])
            compute(g, j)

            @pl.when(g + NB < groups)
            def _():
                start_gathers(g + NB, j, sems[j])

        return carry

    lax.fori_loop(0, groups // NB, ring, 0)

    for j in range(groups % NB):
        g = (groups // NB) * NB + j
        wait_gathers(g, j, sems[j])
        compute(g, j)

    pltpu.sync_copy(out_v, out_hbm.at[pl.ds(base, per_w)])


def kernel(z1, z2, edge_index):
    num_edges = edge_index.shape[1]
    assert num_edges % (NW * E) == 0
    assert z1.shape[1] == D and z2.shape[1] == D

    ei = edge_index.astype(jnp.int32)
    z1b = z1.astype(jnp.bfloat16)
    z2b = z2.astype(jnp.bfloat16)

    per_w = num_edges // NW
    mesh = plsc.VectorSubcoreMesh(core_axis_name="c", subcore_axis_name="s")
    run = pl.kernel(
        functools.partial(_decoder_body, num_edges),
        out_type=jax.ShapeDtypeStruct((num_edges,), jnp.float32),
        mesh=mesh,
        compiler_params=pltpu.CompilerParams(needs_layout_passes=False,
                                             use_tc_tiling_on_sc=False),
        scratch_types=[
            pltpu.VMEM((per_w,), jnp.int32),
            pltpu.VMEM((per_w,), jnp.int32),
            pltpu.VMEM((NB, E, D), jnp.bfloat16),
            pltpu.VMEM((NB, E, D), jnp.bfloat16),
            pltpu.VMEM((per_w,), jnp.float32),
        ] + [pltpu.SemaphoreType.DMA] * NB,
    )
    return run(z1b, z2b, ei)

# --- scband reference (transcript-rebuilt; emitter-appended) ---
"""Pipeline reference for scband-directed-inner-product-decoder-50345606644318 (READ-ONLY COPY).

The authoritative reference and input builder live on the scoring server;
editing this copy changes nothing except your own understanding.
"""

import jax, jax.numpy as jnp
import numpy as np


def setup_inputs(seed: int = 0) -> dict:
    key = jax.random.key(seed)
    k1, k2, k3 = jax.random.split(key, 3)
    z1 = jax.random.normal(k1, (10000, 128), dtype=jnp.float32)
    z2 = jax.random.normal(k2, (10000, 128), dtype=jnp.float32)
    edge_index = jax.random.randint(k3, (2, 320000), 0, 10000, dtype=jnp.int64 if jax.config.jax_enable_x64 else jnp.int32)
    return {"z1": z1, "z2": z2, "edge_index": edge_index}


def reference(z1, z2, edge_index):
    # value = (z1[edge_index[0]] * z2[edge_index[1]]).sum(dim=1); sigmoid=False default
    src = jnp.take(z1, edge_index[0], axis=0)
    dst = jnp.take(z2, edge_index[1], axis=0)
    value = jnp.sum(src * dst, axis=1)
    return value

if __name__ == "__main__":
    import jax
    _d = setup_inputs()
    print(jax.jit(kernel)(*tuple(_d.values())))

</pallas_src>

<mosaic_0001>
#map = affine_map<(d0, d1) -> (0, 0)>
#map1 = affine_map<(d0, d1) -> (0)>
module attributes {stable_mosaic.version = 14 : i64} {
  func.func @_decoder_body(%arg0: i32, %arg1: i32, %arg2: memref<10000x128xbf16, #tpu.memory_space<hbm>>, %arg3: memref<10000x128xbf16, #tpu.memory_space<hbm>>, %arg4: memref<2x320000xi32, #tpu.memory_space<hbm>>, %arg5: memref<320000xf32, #tpu.memory_space<hbm>>, %arg6: memref<10000xi32, #tpu.memory_space<vmem>>, %arg7: memref<10000xi32, #tpu.memory_space<vmem>>, %arg8: memref<5x80x128xbf16, #tpu.memory_space<vmem>>, %arg9: memref<5x80x128xbf16, #tpu.memory_space<vmem>>, %arg10: memref<10000xf32, #tpu.memory_space<vmem>>, %arg11: memref<!tpu.dma_semaphore, #tpu.memory_space<semaphore_mem>>, %arg12: memref<!tpu.dma_semaphore, #tpu.memory_space<semaphore_mem>>, %arg13: memref<!tpu.dma_semaphore, #tpu.memory_space<semaphore_mem>>, %arg14: memref<!tpu.dma_semaphore, #tpu.memory_space<semaphore_mem>>, %arg15: memref<!tpu.dma_semaphore, #tpu.memory_space<semaphore_mem>>) attributes {dimension_semantics = [#tpu.dimension_semantics<core_parallel>, #tpu.dimension_semantics<subcore_parallel>], iteration_bounds = array<i64: 2, 16>, scalar_prefetch = 0 : i64, scratch_operands = 10 : i64, tpu.core_type = #tpu.core_type<sc_vector_subcore>, window_params = [{transform_indices = #map}, {transform_indices = #map}, {transform_indices = #map}, {transform_indices = #map1}]} {
    %mul3A = arith.constant 2 : i32
    %mul3A_0 = arith.muli %arg1, %mul3A : i32
    %add3A = arith.addi %mul3A_0, %arg0 : i32
    %mul3A_1 = arith.constant 10000 : i32
    %mul3A_2 = arith.muli %add3A, %mul3A_1 : i32
    %iota3A = tpu.iota {dimensions = array<i32: 0>} : vector<16xi32>
    %eq3A = arith.constant 15 : i32
    %eq3A_3 = vector.broadcast %eq3A : i32 to vector<16xi32>
    %eq3A_4 = arith.cmpi eq, %iota3A, %eq3A_3 : vector<16xi32>
    %run_scoped3A = arith.constant 0 : i32
    "tpu.region"() ({
      %run_scoped3A_110 = tpu.sem_alloc : memref<!tpu.dma_semaphore, #tpu.memory_space<semaphore_mem>>
      %dma_start3A_111 = tpu.memref_slice %arg4[%run_scoped3A, %mul3A_2] : memref<2x320000xi32, #tpu.memory_space<hbm>> -> memref<1x10000xi32, #tpu.memory_space<hbm>>
      %dma_start3A_112 = tpu.memref_squeeze %dma_start3A_111 : memref<1x10000xi32, #tpu.memory_space<hbm>> -> memref<10000xi32, #tpu.memory_space<hbm>>
      %dma_start3A_113 = tpu.memref_slice %arg4[%run_scoped3A, %mul3A_2] : memref<2x320000xi32, #tpu.memory_space<hbm>> -> memref<1x10000xi32, #tpu.memory_space<hbm>>
      %dma_start3A_114 = tpu.memref_squeeze %dma_start3A_113 : memref<1x10000xi32, #tpu.memory_space<hbm>> -> memref<10000xi32, #tpu.memory_space<hbm>>
      tpu.enqueue_dma source(%dma_start3A_114 : memref<10000xi32, #tpu.memory_space<hbm>>) target(%arg6 : memref<10000xi32, #tpu.memory_space<vmem>>) target_semaphore(%run_scoped3A_110 : memref<!tpu.dma_semaphore, #tpu.memory_space<semaphore_mem>>)
      %dma_wait3A = tpu.memref_slice %arg4[%run_scoped3A, %mul3A_2] : memref<2x320000xi32, #tpu.memory_space<hbm>> -> memref<1x10000xi32, #tpu.memory_space<hbm>>
      %dma_wait3A_115 = tpu.memref_squeeze %dma_wait3A : memref<1x10000xi32, #tpu.memory_space<hbm>> -> memref<10000xi32, #tpu.memory_space<hbm>>
      %dma_wait3A_116 = tpu.memref_slice %arg4[%run_scoped3A, %mul3A_2] : memref<2x320000xi32, #tpu.memory_space<hbm>> -> memref<1x10000xi32, #tpu.memory_space<hbm>>
      %dma_wait3A_117 = tpu.memref_squeeze %dma_wait3A_116 : memref<1x10000xi32, #tpu.memory_space<hbm>> -> memref<10000xi32, #tpu.memory_space<hbm>>
      tpu.wait_dma2 semaphore(%run_scoped3A_110 : memref<!tpu.dma_semaphore, #tpu.memory_space<semaphore_mem>>) src(%dma_wait3A_117 : memref<10000xi32, #tpu.memory_space<hbm>>) dst(%arg6 : memref<10000xi32, #tpu.memory_space<vmem>>)
      tpu.yield
    }) : () -> ()
    %run_scoped3A_5 = arith.constant 1 : i32
    "tpu.region"() ({
      %run_scoped3A_110 = tpu.sem_alloc : memref<!tpu.dma_semaphore, #tpu.memory_space<semaphore_mem>>
      %dma_start3A_111 = tpu.memref_slice %arg4[%run_scoped3A_5, %mul3A_2] : memref<2x320000xi32, #tpu.memory_space<hbm>> -> memref<1x10000xi32, #tpu.memory_space<hbm>>
      %dma_start3A_112 = tpu.memref_squeeze %dma_start3A_111 : memref<1x10000xi32, #tpu.memory_space<hbm>> -> memref<10000xi32, #tpu.memory_space<hbm>>
      %dma_start3A_113 = tpu.memref_slice %arg4[%run_scoped3A_5, %mul3A_2] : memref<2x320000xi32, #tpu.memory_space<hbm>> -> memref<1x10000xi32, #tpu.memory_space<hbm>>
      %dma_start3A_114 = tpu.memref_squeeze %dma_start3A_113 : memref<1x10000xi32, #tpu.memory_space<hbm>> -> memref<10000xi32, #tpu.memory_space<hbm>>
      tpu.enqueue_dma source(%dma_start3A_114 : memref<10000xi32, #tpu.memory_space<hbm>>) target(%arg7 : memref<10000xi32, #tpu.memory_space<vmem>>) target_semaphore(%run_scoped3A_110 : memref<!tpu.dma_semaphore, #tpu.memory_space<semaphore_mem>>)
      %dma_wait3A = tpu.memref_slice %arg4[%run_scoped3A_5, %mul3A_2] : memref<2x320000xi32, #tpu.memory_space<hbm>> -> memref<1x10000xi32, #tpu.memory_space<hbm>>
      %dma_wait3A_115 = tpu.memref_squeeze %dma_wait3A : memref<1x10000xi32, #tpu.memory_space<hbm>> -> memref<10000xi32, #tpu.memory_space<hbm>>
      %dma_wait3A_116 = tpu.memref_slice %arg4[%run_scoped3A_5, %mul3A_2] : memref<2x320000xi32, #tpu.memory_space<hbm>> -> memref<1x10000xi32, #tpu.memory_space<hbm>>
      %dma_wait3A_117 = tpu.memref_squeeze %dma_wait3A_116 : memref<1x10000xi32, #tpu.memory_space<hbm>> -> memref<10000xi32, #tpu.memory_space<hbm>>
      tpu.wait_dma2 semaphore(%run_scoped3A_110 : memref<!tpu.dma_semaphore, #tpu.memory_space<semaphore_mem>>) src(%dma_wait3A_117 : memref<10000xi32, #tpu.memory_space<hbm>>) dst(%arg7 : memref<10000xi32, #tpu.memory_space<vmem>>)
      tpu.yield
    }) : () -> ()
    %dma_start3A = arith.constant 0 : i32
    %dma_start3A_6 = arith.constant 0 : i32
    %dma_start3A_7 = arith.constant 0 : i32
    %dma_start3A_8 = tpu.memref_slice %arg8[%dma_start3A, %dma_start3A_6, %dma_start3A_7] : memref<5x80x128xbf16, #tpu.memory_space<vmem>> -> memref<1x80x128xbf16, #tpu.memory_space<vmem>>
    %dma_start3A_9 = tpu.memref_squeeze %dma_start3A_8 : memref<1x80x128xbf16, #tpu.memory_space<vmem>> -> memref<80x128xbf16, #tpu.memory_space<vmem>>
    %dma_start3A_10 = arith.constant 0 : i32
    %dma_start3A_11 = tpu.memref_slice %arg6[%dma_start3A_10] : memref<10000xi32, #tpu.memory_space<vmem>> -> memref<80xi32, #tpu.memory_space<vmem>>
    %dma_start3A_12 = arith.constant 0 : i32
    %dma_start3A_13 = arith.constant 0 : i32
    %dma_start3A_14 = tpu.memref_slice %arg2[%dma_start3A_12, %dma_start3A_13] : memref<10000x128xbf16, #tpu.memory_space<hbm>> -> memref<10000x128xbf16, #tpu.memory_space<hbm>>
    tpu.enqueue_indirect_dma source(%dma_start3A_14 : memref<10000x128xbf16, #tpu.memory_space<hbm>>) target(%dma_start3A_9 : memref<80x128xbf16, #tpu.memory_space<vmem>>) offsets(%dma_start3A_11 : memref<80xi32, #tpu.memory_space<vmem>>) semaphore(%arg11 : memref<!tpu.dma_semaphore, #tpu.memory_space<semaphore_mem>>)
    %dma_start3A_15 = arith.constant 0 : i32
    %dma_start3A_16 = arith.constant 0 : i32
    %dma_start3A_17 = arith.constant 0 : i32
    %dma_start3A_18 = tpu.memref_slice %arg9[%dma_start3A_15, %dma_start3A_16, %dma_start3A_17] : memref<5x80x128xbf16, #tpu.memory_space<vmem>> -> memref<1x80x128xbf16, #tpu.memory_space<vmem>>
    %dma_start3A_19 = tpu.memref_squeeze %dma_start3A_18 : memref<1x80x128xbf16, #tpu.memory_space<vmem>> -> memref<80x128xbf16, #tpu.memory_space<vmem>>
    %dma_start3A_20 = arith.constant 0 : i32
    %dma_start3A_21 = tpu.memref_slice %arg7[%dma_start3A_20] : memref<10000xi32, #tpu.memory_space<vmem>> -> memref<80xi32, #tpu.memory_space<vmem>>
    %dma_start3A_22 = arith.constant 0 : i32
    %dma_start3A_23 = arith.constant 0 : i32
    %dma_start3A_24 = tpu.memref_slice %arg3[%dma_start3A_22, %dma_start3A_23] : memref<10000x128xbf16, #tpu.memory_space<hbm>> -> memref<10000x128xbf16, #tpu.memory_space<hbm>>
    tpu.enqueue_indirect_dma source(%dma_start3A_24 : memref<10000x128xbf16, #tpu.memory_space<hbm>>) target(%dma_start3A_19 : memref<80x128xbf16, #tpu.memory_space<vmem>>) offsets(%dma_start3A_21 : memref<80xi32, #tpu.memory_space<vmem>>) semaphore(%arg11 : memref<!tpu.dma_semaphore, #tpu.memory_space<semaphore_mem>>)
    %dma_start3A_25 = arith.constant 1 : i32
    %dma_start3A_26 = arith.constant 0 : i32
    %dma_start3A_27 = arith.constant 0 : i32
    %dma_start3A_28 = tpu.memref_slice %arg8[%dma_start3A_25, %dma_start3A_26, %dma_start3A_27] : memref<5x80x128xbf16, #tpu.memory_space<vmem>> -> memref<1x80x128xbf16, #tpu.memory_space<vmem>>
    %dma_start3A_29 = tpu.memref_squeeze %dma_start3A_28 : memref<1x80x128xbf16, #tpu.memory_space<vmem>> -> memref<80x128xbf16, #tpu.memory_space<vmem>>
    %dma_start3A_30 = arith.constant 80 : i32
    %dma_start3A_31 = tpu.memref_slice %arg6[%dma_start3A_30] : memref<10000xi32, #tpu.memory_space<vmem>> -> memref<80xi32, #tpu.memory_space<vmem>>
    %dma_start3A_32 = arith.constant 0 : i32
    %dma_start3A_33 = arith.constant 0 : i32
    %dma_start3A_34 = tpu.memref_slice %arg2[%dma_start3A_32, %dma_start3A_33] : memref<10000x128xbf16, #tpu.memory_space<hbm>> -> memref<10000x128xbf16, #tpu.memory_space<hbm>>
    tpu.enqueue_indirect_dma source(%dma_start3A_34 : memref<10000x128xbf16, #tpu.memory_space<hbm>>) target(%dma_start3A_29 : memref<80x128xbf16, #tpu.memory_space<vmem>>) offsets(%dma_start3A_31 : memref<80xi32, #tpu.memory_space<vmem>>) semaphore(%arg12 : memref<!tpu.dma_semaphore, #tpu.memory_space<semaphore_mem>>)
    %dma_start3A_35 = arith.constant 1 : i32
    %dma_start3A_36 = arith.constant 0 : i32
    %dma_start3A_37 = arith.constant 0 : i32
    %dma_start3A_38 = tpu.memref_slice %arg9[%dma_start3A_35, %dma_start3A_36, %dma_start3A_37] : memref<5x80x128xbf16, #tpu.memory_space<vmem>> -> memref<1x80x128xbf16, #tpu.memory_space<vmem>>
    %dma_start3A_39 = tpu.memref_squeeze %dma_start3A_38 : memref<1x80x128xbf16, #tpu.memory_space<vmem>> -> memref<80x128xbf16, #tpu.memory_space<vmem>>
    %dma_start3A_40 = arith.constant 80 : i32
    %dma_start3A_41 = tpu.memref_slice %arg7[%dma_start3A_40] : memref<10000xi32, #tpu.memory_space<vmem>> -> memref<80xi32, #tpu.memory_space<vmem>>
    %dma_start3A_42 = arith.constant 0 : i32
    %dma_start3A_43 = arith.constant 0 : i32
    %dma_start3A_44 = tpu.memref_slice %arg3[%dma_start3A_42, %dma_start3A_43] : memref<10000x128xbf16, #tpu.memory_space<hbm>> -> memref<10000x128xbf16, #tpu.memory_space<hbm>>
    tpu.enqueue_indirect_dma source(%dma_start3A_44 : memref<10000x128xbf16, #tpu.memory_space<hbm>>) target(%dma_start3A_39 : memref<80x128xbf16, #tpu.memory_space<vmem>>) offsets(%dma_start3A_41 : memref<80xi32, #tpu.memory_space<vmem>>) semaphore(%arg12 : memref<!tpu.dma_semaphore, #tpu.memory_space<semaphore_mem>>)
    %dma_start3A_45 = arith.constant 2 : i32
    %dma_start3A_46 = arith.constant 0 : i32
    %dma_start3A_47 = arith.constant 0 : i32
    %dma_start3A_48 = tpu.memref_slice %arg8[%dma_start3A_45, %dma_start3A_46, %dma_start3A_47] : memref<5x80x128xbf16, #tpu.memory_space<vmem>> -> memref<1x80x128xbf16, #tpu.memory_space<vmem>>
    %dma_start3A_49 = tpu.memref_squeeze %dma_start3A_48 : memref<1x80x128xbf16, #tpu.memory_space<vmem>> -> memref<80x128xbf16, #tpu.memory_space<vmem>>
    %dma_start3A_50 = arith.constant 160 : i32
    %dma_start3A_51 = tpu.memref_slice %arg6[%dma_start3A_50] : memref<10000xi32, #tpu.memory_space<vmem>> -> memref<80xi32, #tpu.memory_space<vmem>>
    %dma_start3A_52 = arith.constant 0 : i32
    %dma_start3A_53 = arith.constant 0 : i32
    %dma_start3A_54 = tpu.memref_slice %arg2[%dma_start3A_52, %dma_start3A_53] : memref<10000x128xbf16, #tpu.memory_space<hbm>> -> memref<10000x128xbf16, #tpu.memory_space<hbm>>
    tpu.enqueue_indirect_dma source(%dma_start3A_54 : memref<10000x128xbf16, #tpu.memory_space<hbm>>) target(%dma_start3A_49 : memref<80x128xbf16, #tpu.memory_space<vmem>>) offsets(%dma_start3A_51 : memref<80xi32, #tpu.memory_space<vmem>>) semaphore(%arg13 : memref<!tpu.dma_semaphore, #tpu.memory_space<semaphore_mem>>)
    %dma_start3A_55 = arith.constant 2 : i32
    %dma_start3A_56 = arith.constant 0 : i32
    %dma_start3A_57 = arith.constant 0 : i32
    %dma_start3A_58 = tpu.memref_slice %arg9[%dma_start3A_55, %dma_start3A_56, %dma_start3A_57] : memref<5x80x128xbf16, #tpu.memory_space<vmem>> -> memref<1x80x128xbf16, #tpu.memory_space<vmem>>
    %dma_start3A_59 = tpu.memref_squeeze %dma_start3A_58 : memref<1x80x128xbf16, #tpu.memory_space<vmem>> -> memref<80x128xbf16, #tpu.memory_space<vmem>>
    %dma_start3A_60 = arith.constant 160 : i32
    %dma_start3A_61 = tpu.memref_slice %arg7[%dma_start3A_60] : memref<10000xi32, #tpu.memory_space<vmem>> -> memref<80xi32, #tpu.memory_space<vmem>>
    %dma_start3A_62 = arith.constant 0 : i32
    %dma_start3A_63 = arith.constant 0 : i32
    %dma_start3A_64 = tpu.memref_slice %arg3[%dma_start3A_62, %dma_start3A_63] : memref<10000x128xbf16, #tpu.memory_space<hbm>> -> memref<10000x128xbf16, #tpu.memory_space<hbm>>
    tpu.enqueue_indirect_dma source(%dma_start3A_64 : memref<10000x128xbf16, #tpu.memory_space<hbm>>) target(%dma_start3A_59 : memref<80x128xbf16, #tpu.memory_space<vmem>>) offsets(%dma_start3A_61 : memref<80xi32, #tpu.memory_space<vmem>>) semaphore(%arg13 : memref<!tpu.dma_semaphore, #tpu.memory_space<semaphore_mem>>)
    %dma_start3A_65 = arith.constant 3 : i32
    %dma_start3A_66 = arith.constant 0 : i32
    %dma_start3A_67 = arith.constant 0 : i32
    %dma_start3A_68 = tpu.memref_slice %arg8[%dma_start3A_65, %dma_start3A_66, %dma_start3A_67] : memref<5x80x128xbf16, #tpu.memory_space<vmem>> -> memref<1x80x128xbf16, #tpu.memory_space<vmem>>
    %dma_start3A_69 = tpu.memref_squeeze %dma_start3A_68 : memref<1x80x128xbf16, #tpu.memory_space<vmem>> -> memref<80x128xbf16, #tpu.memory_space<vmem>>
    %dma_start3A_70 = arith.constant 240 : i32
    %dma_start3A_71 = tpu.memref_slice %arg6[%dma_start3A_70] : memref<10000xi32, #tpu.memory_space<vmem>> -> memref<80xi32, #tpu.memory_space<vmem>>
    %dma_start3A_72 = arith.constant 0 : i32
    %dma_start3A_73 = arith.constant 0 : i32
    %dma_start3A_74 = tpu.memref_slice %arg2[%dma_start3A_72, %dma_start3A_73] : memref<10000x128xbf16, #tpu.memory_space<hbm>> -> memref<10000x128xbf16, #tpu.memory_space<hbm>>
    tpu.enqueue_indirect_dma source(%dma_start3A_74 : memref<10000x128xbf16, #tpu.memory_space<hbm>>) target(%dma_start3A_69 : memref<80x128xbf16, #tpu.memory_space<vmem>>) offsets(%dma_start3A_71 : memref<80xi32, #tpu.memory_space<vmem>>) semaphore(%arg14 : memref<!tpu.dma_semaphore, #tpu.memory_space<semaphore_mem>>)
    %dma_start3A_75 = arith.constant 3 : i32
    %dma_start3A_76 = arith.constant 0 : i32
    %dma_start3A_77 = arith.constant 0 : i32
    %dma_start3A_78 = tpu.memref_slice %arg9[%dma_start3A_75, %dma_start3A_76, %dma_start3A_77] : memref<5x80x128xbf16, #tpu.memory_space<vmem>> -> memref<1x80x128xbf16, #tpu.memory_space<vmem>>
    %dma_start3A_79 = tpu.memref_squeeze %dma_start3A_78 : memref<1x80x128xbf16, #tpu.memory_space<vmem>> -> memref<80x128xbf16, #tpu.memory_space<vmem>>
    %dma_start3A_80 = arith.constant 240 : i32
    %dma_start3A_81 = tpu.memref_slice %arg7[%dma_start3A_80] : memref<10000xi32, #tpu.memory_space<vmem>> -> memref<80xi32, #tpu.memory_space<vmem>>
    %dma_start3A_82 = arith.constant 0 : i32
    %dma_start3A_83 = arith.constant 0 : i32
    %dma_start3A_84 = tpu.memref_slice %arg3[%dma_start3A_82, %dma_start3A_83] : memref<10000x128xbf16, #tpu.memory_space<hbm>> -> memref<10000x128xbf16, #tpu.memory_space<hbm>>
    tpu.enqueue_indirect_dma source(%dma_start3A_84 : memref<10000x128xbf16, #tpu.memory_space<hbm>>) target(%dma_start3A_79 : memref<80x128xbf16, #tpu.memory_space<vmem>>) offsets(%dma_start3A_81 : memref<80xi32, #tpu.memory_space<vmem>>) semaphore(%arg14 : memref<!tpu.dma_semaphore, #tpu.memory_space<semaphore_mem>>)
    %dma_start3A_85 = arith.constant 4 : i32
    %dma_start3A_86 = arith.constant 0 : i32
    %dma_start3A_87 = arith.constant 0 : i32
    %dma_start3A_88 = tpu.memref_slice %arg8[%dma_start3A_85, %dma_start3A_86, %dma_start3A_87] : memref<5x80x128xbf16, #tpu.memory_space<vmem>> -> memref<1x80x128xbf16, #tpu.memory_space<vmem>>
    %dma_start3A_89 = tpu.memref_squeeze %dma_start3A_88 : memref<1x80x128xbf16, #tpu.memory_space<vmem>> -> memref<80x128xbf16, #tpu.memory_space<vmem>>
    %dma_start3A_90 = arith.constant 320 : i32
    %dma_start3A_91 = tpu.memref_slice %arg6[%dma_start3A_90] : memref<10000xi32, #tpu.memory_space<vmem>> -> memref<80xi32, #tpu.memory_space<vmem>>
    %dma_start3A_92 = arith.constant 0 : i32
    %dma_start3A_93 = arith.constant 0 : i32
    %dma_start3A_94 = tpu.memref_slice %arg2[%dma_start3A_92, %dma_start3A_93] : memref<10000x128xbf16, #tpu.memory_space<hbm>> -> memref<10000x128xbf16, #tpu.memory_space<hbm>>
    tpu.enqueue_indirect_dma source(%dma_start3A_94 : memref<10000x128xbf16, #tpu.memory_space<hbm>>) target(%dma_start3A_89 : memref<80x128xbf16, #tpu.memory_space<vmem>>) offsets(%dma_start3A_91 : memref<80xi32, #tpu.memory_space<vmem>>) semaphore(%arg15 : memref<!tpu.dma_semaphore, #tpu.memory_space<semaphore_mem>>)
    %dma_start3A_95 = arith.constant 4 : i32
    %dma_start3A_96 = arith.constant 0 : i32
    %dma_start3A_97 = arith.constant 0 : i32
    %dma_start3A_98 = tpu.memref_slice %arg9[%dma_start3A_95, %dma_start3A_96, %dma_start3A_97] : memref<5x80x128xbf16, #tpu.memory_space<vmem>> -> memref<1x80x128xbf16, #tpu.memory_space<vmem>>
    %dma_start3A_99 = tpu.memref_squeeze %dma_start3A_98 : memref<1x80x128xbf16, #tpu.memory_space<vmem>> -> memref<80x128xbf16, #tpu.memory_space<vmem>>
    %dma_start3A_100 = arith.constant 320 : i32
    %dma_start3A_101 = tpu.memref_slice %arg7[%dma_start3A_100] : memref<10000xi32, #tpu.memory_space<vmem>> -> memref<80xi32, #tpu.memory_space<vmem>>
    %dma_start3A_102 = arith.constant 0 : i32
    %dma_start3A_103 = arith.constant 0 : i32
    %dma_start3A_104 = tpu.memref_slice %arg3[%dma_start3A_102, %dma_start3A_103] : memref<10000x128xbf16, #tpu.memory_space<hbm>> -> memref<10000x128xbf16, #tpu.memory_space<hbm>>
    tpu.enqueue_indirect_dma source(%dma_start3A_104 : memref<10000x128xbf16, #tpu.memory_space<hbm>>) target(%dma_start3A_99 : memref<80x128xbf16, #tpu.memory_space<vmem>>) offsets(%dma_start3A_101 : memref<80xi32, #tpu.memory_space<vmem>>) semaphore(%arg15 : memref<!tpu.dma_semaphore, #tpu.memory_space<semaphore_mem>>)
    %scan3A = arith.constant 0 : i32
    %scan3A_105 = arith.constant 0 : i32
    %scan3A_106 = arith.constant 25 : i32
    %scan3A_107 = arith.addi %scan3A_105, %scan3A_106 : i32
    %scan3A_108 = arith.constant 1 : i32
    scf.for %scan3A_110 = %scan3A_105 to %scan3A_107 step %scan3A_108  : i32 {
      %mul3A_111 = arith.constant 5 : i32
      %mul3A_112 = arith.muli %mul3A_111, %scan3A_110 : i32
      %add3A_113 = arith.constant 0 : i32
      %add3A_114 = arith.addi %mul3A_112, %add3A_113 : i32
      %mul3A_115 = arith.constant 80 : i32
      %mul3A_116 = arith.muli %add3A_114, %mul3A_115 : i32
      %dma_wait3A = arith.constant 0 : i32
      %dma_wait3A_117 = arith.constant 0 : i32
      %dma_wait3A_118 = arith.constant 0 : i32
      %dma_wait3A_119 = tpu.memref_slice %arg8[%dma_wait3A, %dma_wait3A_117, %dma_wait3A_118] : memref<5x80x128xbf16, #tpu.memory_space<vmem>> -> memref<1x80x128xbf16, #tpu.memory_space<vmem>>
      %dma_wait3A_120 = tpu.memref_squeeze %dma_wait3A_119 : memref<1x80x128xbf16, #tpu.memory_space<vmem>> -> memref<80x128xbf16, #tpu.memory_space<vmem>>
      %dma_wait3A_121 = tpu.memref_slice %arg6[%mul3A_116] : memref<10000xi32, #tpu.memory_space<vmem>> -> memref<80xi32, #tpu.memory_space<vmem>>
      %dma_wait3A_122 = arith.constant 0 : i32
      %dma_wait3A_123 = arith.constant 0 : i32
      %dma_wait3A_124 = tpu.memref_slice %arg2[%dma_wait3A_122, %dma_wait3A_123] : memref<10000x128xbf16, #tpu.memory_space<hbm>> -> memref<10000x128xbf16, #tpu.memory_space<hbm>>
      tpu.wait_indirect_dma semaphore(%arg11 : memref<!tpu.dma_semaphore, #tpu.memory_space<semaphore_mem>>) src(%dma_wait3A_124 : memref<10000x128xbf16, #tpu.memory_space<hbm>>) dst(%dma_wait3A_120 : memref<80x128xbf16, #tpu.memory_space<vmem>>)
      %mul3A_125 = arith.constant 80 : i32
      %mul3A_126 = arith.muli %add3A_114, %mul3A_125 : i32
      %dma_wait3A_127 = arith.constant 0 : i32
      %dma_wait3A_128 = arith.constant 0 : i32
      %dma_wait3A_129 = arith.constant 0 : i32
      %dma_wait3A_130 = tpu.memref_slice %arg9[%dma_wait3A_127, %dma_wait3A_128, %dma_wait3A_129] : memref<5x80x128xbf16, #tpu.memory_space<vmem>> -> memref<1x80x128xbf16, #tpu.memory_space<vmem>>
      %dma_wait3A_131 = tpu.memref_squeeze %dma_wait3A_130 : memref<1x80x128xbf16, #tpu.memory_space<vmem>> -> memref<80x128xbf16, #tpu.memory_space<vmem>>
      %dma_wait3A_132 = tpu.memref_slice %arg7[%mul3A_126] : memref<10000xi32, #tpu.memory_space<vmem>> -> memref<80xi32, #tpu.memory_space<vmem>>
      %dma_wait3A_133 = arith.constant 0 : i32
      %dma_wait3A_134 = arith.constant 0 : i32
      %dma_wait3A_135 = tpu.memref_slice %arg3[%dma_wait3A_133, %dma_wait3A_134] : memref<10000x128xbf16, #tpu.memory_space<hbm>> -> memref<10000x128xbf16, #tpu.memory_space<hbm>>
      tpu.wait_indirect_dma semaphore(%arg11 : memref<!tpu.dma_semaphore, #tpu.memory_space<semaphore_mem>>) src(%dma_wait3A_135 : memref<10000x128xbf16, #tpu.memory_space<hbm>>) dst(%dma_wait3A_131 : memref<80x128xbf16, #tpu.memory_space<vmem>>)
      %mul3A_136 = arith.constant 80 : i32
      %mul3A_137 = arith.muli %add3A_114, %mul3A_136 : i32
      %parallel_loop3A = arith.constant 0 : i32
      %parallel_loop3A_138 = arith.constant 80 : i32
      %parallel_loop3A_139 = arith.constant 1 : i32
      scf.for %parallel_loop3A_296 = %parallel_loop3A to %parallel_loop3A_138 step %parallel_loop3A_139  : i32 {
        %parallel_loop3A_297 = arith.constant 0 : i32
        %parallel_loop3A_298 = arith.index_cast %parallel_loop3A_297 : i32 to index
        %parallel_loop3A_299 = arith.index_cast %parallel_loop3A_296 : i32 to index
        %parallel_loop3A_300 = arith.constant 0 : index
        %parallel_loop3A_301 = tpu.vector_load %arg8[%parallel_loop3A_298, %parallel_loop3A_299, %parallel_loop3A_300] {strides = array<i32>} : memref<5x80x128xbf16, #tpu.memory_space<vmem>>, vector<32xbf16>,
        %parallel_loop3A_302 = arith.constant 0 : i32
        %parallel_loop3A_303 = arith.index_cast %parallel_loop3A_302 : i32 to index
        %parallel_loop3A_304 = arith.index_cast %parallel_loop3A_296 : i32 to index
        %parallel_loop3A_305 = arith.constant 0 : index
        %parallel_loop3A_306 = tpu.vector_load %arg9[%parallel_loop3A_303, %parallel_loop3A_304, %parallel_loop3A_305] {strides = array<i32>} : memref<5x80x128xbf16, #tpu.memory_space<vmem>>, vector<32xbf16>,
        %parallel_loop3A_307 = arith.mulf %parallel_loop3A_301, %parallel_loop3A_306 : vector<32xbf16>
        %parallel_loop3A_308 = arith.constant 0 : i32
        %parallel_loop3A_309 = arith.index_cast %parallel_loop3A_308 : i32 to index
        %parallel_loop3A_310 = arith.index_cast %parallel_loop3A_296 : i32 to index
        %parallel_loop3A_311 = arith.constant 32 : index
        %parallel_loop3A_312 = tpu.vector_load %arg8[%parallel_loop3A_309, %parallel_loop3A_310, %parallel_loop3A_311] {strides = array<i32>} : memref<5x80x128xbf16, #tpu.memory_space<vmem>>, vector<32xbf16>,
        %parallel_loop3A_313 = arith.constant 0 : i32
        %parallel_loop3A_314 = arith.index_cast %parallel_loop3A_313 : i32 to index
        %parallel_loop3A_315 = arith.index_cast %parallel_loop3A_296 : i32 to index
        %parallel_loop3A_316 = arith.constant 32 : index
        %parallel_loop3A_317 = tpu.vector_load %arg9[%parallel_loop3A_314, %parallel_loop3A_315, %parallel_loop3A_316] {strides = array<i32>} : memref<5x80x128xbf16, #tpu.memory_space<vmem>>, vector<32xbf16>,
        %parallel_loop3A_318 = arith.mulf %parallel_loop3A_312, %parallel_loop3A_317 : vector<32xbf16>
        %parallel_loop3A_319 = arith.addf %parallel_loop3A_307, %parallel_loop3A_318 : vector<32xbf16>
        %parallel_loop3A_320 = tpu.unpack_subelements %parallel_loop3A_319, 0 {pack_format = #tpu.pack_format<interleaved>} : vector<32xbf16> -> vector<16xf32>
        %parallel_loop3A_321 = tpu.unpack_subelements %parallel_loop3A_319, 1 {pack_format = #tpu.pack_format<interleaved>} : vector<32xbf16> -> vector<16xf32>
        %parallel_loop3A_322 = arith.addf %parallel_loop3A_320, %parallel_loop3A_321 : vector<16xf32>
        %parallel_loop3A_323 = arith.constant 0 : i32
        %parallel_loop3A_324 = arith.index_cast %parallel_loop3A_323 : i32 to index
        %parallel_loop3A_325 = arith.index_cast %parallel_loop3A_296 : i32 to index
        %parallel_loop3A_326 = arith.constant 64 : index
        %parallel_loop3A_327 = tpu.vector_load %arg8[%parallel_loop3A_324, %parallel_loop3A_325, %parallel_loop3A_326] {strides = array<i32>} : memref<5x80x128xbf16, #tpu.memory_space<vmem>>, vector<32xbf16>,
        %parallel_loop3A_328 = arith.constant 0 : i32
        %parallel_loop3A_329 = arith.index_cast %parallel_loop3A_328 : i32 to index
        %parallel_loop3A_330 = arith.index_cast %parallel_loop3A_296 : i32 to index
        %parallel_loop3A_331 = arith.constant 64 : index
        %parallel_loop3A_332 = tpu.vector_load %arg9[%parallel_loop3A_329, %parallel_loop3A_330, %parallel_loop3A_331] {strides = array<i32>} : memref<5x80x128xbf16, #tpu.memory_space<vmem>>, vector<32xbf16>,
        %parallel_loop3A_333 = arith.mulf %parallel_loop3A_327, %parallel_loop3A_332 : vector<32xbf16>
        %parallel_loop3A_334 = arith.constant 0 : i32
        %parallel_loop3A_335 = arith.index_cast %parallel_loop3A_334 : i32 to index
        %parallel_loop3A_336 = arith.index_cast %parallel_loop3A_296 : i32 to index
        %parallel_loop3A_337 = arith.constant 96 : index
        %parallel_loop3A_338 = tpu.vector_load %arg8[%parallel_loop3A_335, %parallel_loop3A_336, %parallel_loop3A_337] {strides = array<i32>} : memref<5x80x128xbf16, #tpu.memory_space<vmem>>, vector<32xbf16>,
        %parallel_loop3A_339 = arith.constant 0 : i32
        %parallel_loop3A_340 = arith.index_cast %parallel_loop3A_339 : i32 to index
        %parallel_loop3A_341 = arith.index_cast %parallel_loop3A_296 : i32 to index
        %parallel_loop3A_342 = arith.constant 96 : index
        %parallel_loop3A_343 = tpu.vector_load %arg9[%parallel_loop3A_340, %parallel_loop3A_341, %parallel_loop3A_342] {strides = array<i32>} : memref<5x80x128xbf16, #tpu.memory_space<vmem>>, vector<32xbf16>,
        %parallel_loop3A_344 = arith.mulf %parallel_loop3A_338, %parallel_loop3A_343 : vector<32xbf16>
        %parallel_loop3A_345 = arith.addf %parallel_loop3A_333, %parallel_loop3A_344 : vector<32xbf16>
        %parallel_loop3A_346 = tpu.unpack_subelements %parallel_loop3A_345, 0 {pack_format = #tpu.pack_format<interleaved>} : vector<32xbf16> -> vector<16xf32>
        %parallel_loop3A_347 = tpu.unpack_subelements %parallel_loop3A_345, 1 {pack_format = #tpu.pack_format<interleaved>} : vector<32xbf16> -> vector<16xf32>
        %parallel_loop3A_348 = arith.addf %parallel_loop3A_322, %parallel_loop3A_346 : vector<16xf32>
        %parallel_loop3A_349 = arith.addf %parallel_loop3A_348, %parallel_loop3A_347 : vector<16xf32>
        %parallel_loop3A_350 = arith.constant true
        %parallel_loop3A_351 = vector.broadcast %parallel_loop3A_350 : i1 to vector<16xi1>
        %parallel_loop3A_352 = tpu.scan <sum>, %parallel_loop3A_349 masked %parallel_loop3A_351 : vector<16xf32>, vector<16xi1> -> vector<16xf32>
        %parallel_loop3A_353 = arith.addi %mul3A_137, %parallel_loop3A_296 : i32
        %parallel_loop3A_354 = vector.broadcast %parallel_loop3A_353 : i32 to vector<16xi32>
        tpu.vector_store_idx %arg10[%parallel_loop3A_354], %parallel_loop3A_352 masked %eq3A_4 : memref<10000xf32, #tpu.memory_space<vmem>>[vector<16xi32>], vector<16xf32>, vector<16xi1>
      } {sc.loop_unroll_factor = 8 : i64, sc.parallel_access}
      %add3A_140 = arith.constant 5 : i32
      %add3A_141 = arith.addi %add3A_114, %add3A_140 : i32
      %lt3A = arith.constant 125 : i32
      %lt3A_142 = arith.cmpi slt, %add3A_141, %lt3A : i32
      %convert_element_type3A = arith.extui %lt3A_142 : i1 to i32
      %cond3A = arith.constant 0 : i32
      %cond3A_143 = arith.cmpi ne, %convert_element_type3A, %cond3A : i32
      scf.if %cond3A_143 {
        %add3A_296 = arith.constant 5 : i32
        %add3A_297 = arith.addi %add3A_114, %add3A_296 : i32
        %mul3A_298 = arith.constant 80 : i32
        %mul3A_299 = arith.muli %add3A_297, %mul3A_298 : i32
        %dma_start3A_300 = arith.constant 0 : i32
        %dma_start3A_301 = arith.constant 0 : i32
        %dma_start3A_302 = arith.constant 0 : i32
        %dma_start3A_303 = tpu.memref_slice %arg8[%dma_start3A_300, %dma_start3A_301, %dma_start3A_302] : memref<5x80x128xbf16, #tpu.memory_space<vmem>> -> memref<1x80x128xbf16, #tpu.memory_space<vmem>>
        %dma_start3A_304 = tpu.memref_squeeze %dma_start3A_303 : memref<1x80x128xbf16, #tpu.memory_space<vmem>> -> memref<80x128xbf16, #tpu.memory_space<vmem>>
        %dma_start3A_305 = tpu.memref_slice %arg6[%mul3A_299] : memref<10000xi32, #tpu.memory_space<vmem>> -> memref<80xi32, #tpu.memory_space<vmem>>
        %dma_start3A_306 = arith.constant 0 : i32
        %dma_start3A_307 = arith.constant 0 : i32
        %dma_start3A_308 = tpu.memref_slice %arg2[%dma_start3A_306, %dma_start3A_307] : memref<10000x128xbf16, #tpu.memory_space<hbm>> -> memref<10000x128xbf16, #tpu.memory_space<hbm>>
        tpu.enqueue_indirect_dma source(%dma_start3A_308 : memref<10000x128xbf16, #tpu.memory_space<hbm>>) target(%dma_start3A_304 : memref<80x128xbf16, #tpu.memory_space<vmem>>) offsets(%dma_start3A_305 : memref<80xi32, #tpu.memory_space<vmem>>) semaphore(%arg11 : memref<!tpu.dma_semaphore, #tpu.memory_space<semaphore_mem>>)
        %mul3A_309 = arith.constant 80 : i32
        %mul3A_310 = arith.muli %add3A_297, %mul3A_309 : i32
        %dma_start3A_311 = arith.constant 0 : i32
        %dma_start3A_312 = arith.constant 0 : i32
        %dma_start3A_313 = arith.constant 0 : i32
        %dma_start3A_314 = tpu.memref_slice %arg9[%dma_start3A_311, %dma_start3A_312, %dma_start3A_313] : memref<5x80x128xbf16, #tpu.memory_space<vmem>> -> memref<1x80x128xbf16, #tpu.memory_space<vmem>>
        %dma_start3A_315 = tpu.memref_squeeze %dma_start3A_314 : memref<1x80x128xbf16, #tpu.memory_space<vmem>> -> memref<80x128xbf16, #tpu.memory_space<vmem>>
        %dma_start3A_316 = tpu.memref_slice %arg7[%mul3A_310] : memref<10000xi32, #tpu.memory_space<vmem>> -> memref<80xi32, #tpu.memory_space<vmem>>
        %dma_start3A_317 = arith.constant 0 : i32
        %dma_start3A_318 = arith.constant 0 : i32
        %dma_start3A_319 = tpu.memref_slice %arg3[%dma_start3A_317, %dma_start3A_318] : memref<10000x128xbf16, #tpu.memory_space<hbm>> -> memref<10000x128xbf16, #tpu.memory_space<hbm>>
        tpu.enqueue_indirect_dma source(%dma_start3A_319 : memref<10000x128xbf16, #tpu.memory_space<hbm>>) target(%dma_start3A_315 : memref<80x128xbf16, #tpu.memory_space<vmem>>) offsets(%dma_start3A_316 : memref<80xi32, #tpu.memory_space<vmem>>) semaphore(%arg11 : memref<!tpu.dma_semaphore, #tpu.memory_space<semaphore_mem>>)
      } else {
      }
      %mul3A_144 = arith.constant 5 : i32
      %mul3A_145 = arith.muli %mul3A_144, %scan3A_110 : i32
      %add3A_146 = arith.constant 1 : i32
      %add3A_147 = arith.addi %mul3A_145, %add3A_146 : i32
      %mul3A_148 = arith.constant 80 : i32
      %mul3A_149 = arith.muli %add3A_147, %mul3A_148 : i32
      %dma_wait3A_150 = arith.constant 1 : i32
      %dma_wait3A_151 = arith.constant 0 : i32
      %dma_wait3A_152 = arith.constant 0 : i32
      %dma_wait3A_153 = tpu.memref_slice %arg8[%dma_wait3A_150, %dma_wait3A_151, %dma_wait3A_152] : memref<5x80x128xbf16, #tpu.memory_space<vmem>> -> memref<1x80x128xbf16, #tpu.memory_space<vmem>>
      %dma_wait3A_154 = tpu.memref_squeeze %dma_wait3A_153 : memref<1x80x128xbf16, #tpu.memory_space<vmem>> -> memref<80x128xbf16, #tpu.memory_space<vmem>>
      %dma_wait3A_155 = tpu.memref_slice %arg6[%mul3A_149] : memref<10000xi32, #tpu.memory_space<vmem>> -> memref<80xi32, #tpu.memory_space<vmem>>
      %dma_wait3A_156 = arith.constant 0 : i32
      %dma_wait3A_157 = arith.constant 0 : i32
      %dma_wait3A_158 = tpu.memref_slice %arg2[%dma_wait3A_156, %dma_wait3A_157] : memref<10000x128xbf16, #tpu.memory_space<hbm>> -> memref<10000x128xbf16, #tpu.memory_space<hbm>>
      tpu.wait_indirect_dma semaphore(%arg12 : memref<!tpu.dma_semaphore, #tpu.memory_space<semaphore_mem>>) src(%dma_wait3A_158 : memref<10000x128xbf16, #tpu.memory_space<hbm>>) dst(%dma_wait3A_154 : memref<80x128xbf16, #tpu.memory_space<vmem>>)
      %mul3A_159 = arith.constant 80 : i32
      %mul3A_160 = arith.muli %add3A_147, %mul3A_159 : i32
      %dma_wait3A_161 = arith.constant 1 : i32
      %dma_wait3A_162 = arith.constant 0 : i32
      %dma_wait3A_163 = arith.constant 0 : i32
      %dma_wait3A_164 = tpu.memref_slice %arg9[%dma_wait3A_161, %dma_wait3A_162, %dma_wait3A_163] : memref<5x80x128xbf16, #tpu.memory_space<vmem>> -> memref<1x80x128xbf16, #tpu.memory_space<vmem>>
      %dma_wait3A_165 = tpu.memref_squeeze %dma_wait3A_164 : memref<1x80x128xbf16, #tpu.memory_space<vmem>> -> memref<80x128xbf16, #tpu.memory_space<vmem>>
      %dma_wait3A_166 = tpu.memref_slice %arg7[%mul3A_160] : memref<10000xi32, #tpu.memory_space<vmem>> -> memref<80xi32, #tpu.memory_space<vmem>>
      %dma_wait3A_167 = arith.constant 0 : i32
      %dma_wait3A_168 = arith.constant 0 : i32
      %dma_wait3A_169 = tpu.memref_slice %arg3[%dma_wait3A_167, %dma_wait3A_168] : memref<10000x128xbf16, #tpu.memory_space<hbm>> -> memref<10000x128xbf16, #tpu.memory_space<hbm>>
      tpu.wait_indirect_dma semaphore(%arg12 : memref<!tpu.dma_semaphore, #tpu.memory_space<semaphore_mem>>) src(%dma_wait3A_169 : memref<10000x128xbf16, #tpu.memory_space<hbm>>) dst(%dma_wait3A_165 : memref<80x128xbf16, #tpu.memory_space<vmem>>)
      %mul3A_170 = arith.constant 80 : i32
      %mul3A_171 = arith.muli %add3A_147, %mul3A_170 : i32
      %parallel_loop3A_172 = arith.constant 0 : i32
      %parallel_loop3A_173 = arith.constant 80 : i32
      %parallel_loop3A_174 = arith.constant 1 : i32
      scf.for %parallel_loop3A_296 = %parallel_loop3A_172 to %parallel_loop3A_173 step %parallel_loop3A_174  : i32 {
        %parallel_loop3A_297 = arith.constant 1 : i32
        %parallel_loop3A_298 = arith.index_cast %parallel_loop3A_297 : i32 to index
        %parallel_loop3A_299 = arith.index_cast %parallel_loop3A_296 : i32 to index
        %parallel_loop3A_300 = arith.constant 0 : index
        %parallel_loop3A_301 = tpu.vector_load %arg8[%parallel_loop3A_298, %parallel_loop3A_299, %parallel_loop3A_300] {strides = array<i32>} : memref<5x80x128xbf16, #tpu.memory_space<vmem>>, vector<32xbf16>,
        %parallel_loop3A_302 = arith.constant 1 : i32
        %parallel_loop3A_303 = arith.index_cast %parallel_loop3A_302 : i32 to index
        %parallel_loop3A_304 = arith.index_cast %parallel_loop3A_296 : i32 to index
        %parallel_loop3A_305 = arith.constant 0 : index
        %parallel_loop3A_306 = tpu.vector_load %arg9[%parallel_loop3A_303, %parallel_loop3A_304, %parallel_loop3A_305] {strides = array<i32>} : memref<5x80x128xbf16, #tpu.memory_space<vmem>>, vector<32xbf16>,
        %parallel_loop3A_307 = arith.mulf %parallel_loop3A_301, %parallel_loop3A_306 : vector<32xbf16>
        %parallel_loop3A_308 = arith.constant 1 : i32
        %parallel_loop3A_309 = arith.index_cast %parallel_loop3A_308 : i32 to index
        %parallel_loop3A_310 = arith.index_cast %parallel_loop3A_296 : i32 to index
        %parallel_loop3A_311 = arith.constant 32 : index
        %parallel_loop3A_312 = tpu.vector_load %arg8[%parallel_loop3A_309, %parallel_loop3A_310, %parallel_loop3A_311] {strides = array<i32>} : memref<5x80x128xbf16, #tpu.memory_space<vmem>>, vector<32xbf16>,
        %parallel_loop3A_313 = arith.constant 1 : i32
        %parallel_loop3A_314 = arith.index_cast %parallel_loop3A_313 : i32 to index
        %parallel_loop3A_315 = arith.index_cast %parallel_loop3A_296 : i32 to index
        %parallel_loop3A_316 = arith.constant 32 : index
        %parallel_loop3A_317 = tpu.vector_load %arg9[%parallel_loop3A_314, %parallel_loop3A_315, %parallel_loop3A_316] {strides = array<i32>} : memref<5x80x128xbf16, #tpu.memory_space<vmem>>, vector<32xbf16>,
        %parallel_loop3A_318 = arith.mulf %parallel_loop3A_312, %parallel_loop3A_317 : vector<32xbf16>
        %parallel_loop3A_319 = arith.addf %parallel_loop3A_307, %parallel_loop3A_318 : vector<32xbf16>
        %parallel_loop3A_320 = tpu.unpack_subelements %parallel_loop3A_319, 0 {pack_format = #tpu.pack_format<interleaved>} : vector<32xbf16> -> vector<16xf32>
        %parallel_loop3A_321 = tpu.unpack_subelements %parallel_loop3A_319, 1 {pack_format = #tpu.pack_format<interleaved>} : vector<32xbf16> -> vector<16xf32>
        %parallel_loop3A_322 = arith.addf %parallel_loop3A_320, %parallel_loop3A_321 : vector<16xf32>
        %parallel_loop3A_323 = arith.constant 1 : i32
        %parallel_loop3A_324 = arith.index_cast %parallel_loop3A_323 : i32 to index
        %parallel_loop3A_325 = arith.index_cast %parallel_loop3A_296 : i32 to index
        %parallel_loop3A_326 = arith.constant 64 : index
        %parallel_loop3A_327 = tpu.vector_load %arg8[%parallel_loop3A_324, %parallel_loop3A_325, %parallel_loop3A_326] {strides = array<i32>} : memref<5x80x128xbf16, #tpu.memory_space<vmem>>, vector<32xbf16>,
        %parallel_loop3A_328 = arith.constant 1 : i32
        %parallel_loop3A_329 = arith.index_cast %parallel_loop3A_328 : i32 to index
        %parallel_loop3A_330 = arith.index_cast %parallel_loop3A_296 : i32 to index
        %parallel_loop3A_331 = arith.constant 64 : index
        %parallel_loop3A_332 = tpu.vector_load %arg9[%parallel_loop3A_329, %parallel_loop3A_330, %parallel_loop3A_331] {strides = array<i32>} : memref<5x80x128xbf16, #tpu.memory_space<vmem>>, vector<32xbf16>,
        %parallel_loop3A_333 = arith.mulf %parallel_loop3A_327, %parallel_loop3A_332 : vector<32xbf16>
        %parallel_loop3A_334 = arith.constant 1 : i32
        %parallel_loop3A_335 = arith.index_cast %parallel_loop3A_334 : i32 to index
        %parallel_loop3A_336 = arith.index_cast %parallel_loop3A_296 : i32 to index
        %parallel_loop3A_337 = arith.constant 96 : index
        %parallel_loop3A_338 = tpu.vector_load %arg8[%parallel_loop3A_335, %parallel_loop3A_336, %parallel_loop3A_337] {strides = array<i32>} : memref<5x80x128xbf16, #tpu.memory_space<vmem>>, vector<32xbf16>,
        %parallel_loop3A_339 = arith.constant 1 : i32
        %parallel_loop3A_340 = arith.index_cast %parallel_loop3A_339 : i32 to index
        %parallel_loop3A_341 = arith.index_cast %parallel_loop3A_296 : i32 to index
        %parallel_loop3A_342 = arith.constant 96 : index
        %parallel_loop3A_343 = tpu.vector_load %arg9[%parallel_loop3A_340, %parallel_loop3A_341, %parallel_loop3A_342] {strides = array<i32>} : memref<5x80x128xbf16, #tpu.memory_space<vmem>>, vector<32xbf16>,
        %parallel_loop3A_344 = arith.mulf %parallel_loop3A_338, %parallel_loop3A_343 : vector<32xbf16>
        %parallel_loop3A_345 = arith.addf %parallel_loop3A_333, %parallel_loop3A_344 : vector<32xbf16>
        %parallel_loop3A_346 = tpu.unpack_subelements %parallel_loop3A_345, 0 {pack_format = #tpu.pack_format<interleaved>} : vector<32xbf16> -> vector<16xf32>
        %parallel_loop3A_347 = tpu.unpack_subelements %parallel_loop3A_345, 1 {pack_format = #tpu.pack_format<interleaved>} : vector<32xbf16> -> vector<16xf32>
        %parallel_loop3A_348 = arith.addf %parallel_loop3A_322, %parallel_loop3A_346 : vector<16xf32>
        %parallel_loop3A_349 = arith.addf %parallel_loop3A_348, %parallel_loop3A_347 : vector<16xf32>
        %parallel_loop3A_350 = arith.constant true
        %parallel_loop3A_351 = vector.broadcast %parallel_loop3A_350 : i1 to vector<16xi1>
        %parallel_loop3A_352 = tpu.scan <sum>, %parallel_loop3A_349 masked %parallel_loop3A_351 : vector<16xf32>, vector<16xi1> -> vector<16xf32>
        %parallel_loop3A_353 = arith.addi %mul3A_171, %parallel_loop3A_296 : i32
        %parallel_loop3A_354 = vector.broadcast %parallel_loop3A_353 : i32 to vector<16xi32>
        tpu.vector_store_idx %arg10[%parallel_loop3A_354], %parallel_loop3A_352 masked %eq3A_4 : memref<10000xf32, #tpu.memory_space<vmem>>[vector<16xi32>], vector<16xf32>, vector<16xi1>
      } {sc.loop_unroll_factor = 8 : i64, sc.parallel_access}
      %add3A_175 = arith.constant 5 : i32
      %add3A_176 = arith.addi %add3A_147, %add3A_175 : i32
      %lt3A_177 = arith.constant 125 : i32
      %lt3A_178 = arith.cmpi slt, %add3A_176, %lt3A_177 : i32
      %convert_element_type3A_179 = arith.extui %lt3A_178 : i1 to i32
      %cond3A_180 = arith.constant 0 : i32
      %cond3A_181 = arith.cmpi ne, %convert_element_type3A_179, %cond3A_180 : i32
      scf.if %cond3A_181 {
        %add3A_296 = arith.constant 5 : i32
        %add3A_297 = arith.addi %add3A_147, %add3A_296 : i32
        %mul3A_298 = arith.constant 80 : i32
        %mul3A_299 = arith.muli %add3A_297, %mul3A_298 : i32
        %dma_start3A_300 = arith.constant 1 : i32
        %dma_start3A_301 = arith.constant 0 : i32
        %dma_start3A_302 = arith.constant 0 : i32
        %dma_start3A_303 = tpu.memref_slice %arg8[%dma_start3A_300, %dma_start3A_301, %dma_start3A_302] : memref<5x80x128xbf16, #tpu.memory_space<vmem>> -> memref<1x80x128xbf16, #tpu.memory_space<vmem>>
        %dma_start3A_304 = tpu.memref_squeeze %dma_start3A_303 : memref<1x80x128xbf16, #tpu.memory_space<vmem>> -> memref<80x128xbf16, #tpu.memory_space<vmem>>
        %dma_start3A_305 = tpu.memref_slice %arg6[%mul3A_299] : memref<10000xi32, #tpu.memory_space<vmem>> -> memref<80xi32, #tpu.memory_space<vmem>>
        %dma_start3A_306 = arith.constant 0 : i32
        %dma_start3A_307 = arith.constant 0 : i32
        %dma_start3A_308 = tpu.memref_slice %arg2[%dma_start3A_306, %dma_start3A_307] : memref<10000x128xbf16, #tpu.memory_space<hbm>> -> memref<10000x128xbf16, #tpu.memory_space<hbm>>
        tpu.enqueue_indirect_dma source(%dma_start3A_308 : memref<10000x128xbf16, #tpu.memory_space<hbm>>) target(%dma_start3A_304 : memref<80x128xbf16, #tpu.memory_space<vmem>>) offsets(%dma_start3A_305 : memref<80xi32, #tpu.memory_space<vmem>>) semaphore(%arg12 : memref<!tpu.dma_semaphore, #tpu.memory_space<semaphore_mem>>)
        %mul3A_309 = arith.constant 80 : i32
        %mul3A_310 = arith.muli %add3A_297, %mul3A_309 : i32
        %dma_start3A_311 = arith.constant 1 : i32
        %dma_start3A_312 = arith.constant 0 : i32
        %dma_start3A_313 = arith.constant 0 : i32
        %dma_start3A_314 = tpu.memref_slice %arg9[%dma_start3A_311, %dma_start3A_312, %dma_start3A_313] : memref<5x80x128xbf16, #tpu.memory_space<vmem>> -> memref<1x80x128xbf16, #tpu.memory_space<vmem>>
        %dma_start3A_315 = tpu.memref_squeeze %dma_start3A_314 : memref<1x80x128xbf16, #tpu.memory_space<vmem>> -> memref<80x128xbf16, #tpu.memory_space<vmem>>
        %dma_start3A_316 = tpu.memref_slice %arg7[%mul3A_310] : memref<10000xi32, #tpu.memory_space<vmem>> -> memref<80xi32, #tpu.memory_space<vmem>>
        %dma_start3A_317 = arith.constant 0 : i32
        %dma_start3A_318 = arith.constant 0 : i32
        %dma_start3A_319 = tpu.memref_slice %arg3[%dma_start3A_317, %dma_start3A_318] : memref<10000x128xbf16, #tpu.memory_space<hbm>> -> memref<10000x128xbf16, #tpu.memory_space<hbm>>
        tpu.enqueue_indirect_dma source(%dma_start3A_319 : memref<10000x128xbf16, #tpu.memory_space<hbm>>) target(%dma_start3A_315 : memref<80x128xbf16, #tpu.memory_space<vmem>>) offsets(%dma_start3A_316 : memref<80xi32, #tpu.memory_space<vmem>>) semaphore(%arg12 : memref<!tpu.dma_semaphore, #tpu.memory_space<semaphore_mem>>)
      } else {
      }
      %mul3A_182 = arith.constant 5 : i32
      %mul3A_183 = arith.muli %mul3A_182, %scan3A_110 : i32
      %add3A_184 = arith.constant 2 : i32
      %add3A_185 = arith.addi %mul3A_183, %add3A_184 : i32
      %mul3A_186 = arith.constant 80 : i32
      %mul3A_187 = arith.muli %add3A_185, %mul3A_186 : i32
      %dma_wait3A_188 = arith.constant 2 : i32
      %dma_wait3A_189 = arith.constant 0 : i32
      %dma_wait3A_190 = arith.constant 0 : i32
      %dma_wait3A_191 = tpu.memref_slice %arg8[%dma_wait3A_188, %dma_wait3A_189, %dma_wait3A_190] : memref<5x80x128xbf16, #tpu.memory_space<vmem>> -> memref<1x80x128xbf16, #tpu.memory_space<vmem>>
      %dma_wait3A_192 = tpu.memref_squeeze %dma_wait3A_191 : memref<1x80x128xbf16, #tpu.memory_space<vmem>> -> memref<80x128xbf16, #tpu.memory_space<vmem>>
      %dma_wait3A_193 = tpu.memref_slice %arg6[%mul3A_187] : memref<10000xi32, #tpu.memory_space<vmem>> -> memref<80xi32, #tpu.memory_space<vmem>>
      %dma_wait3A_194 = arith.constant 0 : i32
      %dma_wait3A_195 = arith.constant 0 : i32
      %dma_wait3A_196 = tpu.memref_slice %arg2[%dma_wait3A_194, %dma_wait3A_195] : memref<10000x128xbf16, #tpu.memory_space<hbm>> -> memref<10000x128xbf16, #tpu.memory_space<hbm>>
      tpu.wait_indirect_dma semaphore(%arg13 : memref<!tpu.dma_semaphore, #tpu.memory_space<semaphore_mem>>) src(%dma_wait3A_196 : memref<10000x128xbf16, #tpu.memory_space<hbm>>) dst(%dma_wait3A_192 : memref<80x128xbf16, #tpu.memory_space<vmem>>)
      %mul3A_197 = arith.constant 80 : i32
      %mul3A_198 = arith.muli %add3A_185, %mul3A_197 : i32
      %dma_wait3A_199 = arith.constant 2 : i32
      %dma_wait3A_200 = arith.constant 0 : i32
      %dma_wait3A_201 = arith.constant 0 : i32
      %dma_wait3A_202 = tpu.memref_slice %arg9[%dma_wait3A_199, %dma_wait3A_200, %dma_wait3A_201] : memref<5x80x128xbf16, #tpu.memory_space<vmem>> -> memref<1x80x128xbf16, #tpu.memory_space<vmem>>
      %dma_wait3A_203 = tpu.memref_squeeze %dma_wait3A_202 : memref<1x80x128xbf16, #tpu.memory_space<vmem>> -> memref<80x128xbf16, #tpu.memory_space<vmem>>
      %dma_wait3A_204 = tpu.memref_slice %arg7[%mul3A_198] : memref<10000xi32, #tpu.memory_space<vmem>> -> memref<80xi32, #tpu.memory_space<vmem>>
      %dma_wait3A_205 = arith.constant 0 : i32
      %dma_wait3A_206 = arith.constant 0 : i32
      %dma_wait3A_207 = tpu.memref_slice %arg3[%dma_wait3A_205, %dma_wait3A_206] : memref<10000x128xbf16, #tpu.memory_space<hbm>> -> memref<10000x128xbf16, #tpu.memory_space<hbm>>
      tpu.wait_indirect_dma semaphore(%arg13 : memref<!tpu.dma_semaphore, #tpu.memory_space<semaphore_mem>>) src(%dma_wait3A_207 : memref<10000x128xbf16, #tpu.memory_space<hbm>>) dst(%dma_wait3A_203 : memref<80x128xbf16, #tpu.memory_space<vmem>>)
      %mul3A_208 = arith.constant 80 : i32
      %mul3A_209 = arith.muli %add3A_185, %mul3A_208 : i32
      %parallel_loop3A_210 = arith.constant 0 : i32
      %parallel_loop3A_211 = arith.constant 80 : i32
      %parallel_loop3A_212 = arith.constant 1 : i32
      scf.for %parallel_loop3A_296 = %parallel_loop3A_210 to %parallel_loop3A_211 step %parallel_loop3A_212  : i32 {
        %parallel_loop3A_297 = arith.constant 2 : i32
        %parallel_loop3A_298 = arith.index_cast %parallel_loop3A_297 : i32 to index
        %parallel_loop3A_299 = arith.index_cast %parallel_loop3A_296 : i32 to index
        %parallel_loop3A_300 = arith.constant 0 : index
        %parallel_loop3A_301 = tpu.vector_load %arg8[%parallel_loop3A_298, %parallel_loop3A_299, %parallel_loop3A_300] {strides = array<i32>} : memref<5x80x128xbf16, #tpu.memory_space<vmem>>, vector<32xbf16>,
        %parallel_loop3A_302 = arith.constant 2 : i32
        %parallel_loop3A_303 = arith.index_cast %parallel_loop3A_302 : i32 to index
        %parallel_loop3A_304 = arith.index_cast %parallel_loop3A_296 : i32 to index
        %parallel_loop3A_305 = arith.constant 0 : index
        %parallel_loop3A_306 = tpu.vector_load %arg9[%parallel_loop3A_303, %parallel_loop3A_304, %parallel_loop3A_305] {strides = array<i32>} : memref<5x80x128xbf16, #tpu.memory_space<vmem>>, vector<32xbf16>,
        %parallel_loop3A_307 = arith.mulf %parallel_loop3A_301, %parallel_loop3A_306 : vector<32xbf16>
        %parallel_loop3A_308 = arith.constant 2 : i32
        %parallel_loop3A_309 = arith.index_cast %parallel_loop3A_308 : i32 to index
        %parallel_loop3A_310 = arith.index_cast %parallel_loop3A_296 : i32 to index
        %parallel_loop3A_311 = arith.constant 32 : index
        %parallel_loop3A_312 = tpu.vector_load %arg8[%parallel_loop3A_309, %parallel_loop3A_310, %parallel_loop3A_311] {strides = array<i32>} : memref<5x80x128xbf16, #tpu.memory_space<vmem>>, vector<32xbf16>,
        %parallel_loop3A_313 = arith.constant 2 : i32
        %parallel_loop3A_314 = arith.index_cast %parallel_loop3A_313 : i32 to index
        %parallel_loop3A_315 = arith.index_cast %parallel_loop3A_296 : i32 to index
        %parallel_loop3A_316 = arith.constant 32 : index
        %parallel_loop3A_317 = tpu.vector_load %arg9[%parallel_loop3A_314, %parallel_loop3A_315, %parallel_loop3A_316] {strides = array<i32>} : memref<5x80x128xbf16, #tpu.memory_space<vmem>>, vector<32xbf16>,
        %parallel_loop3A_318 = arith.mulf %parallel_loop3A_312, %parallel_loop3A_317 : vector<32xbf16>
        %parallel_loop3A_319 = arith.addf %parallel_loop3A_307, %parallel_loop3A_318 : vector<32xbf16>
        %parallel_loop3A_320 = tpu.unpack_subelements %parallel_loop3A_319, 0 {pack_format = #tpu.pack_format<interleaved>} : vector<32xbf16> -> vector<16xf32>
        %parallel_loop3A_321 = tpu.unpack_subelements %parallel_loop3A_319, 1 {pack_format = #tpu.pack_format<interleaved>} : vector<32xbf16> -> vector<16xf32>
        %parallel_loop3A_322 = arith.addf %parallel_loop3A_320, %parallel_loop3A_321 : vector<16xf32>
        %parallel_loop3A_323 = arith.constant 2 : i32
        %parallel_loop3A_324 = arith.index_cast %parallel_loop3A_323 : i32 to index
        %parallel_loop3A_325 = arith.index_cast %parallel_loop3A_296 : i32 to index
        %parallel_loop3A_326 = arith.constant 64 : index
        %parallel_loop3A_327 = tpu.vector_load %arg8[%parallel_loop3A_324, %parallel_loop3A_325, %parallel_loop3A_326] {strides = array<i32>} : memref<5x80x128xbf16, #tpu.memory_space<vmem>>, vector<32xbf16>,
        %parallel_loop3A_328 = arith.constant 2 : i32
        %parallel_loop3A_329 = arith.index_cast %parallel_loop3A_328 : i32 to index
        %parallel_loop3A_330 = arith.index_cast %parallel_loop3A_296 : i32 to index
        %parallel_loop3A_331 = arith.constant 64 : index
        %parallel_loop3A_332 = tpu.vector_load %arg9[%parallel_loop3A_329, %parallel_loop3A_330, %parallel_loop3A_331] {strides = array<i32>} : memref<5x80x128xbf16, #tpu.memory_space<vmem>>, vector<32xbf16>,
        %parallel_loop3A_333 = arith.mulf %parallel_loop3A_327, %parallel_loop3A_332 : vector<32xbf16>
        %parallel_loop3A_334 = arith.constant 2 : i32
        %parallel_loop3A_335 = arith.index_cast %parallel_loop3A_334 : i32 to index
        %parallel_loop3A_336 = arith.index_cast %parallel_loop3A_296 : i32 to index
        %parallel_loop3A_337 = arith.constant 96 : index
        %parallel_loop3A_338 = tpu.vector_load %arg8[%parallel_loop3A_335, %parallel_loop3A_336, %parallel_loop3A_337] {strides = array<i32>} : memref<5x80x128xbf16, #tpu.memory_space<vmem>>, vector<32xbf16>,
        %parallel_loop3A_339 = arith.constant 2 : i32
        %parallel_loop3A_340 = arith.index_cast %parallel_loop3A_339 : i32 to index
        %parallel_loop3A_341 = arith.index_cast %parallel_loop3A_296 : i32 to index
        %parallel_loop3A_342 = arith.constant 96 : index
        %parallel_loop3A_343 = tpu.vector_load %arg9[%parallel_loop3A_340, %parallel_loop3A_341, %parallel_loop3A_342] {strides = array<i32>} : memref<5x80x128xbf16, #tpu.memory_space<vmem>>, vector<32xbf16>,
        %parallel_loop3A_344 = arith.mulf %parallel_loop3A_338, %parallel_loop3A_343 : vector<32xbf16>
        %parallel_loop3A_345 = arith.addf %parallel_loop3A_333, %parallel_loop3A_344 : vector<32xbf16>
        %parallel_loop3A_346 = tpu.unpack_subelements %parallel_loop3A_345, 0 {pack_format = #tpu.pack_format<interleaved>} : vector<32xbf16> -> vector<16xf32>
        %parallel_loop3A_347 = tpu.unpack_subelements %parallel_loop3A_345, 1 {pack_format = #tpu.pack_format<interleaved>} : vector<32xbf16> -> vector<16xf32>
        %parallel_loop3A_348 = arith.addf %parallel_loop3A_322, %parallel_loop3A_346 : vector<16xf32>
        %parallel_loop3A_349 = arith.addf %parallel_loop3A_348, %parallel_loop3A_347 : vector<16xf32>
        %parallel_loop3A_350 = arith.constant true
        %parallel_loop3A_351 = vector.broadcast %parallel_loop3A_350 : i1 to vector<16xi1>
        %parallel_loop3A_352 = tpu.scan <sum>, %parallel_loop3A_349 masked %parallel_loop3A_351 : vector<16xf32>, vector<16xi1> -> vector<16xf32>
        %parallel_loop3A_353 = arith.addi %mul3A_209, %parallel_loop3A_296 : i32
        %parallel_loop3A_354 = vector.broadcast %parallel_loop3A_353 : i32 to vector<16xi32>
        tpu.vector_store_idx %arg10[%parallel_loop3A_354], %parallel_loop3A_352 masked %eq3A_4 : memref<10000xf32, #tpu.memory_space<vmem>>[vector<16xi32>], vector<16xf32>, vector<16xi1>
      } {sc.loop_unroll_factor = 8 : i64, sc.parallel_access}
      %add3A_213 = arith.constant 5 : i32
      %add3A_214 = arith.addi %add3A_185, %add3A_213 : i32
      %lt3A_215 = arith.constant 125 : i32
      %lt3A_216 = arith.cmpi slt, %add3A_214, %lt3A_215 : i32
      %convert_element_type3A_217 = arith.extui %lt3A_216 : i1 to i32
      %cond3A_218 = arith.constant 0 : i32
      %cond3A_219 = arith.cmpi ne, %convert_element_type3A_217, %cond3A_218 : i32
      scf.if %cond3A_219 {
        %add3A_296 = arith.constant 5 : i32
        %add3A_297 = arith.addi %add3A_185, %add3A_296 : i32
        %mul3A_298 = arith.constant 80 : i32
        %mul3A_299 = arith.muli %add3A_297, %mul3A_298 : i32
        %dma_start3A_300 = arith.constant 2 : i32
        %dma_start3A_301 = arith.constant 0 : i32
        %dma_start3A_302 = arith.constant 0 : i32
        %dma_start3A_303 = tpu.memref_slice %arg8[%dma_start3A_300, %dma_start3A_301, %dma_start3A_302] : memref<5x80x128xbf16, #tpu.memory_space<vmem>> -> memref<1x80x128xbf16, #tpu.memory_space<vmem>>
        %dma_start3A_304 = tpu.memref_squeeze %dma_start3A_303 : memref<1x80x128xbf16, #tpu.memory_space<vmem>> -> memref<80x128xbf16, #tpu.memory_space<vmem>>
        %dma_start3A_305 = tpu.memref_slice %arg6[%mul3A_299] : memref<10000xi32, #tpu.memory_space<vmem>> -> memref<80xi32, #tpu.memory_space<vmem>>
        %dma_start3A_306 = arith.constant 0 : i32
        %dma_start3A_307 = arith.constant 0 : i32
        %dma_start3A_308 = tpu.memref_slice %arg2[%dma_start3A_306, %dma_start3A_307] : memref<10000x128xbf16, #tpu.memory_space<hbm>> -> memref<10000x128xbf16, #tpu.memory_space<hbm>>
        tpu.enqueue_indirect_dma source(%dma_start3A_308 : memref<10000x128xbf16, #tpu.memory_space<hbm>>) target(%dma_start3A_304 : memref<80x128xbf16, #tpu.memory_space<vmem>>) offsets(%dma_start3A_305 : memref<80xi32, #tpu.memory_space<vmem>>) semaphore(%arg13 : memref<!tpu.dma_semaphore, #tpu.memory_space<semaphore_mem>>)
        %mul3A_309 = arith.constant 80 : i32
        %mul3A_310 = arith.muli %add3A_297, %mul3A_309 : i32
        %dma_start3A_311 = arith.constant 2 : i32
        %dma_start3A_312 = arith.constant 0 : i32
        %dma_start3A_313 = arith.constant 0 : i32
        %dma_start3A_314 = tpu.memref_slice %arg9[%dma_start3A_311, %dma_start3A_312, %dma_start3A_313] : memref<5x80x128xbf16, #tpu.memory_space<vmem>> -> memref<1x80x128xbf16, #tpu.memory_space<vmem>>
        %dma_start3A_315 = tpu.memref_squeeze %dma_start3A_314 : memref<1x80x128xbf16, #tpu.memory_space<vmem>> -> memref<80x128xbf16, #tpu.memory_space<vmem>>
        %dma_start3A_316 = tpu.memref_slice %arg7[%mul3A_310] : memref<10000xi32, #tpu.memory_space<vmem>> -> memref<80xi32, #tpu.memory_space<vmem>>
        %dma_start3A_317 = arith.constant 0 : i32
        %dma_start3A_318 = arith.constant 0 : i32
        %dma_start3A_319 = tpu.memref_slice %arg3[%dma_start3A_317, %dma_start3A_318] : memref<10000x128xbf16, #tpu.memory_space<hbm>> -> memref<10000x128xbf16, #tpu.memory_space<hbm>>
        tpu.enqueue_indirect_dma source(%dma_start3A_319 : memref<10000x128xbf16, #tpu.memory_space<hbm>>) target(%dma_start3A_315 : memref<80x128xbf16, #tpu.memory_space<vmem>>) offsets(%dma_start3A_316 : memref<80xi32, #tpu.memory_space<vmem>>) semaphore(%arg13 : memref<!tpu.dma_semaphore, #tpu.memory_space<semaphore_mem>>)
      } else {
      }
      %mul3A_220 = arith.constant 5 : i32
      %mul3A_221 = arith.muli %mul3A_220, %scan3A_110 : i32
      %add3A_222 = arith.constant 3 : i32
      %add3A_223 = arith.addi %mul3A_221, %add3A_222 : i32
      %mul3A_224 = arith.constant 80 : i32
      %mul3A_225 = arith.muli %add3A_223, %mul3A_224 : i32
      %dma_wait3A_226 = arith.constant 3 : i32
      %dma_wait3A_227 = arith.constant 0 : i32
      %dma_wait3A_228 = arith.constant 0 : i32
      %dma_wait3A_229 = tpu.memref_slice %arg8[%dma_wait3A_226, %dma_wait3A_227, %dma_wait3A_228] : memref<5x80x128xbf16, #tpu.memory_space<vmem>> -> memref<1x80x128xbf16, #tpu.memory_space<vmem>>
      %dma_wait3A_230 = tpu.memref_squeeze %dma_wait3A_229 : memref<1x80x128xbf16, #tpu.memory_space<vmem>> -> memref<80x128xbf16, #tpu.memory_space<vmem>>
      %dma_wait3A_231 = tpu.memref_slice %arg6[%mul3A_225] : memref<10000xi32, #tpu.memory_space<vmem>> -> memref<80xi32, #tpu.memory_space<vmem>>
      %dma_wait3A_232 = arith.constant 0 : i32
      %dma_wait3A_233 = arith.constant 0 : i32
      %dma_wait3A_234 = tpu.memref_slice %arg2[%dma_wait3A_232, %dma_wait3A_233] : memref<10000x128xbf16, #tpu.memory_space<hbm>> -> memref<10000x128xbf16, #tpu.memory_space<hbm>>
      tpu.wait_indirect_dma semaphore(%arg14 : memref<!tpu.dma_semaphore, #tpu.memory_space<semaphore_mem>>) src(%dma_wait3A_234 : memref<10000x128xbf16, #tpu.memory_space<hbm>>) dst(%dma_wait3A_230 : memref<80x128xbf16, #tpu.memory_space<vmem>>)
      %mul3A_235 = arith.constant 80 : i32
      %mul3A_236 = arith.muli %add3A_223, %mul3A_235 : i32
      %dma_wait3A_237 = arith.constant 3 : i32
      %dma_wait3A_238 = arith.constant 0 : i32
      %dma_wait3A_239 = arith.constant 0 : i32
      %dma_wait3A_240 = tpu.memref_slice %arg9[%dma_wait3A_237, %dma_wait3A_238, %dma_wait3A_239] : memref<5x80x128xbf16, #tpu.memory_space<vmem>> -> memref<1x80x128xbf16, #tpu.memory_space<vmem>>
      %dma_wait3A_241 = tpu.memref_squeeze %dma_wait3A_240 : memref<1x80x128xbf16, #tpu.memory_space<vmem>> -> memref<80x128xbf16, #tpu.memory_space<vmem>>
      %dma_wait3A_242 = tpu.memref_slice %arg7[%mul3A_236] : memref<10000xi32, #tpu.memory_space<vmem>> -> memref<80xi32, #tpu.memory_space<vmem>>
      %dma_wait3A_243 = arith.constant 0 : i32
      %dma_wait3A_244 = arith.constant 0 : i32
      %dma_wait3A_245 = tpu.memref_slice %arg3[%dma_wait3A_243, %dma_wait3A_244] : memref<10000x128xbf16, #tpu.memory_space<hbm>> -> memref<10000x128xbf16, #tpu.memory_space<hbm>>
      tpu.wait_indirect_dma semaphore(%arg14 : memref<!tpu.dma_semaphore, #tpu.memory_space<semaphore_mem>>) src(%dma_wait3A_245 : memref<10000x128xbf16, #tpu.memory_space<hbm>>) dst(%dma_wait3A_241 : memref<80x128xbf16, #tpu.memory_space<vmem>>)
      %mul3A_246 = arith.constant 80 : i32
      %mul3A_247 = arith.muli %add3A_223, %mul3A_246 : i32
      %parallel_loop3A_248 = arith.constant 0 : i32
      %parallel_loop3A_249 = arith.constant 80 : i32
      %parallel_loop3A_250 = arith.constant 1 : i32
      scf.for %parallel_loop3A_296 = %parallel_loop3A_248 to %parallel_loop3A_249 step %parallel_loop3A_250  : i32 {
        %parallel_loop3A_297 = arith.constant 3 : i32
        %parallel_loop3A_298 = arith.index_cast %parallel_loop3A_297 : i32 to index
        %parallel_loop3A_299 = arith.index_cast %parallel_loop3A_296 : i32 to index
        %parallel_loop3A_300 = arith.constant 0 : index
        %parallel_loop3A_301 = tpu.vector_load %arg8[%parallel_loop3A_298, %parallel_loop3A_299, %parallel_loop3A_300] {strides = array<i32>} : memref<5x80x128xbf16, #tpu.memory_space<vmem>>, vector<32xbf16>,
        %parallel_loop3A_302 = arith.constant 3 : i32
        %parallel_loop3A_303 = arith.index_cast %parallel_loop3A_302 : i32 to index
        %parallel_loop3A_304 = arith.index_cast %parallel_loop3A_296 : i32 to index
        %parallel_loop3A_305 = arith.constant 0 : index
        %parallel_loop3A_306 = tpu.vector_load %arg9[%parallel_loop3A_303, %parallel_loop3A_304, %parallel_loop3A_305] {strides = array<i32>} : memref<5x80x128xbf16, #tpu.memory_space<vmem>>, vector<32xbf16>,
        %parallel_loop3A_307 = arith.mulf %parallel_loop3A_301, %parallel_loop3A_306 : vector<32xbf16>
        %parallel_loop3A_308 = arith.constant 3 : i32
        %parallel_loop3A_309 = arith.index_cast %parallel_loop3A_308 : i32 to index
        %parallel_loop3A_310 = arith.index_cast %parallel_loop3A_296 : i32 to index
        %parallel_loop3A_311 = arith.constant 32 : index
        %parallel_loop3A_312 = tpu.vector_load %arg8[%parallel_loop3A_309, %parallel_loop3A_310, %parallel_loop3A_311] {strides = array<i32>} : memref<5x80x128xbf16, #tpu.memory_space<vmem>>, vector<32xbf16>,
        %parallel_loop3A_313 = arith.constant 3 : i32
        %parallel_loop3A_314 = arith.index_cast %parallel_loop3A_313 : i32 to index
        %parallel_loop3A_315 = arith.index_cast %parallel_loop3A_296 : i32 to index
        %parallel_loop3A_316 = arith.constant 32 : index
        %parallel_loop3A_317 = tpu.vector_load %arg9[%parallel_loop3A_314, %parallel_loop3A_315, %parallel_loop3A_316] {strides = array<i32>} : memref<5x80x128xbf16, #tpu.memory_space<vmem>>, vector<32xbf16>,
        %parallel_loop3A_318 = arith.mulf %parallel_loop3A_312, %parallel_loop3A_317 : vector<32xbf16>
        %parallel_loop3A_319 = arith.addf %parallel_loop3A_307, %parallel_loop3A_318 : vector<32xbf16>
        %parallel_loop3A_320 = tpu.unpack_subelements %parallel_loop3A_319, 0 {pack_format = #tpu.pack_format<interleaved>} : vector<32xbf16> -> vector<16xf32>
        %parallel_loop3A_321 = tpu.unpack_subelements %parallel_loop3A_319, 1 {pack_format = #tpu.pack_format<interleaved>} : vector<32xbf16> -> vector<16xf32>
        %parallel_loop3A_322 = arith.addf %parallel_loop3A_320, %parallel_loop3A_321 : vector<16xf32>
        %parallel_loop3A_323 = arith.constant 3 : i32
        %parallel_loop3A_324 = arith.index_cast %parallel_loop3A_323 : i32 to index
        %parallel_loop3A_325 = arith.index_cast %parallel_loop3A_296 : i32 to index
        %parallel_loop3A_326 = arith.constant 64 : index
        %parallel_loop3A_327 = tpu.vector_load %arg8[%parallel_loop3A_324, %parallel_loop3A_325, %parallel_loop3A_326] {strides = array<i32>} : memref<5x80x128xbf16, #tpu.memory_space<vmem>>, vector<32xbf16>,
        %parallel_loop3A_328 = arith.constant 3 : i32
        %parallel_loop3A_329 = arith.index_cast %parallel_loop3A_328 : i32 to index
        %parallel_loop3A_330 = arith.index_cast %parallel_loop3A_296 : i32 to index
        %parallel_loop3A_331 = arith.constant 64 : index
        %parallel_loop3A_332 = tpu.vector_load %arg9[%parallel_loop3A_329, %parallel_loop3A_330, %parallel_loop3A_331] {strides = array<i32>} : memref<5x80x128xbf16, #tpu.memory_space<vmem>>, vector<32xbf16>,
        %parallel_loop3A_333 = arith.mulf %parallel_loop3A_327, %parallel_loop3A_332 : vector<32xbf16>
        %parallel_loop3A_334 = arith.constant 3 : i32
        %parallel_loop3A_335 = arith.index_cast %parallel_loop3A_334 : i32 to index
        %parallel_loop3A_336 = arith.index_cast %parallel_loop3A_296 : i32 to index
        %parallel_loop3A_337 = arith.constant 96 : index
        %parallel_loop3A_338 = tpu.vector_load %arg8[%parallel_loop3A_335, %parallel_loop3A_336, %parallel_loop3A_337] {strides = array<i32>} : memref<5x80x128xbf16, #tpu.memory_space<vmem>>, vector<32xbf16>,
        %parallel_loop3A_339 = arith.constant 3 : i32
        %parallel_loop3A_340 = arith.index_cast %parallel_loop3A_339 : i32 to index
        %parallel_loop3A_341 = arith.index_cast %parallel_loop3A_296 : i32 to index
        %parallel_loop3A_342 = arith.constant 96 : index
        %parallel_loop3A_343 = tpu.vector_load %arg9[%parallel_loop3A_340, %parallel_loop3A_341, %parallel_loop3A_342] {strides = array<i32>} : memref<5x80x128xbf16, #tpu.memory_space<vmem>>, vector<32xbf16>,
        %parallel_loop3A_344 = arith.mulf %parallel_loop3A_338, %parallel_loop3A_343 : vector<32xbf16>
        %parallel_loop3A_345 = arith.addf %parallel_loop3A_333, %parallel_loop3A_344 : vector<32xbf16>
        %parallel_loop3A_346 = tpu.unpack_subelements %parallel_loop3A_345, 0 {pack_format = #tpu.pack_format<interleaved>} : vector<32xbf16> -> vector<16xf32>
        %parallel_loop3A_347 = tpu.unpack_subelements %parallel_loop3A_345, 1 {pack_format = #tpu.pack_format<interleaved>} : vector<32xbf16> -> vector<16xf32>
        %parallel_loop3A_348 = arith.addf %parallel_loop3A_322, %parallel_loop3A_346 : vector<16xf32>
        %parallel_loop3A_349 = arith.addf %parallel_loop3A_348, %parallel_loop3A_347 : vector<16xf32>
        %parallel_loop3A_350 = arith.constant true
        %parallel_loop3A_351 = vector.broadcast %parallel_loop3A_350 : i1 to vector<16xi1>
        %parallel_loop3A_352 = tpu.scan <sum>, %parallel_loop3A_349 masked %parallel_loop3A_351 : vector<16xf32>, vector<16xi1> -> vector<16xf32>
        %parallel_loop3A_353 = arith.addi %mul3A_247, %parallel_loop3A_296 : i32
        %parallel_loop3A_354 = vector.broadcast %parallel_loop3A_353 : i32 to vector<16xi32>
        tpu.vector_store_idx %arg10[%parallel_loop3A_354], %parallel_loop3A_352 masked %eq3A_4 : memref<10000xf32, #tpu.memory_space<vmem>>[vector<16xi32>], vector<16xf32>, vector<16xi1>
      } {sc.loop_unroll_factor = 8 : i64, sc.parallel_access}
      %add3A_251 = arith.constant 5 : i32
      %add3A_252 = arith.addi %add3A_223, %add3A_251 : i32
      %lt3A_253 = arith.constant 125 : i32
      %lt3A_254 = arith.cmpi slt, %add3A_252, %lt3A_253 : i32
      %convert_element_type3A_255 = arith.extui %lt3A_254 : i1 to i32
      %cond3A_256 = arith.constant 0 : i32
      %cond3A_257 = arith.cmpi ne, %convert_element_type3A_255, %cond3A_256 : i32
      scf.if %cond3A_257 {
        %add3A_296 = arith.constant 5 : i32
        %add3A_297 = arith.addi %add3A_223, %add3A_296 : i32
        %mul3A_298 = arith.constant 80 : i32
        %mul3A_299 = arith.muli %add3A_297, %mul3A_298 : i32
        %dma_start3A_300 = arith.constant 3 : i32
        %dma_start3A_301 = arith.constant 0 : i32
        %dma_start3A_302 = arith.constant 0 : i32
        %dma_start3A_303 = tpu.memref_slice %arg8[%dma_start3A_300, %dma_start3A_301, %dma_start3A_302] : memref<5x80x128xbf16, #tpu.memory_space<vmem>> -> memref<1x80x128xbf16, #tpu.memory_space<vmem>>
        %dma_start3A_304 = tpu.memref_squeeze %dma_start3A_303 : memref<1x80x128xbf16, #tpu.memory_space<vmem>> -> memref<80x128xbf16, #tpu.memory_space<vmem>>
        %dma_start3A_305 = tpu.memref_slice %arg6[%mul3A_299] : memref<10000xi32, #tpu.memory_space<vmem>> -> memref<80xi32, #tpu.memory_space<vmem>>
        %dma_start3A_306 = arith.constant 0 : i32
        %dma_start3A_307 = arith.constant 0 : i32
        %dma_start3A_308 = tpu.memref_slice %arg2[%dma_start3A_306, %dma_start3A_307] : memref<10000x128xbf16, #tpu.memory_space<hbm>> -> memref<10000x128xbf16, #tpu.memory_space<hbm>>
        tpu.enqueue_indirect_dma source(%dma_start3A_308 : memref<10000x128xbf16, #tpu.memory_space<hbm>>) target(%dma_start3A_304 : memref<80x128xbf16, #tpu.memory_space<vmem>>) offsets(%dma_start3A_305 : memref<80xi32, #tpu.memory_space<vmem>>) semaphore(%arg14 : memref<!tpu.dma_semaphore, #tpu.memory_space<semaphore_mem>>)
        %mul3A_309 = arith.constant 80 : i32
        %mul3A_310 = arith.muli %add3A_297, %mul3A_309 : i32
        %dma_start3A_311 = arith.constant 3 : i32
        %dma_start3A_312 = arith.constant 0 : i32
        %dma_start3A_313 = arith.constant 0 : i32
        %dma_start3A_314 = tpu.memref_slice %arg9[%dma_start3A_311, %dma_start3A_312, %dma_start3A_313] : memref<5x80x128xbf16, #tpu.memory_space<vmem>> -> memref<1x80x128xbf16, #tpu.memory_space<vmem>>
        %dma_start3A_315 = tpu.memref_squeeze %dma_start3A_314 : memref<1x80x128xbf16, #tpu.memory_space<vmem>> -> memref<80x128xbf16, #tpu.memory_space<vmem>>
        %dma_start3A_316 = tpu.memref_slice %arg7[%mul3A_310] : memref<10000xi32, #tpu.memory_space<vmem>> -> memref<80xi32, #tpu.memory_space<vmem>>
        %dma_start3A_317 = arith.constant 0 : i32
        %dma_start3A_318 = arith.constant 0 : i32
        %dma_start3A_319 = tpu.memref_slice %arg3[%dma_start3A_317, %dma_start3A_318] : memref<10000x128xbf16, #tpu.memory_space<hbm>> -> memref<10000x128xbf16, #tpu.memory_space<hbm>>
        tpu.enqueue_indirect_dma source(%dma_start3A_319 : memref<10000x128xbf16, #tpu.memory_space<hbm>>) target(%dma_start3A_315 : memref<80x128xbf16, #tpu.memory_space<vmem>>) offsets(%dma_start3A_316 : memref<80xi32, #tpu.memory_space<vmem>>) semaphore(%arg14 : memref<!tpu.dma_semaphore, #tpu.memory_space<semaphore_mem>>)
      } else {
      }
      %mul3A_258 = arith.constant 5 : i32
      %mul3A_259 = arith.muli %mul3A_258, %scan3A_110 : i32
      %add3A_260 = arith.constant 4 : i32
      %add3A_261 = arith.addi %mul3A_259, %add3A_260 : i32
      %mul3A_262 = arith.constant 80 : i32
      %mul3A_263 = arith.muli %add3A_261, %mul3A_262 : i32
      %dma_wait3A_264 = arith.constant 4 : i32
      %dma_wait3A_265 = arith.constant 0 : i32
      %dma_wait3A_266 = arith.constant 0 : i32
      %dma_wait3A_267 = tpu.memref_slice %arg8[%dma_wait3A_264, %dma_wait3A_265, %dma_wait3A_266] : memref<5x80x128xbf16, #tpu.memory_space<vmem>> -> memref<1x80x128xbf16, #tpu.memory_space<vmem>>
      %dma_wait3A_268 = tpu.memref_squeeze %dma_wait3A_267 : memref<1x80x128xbf16, #tpu.memory_space<vmem>> -> memref<80x128xbf16, #tpu.memory_space<vmem>>
      %dma_wait3A_269 = tpu.memref_slice %arg6[%mul3A_263] : memref<10000xi32, #tpu.memory_space<vmem>> -> memref<80xi32, #tpu.memory_space<vmem>>
      %dma_wait3A_270 = arith.constant 0 : i32
      %dma_wait3A_271 = arith.constant 0 : i32
      %dma_wait3A_272 = tpu.memref_slice %arg2[%dma_wait3A_270, %dma_wait3A_271] : memref<10000x128xbf16, #tpu.memory_space<hbm>> -> memref<10000x128xbf16, #tpu.memory_space<hbm>>
      tpu.wait_indirect_dma semaphore(%arg15 : memref<!tpu.dma_semaphore, #tpu.memory_space<semaphore_mem>>) src(%dma_wait3A_272 : memref<10000x128xbf16, #tpu.memory_space<hbm>>) dst(%dma_wait3A_268 : memref<80x128xbf16, #tpu.memory_space<vmem>>)
      %mul3A_273 = arith.constant 80 : i32
      %mul3A_274 = arith.muli %add3A_261, %mul3A_273 : i32
      %dma_wait3A_275 = arith.constant 4 : i32
      %dma_wait3A_276 = arith.constant 0 : i32
      %dma_wait3A_277 = arith.constant 0 : i32
      %dma_wait3A_278 = tpu.memref_slice %arg9[%dma_wait3A_275, %dma_wait3A_276, %dma_wait3A_277] : memref<5x80x128xbf16, #tpu.memory_space<vmem>> -> memref<1x80x128xbf16, #tpu.memory_space<vmem>>
      %dma_wait3A_279 = tpu.memref_squeeze %dma_wait3A_278 : memref<1x80x128xbf16, #tpu.memory_space<vmem>> -> memref<80x128xbf16, #tpu.memory_space<vmem>>
      %dma_wait3A_280 = tpu.memref_slice %arg7[%mul3A_274] : memref<10000xi32, #tpu.memory_space<vmem>> -> memref<80xi32, #tpu.memory_space<vmem>>
      %dma_wait3A_281 = arith.constant 0 : i32
      %dma_wait3A_282 = arith.constant 0 : i32
      %dma_wait3A_283 = tpu.memref_slice %arg3[%dma_wait3A_281, %dma_wait3A_282] : memref<10000x128xbf16, #tpu.memory_space<hbm>> -> memref<10000x128xbf16, #tpu.memory_space<hbm>>
      tpu.wait_indirect_dma semaphore(%arg15 : memref<!tpu.dma_semaphore, #tpu.memory_space<semaphore_mem>>) src(%dma_wait3A_283 : memref<10000x128xbf16, #tpu.memory_space<hbm>>) dst(%dma_wait3A_279 : memref<80x128xbf16, #tpu.memory_space<vmem>>)
      %mul3A_284 = arith.constant 80 : i32
      %mul3A_285 = arith.muli %add3A_261, %mul3A_284 : i32
      %parallel_loop3A_286 = arith.constant 0 : i32
      %parallel_loop3A_287 = arith.constant 80 : i32
      %parallel_loop3A_288 = arith.constant 1 : i32
      scf.for %parallel_loop3A_296 = %parallel_loop3A_286 to %parallel_loop3A_287 step %parallel_loop3A_288  : i32 {
        %parallel_loop3A_297 = arith.constant 4 : i32
        %parallel_loop3A_298 = arith.index_cast %parallel_loop3A_297 : i32 to index
        %parallel_loop3A_299 = arith.index_cast %parallel_loop3A_296 : i32 to index
        %parallel_loop3A_300 = arith.constant 0 : index
        %parallel_loop3A_301 = tpu.vector_load %arg8[%parallel_loop3A_298, %parallel_loop3A_299, %parallel_loop3A_300] {strides = array<i32>} : memref<5x80x128xbf16, #tpu.memory_space<vmem>>, vector<32xbf16>,
        %parallel_loop3A_302 = arith.constant 4 : i32
        %parallel_loop3A_303 = arith.index_cast %parallel_loop3A_302 : i32 to index
        %parallel_loop3A_304 = arith.index_cast %parallel_loop3A_296 : i32 to index
        %parallel_loop3A_305 = arith.constant 0 : index
        %parallel_loop3A_306 = tpu.vector_load %arg9[%parallel_loop3A_303, %parallel_loop3A_304, %parallel_loop3A_305] {strides = array<i32>} : memref<5x80x128xbf16, #tpu.memory_space<vmem>>, vector<32xbf16>,
        %parallel_loop3A_307 = arith.mulf %parallel_loop3A_301, %parallel_loop3A_306 : vector<32xbf16>
        %parallel_loop3A_308 = arith.constant 4 : i32
        %parallel_loop3A_309 = arith.index_cast %parallel_loop3A_308 : i32 to index
        %parallel_loop3A_310 = arith.index_cast %parallel_loop3A_296 : i32 to index
        %parallel_loop3A_311 = arith.constant 32 : index
        %parallel_loop3A_312 = tpu.vector_load %arg8[%parallel_loop3A_309, %parallel_loop3A_310, %parallel_loop3A_311] {strides = array<i32>} : memref<5x80x128xbf16, #tpu.memory_space<vmem>>, vector<32xbf16>,
        %parallel_loop3A_313 = arith.constant 4 : i32
        %parallel_loop3A_314 = arith.index_cast %parallel_loop3A_313 : i32 to index
        %parallel_loop3A_315 = arith.index_cast %parallel_loop3A_296 : i32 to index
        %parallel_loop3A_316 = arith.constant 32 : index
        %parallel_loop3A_317 = tpu.vector_load %arg9[%parallel_loop3A_314, %parallel_loop3A_315, %parallel_loop3A_316] {strides = array<i32>} : memref<5x80x128xbf16, #tpu.memory_space<vmem>>, vector<32xbf16>,
        %parallel_loop3A_318 = arith.mulf %parallel_loop3A_312, %parallel_loop3A_317 : vector<32xbf16>
        %parallel_loop3A_319 = arith.addf %parallel_loop3A_307, %parallel_loop3A_318 : vector<32xbf16>
        %parallel_loop3A_320 = tpu.unpack_subelements %parallel_loop3A_319, 0 {pack_format = #tpu.pack_format<interleaved>} : vector<32xbf16> -> vector<16xf32>
        %parallel_loop3A_321 = tpu.unpack_subelements %parallel_loop3A_319, 1 {pack_format = #tpu.pack_format<interleaved>} : vector<32xbf16> -> vector<16xf32>
        %parallel_loop3A_322 = arith.addf %parallel_loop3A_320, %parallel_loop3A_321 : vector<16xf32>
        %parallel_loop3A_323 = arith.constant 4 : i32
        %parallel_loop3A_324 = arith.index_cast %parallel_loop3A_323 : i32 to index
        %parallel_loop3A_325 = arith.index_cast %parallel_loop3A_296 : i32 to index
        %parallel_loop3A_326 = arith.constant 64 : index
        %parallel_loop3A_327 = tpu.vector_load %arg8[%parallel_loop3A_324, %parallel_loop3A_325, %parallel_loop3A_326] {strides = array<i32>} : memref<5x80x128xbf16, #tpu.memory_space<vmem>>, vector<32xbf16>,
        %parallel_loop3A_328 = arith.constant 4 : i32
        %parallel_loop3A_329 = arith.index_cast %parallel_loop3A_328 : i32 to index
        %parallel_loop3A_330 = arith.index_cast %parallel_loop3A_296 : i32 to index
        %parallel_loop3A_331 = arith.constant 64 : index
        %parallel_loop3A_332 = tpu.vector_load %arg9[%parallel_loop3A_329, %parallel_loop3A_330, %parallel_loop3A_331] {strides = array<i32>} : memref<5x80x128xbf16, #tpu.memory_space<vmem>>, vector<32xbf16>,
        %parallel_loop3A_333 = arith.mulf %parallel_loop3A_327, %parallel_loop3A_332 : vector<32xbf16>
        %parallel_loop3A_334 = arith.constant 4 : i32
        %parallel_loop3A_335 = arith.index_cast %parallel_loop3A_334 : i32 to index
        %parallel_loop3A_336 = arith.index_cast %parallel_loop3A_296 : i32 to index
        %parallel_loop3A_337 = arith.constant 96 : index
        %parallel_loop3A_338 = tpu.vector_load %arg8[%parallel_loop3A_335, %parallel_loop3A_336, %parallel_loop3A_337] {strides = array<i32>} : memref<5x80x128xbf16, #tpu.memory_space<vmem>>, vector<32xbf16>,
        %parallel_loop3A_339 = arith.constant 4 : i32
        %parallel_loop3A_340 = arith.index_cast %parallel_loop3A_339 : i32 to index
        %parallel_loop3A_341 = arith.index_cast %parallel_loop3A_296 : i32 to index
        %parallel_loop3A_342 = arith.constant 96 : index
        %parallel_loop3A_343 = tpu.vector_load %arg9[%parallel_loop3A_340, %parallel_loop3A_341, %parallel_loop3A_342] {strides = array<i32>} : memref<5x80x128xbf16, #tpu.memory_space<vmem>>, vector<32xbf16>,
        %parallel_loop3A_344 = arith.mulf %parallel_loop3A_338, %parallel_loop3A_343 : vector<32xbf16>
        %parallel_loop3A_345 = arith.addf %parallel_loop3A_333, %parallel_loop3A_344 : vector<32xbf16>
        %parallel_loop3A_346 = tpu.unpack_subelements %parallel_loop3A_345, 0 {pack_format = #tpu.pack_format<interleaved>} : vector<32xbf16> -> vector<16xf32>
        %parallel_loop3A_347 = tpu.unpack_subelements %parallel_loop3A_345, 1 {pack_format = #tpu.pack_format<interleaved>} : vector<32xbf16> -> vector<16xf32>
        %parallel_loop3A_348 = arith.addf %parallel_loop3A_322, %parallel_loop3A_346 : vector<16xf32>
        %parallel_loop3A_349 = arith.addf %parallel_loop3A_348, %parallel_loop3A_347 : vector<16xf32>
        %parallel_loop3A_350 = arith.constant true
        %parallel_loop3A_351 = vector.broadcast %parallel_loop3A_350 : i1 to vector<16xi1>
        %parallel_loop3A_352 = tpu.scan <sum>, %parallel_loop3A_349 masked %parallel_loop3A_351 : vector<16xf32>, vector<16xi1> -> vector<16xf32>
        %parallel_loop3A_353 = arith.addi %mul3A_285, %parallel_loop3A_296 : i32
        %parallel_loop3A_354 = vector.broadcast %parallel_loop3A_353 : i32 to vector<16xi32>
        tpu.vector_store_idx %arg10[%parallel_loop3A_354], %parallel_loop3A_352 masked %eq3A_4 : memref<10000xf32, #tpu.memory_space<vmem>>[vector<16xi32>], vector<16xf32>, vector<16xi1>
      } {sc.loop_unroll_factor = 8 : i64, sc.parallel_access}
      %add3A_289 = arith.constant 5 : i32
      %add3A_290 = arith.addi %add3A_261, %add3A_289 : i32
      %lt3A_291 = arith.constant 125 : i32
      %lt3A_292 = arith.cmpi slt, %add3A_290, %lt3A_291 : i32
      %convert_element_type3A_293 = arith.extui %lt3A_292 : i1 to i32
      %cond3A_294 = arith.constant 0 : i32
      %cond3A_295 = arith.cmpi ne, %convert_element_type3A_293, %cond3A_294 : i32
      scf.if %cond3A_295 {
        %add3A_296 = arith.constant 5 : i32
        %add3A_297 = arith.addi %add3A_261, %add3A_296 : i32
        %mul3A_298 = arith.constant 80 : i32
        %mul3A_299 = arith.muli %add3A_297, %mul3A_298 : i32
        %dma_start3A_300 = arith.constant 4 : i32
        %dma_start3A_301 = arith.constant 0 : i32
        %dma_start3A_302 = arith.constant 0 : i32
        %dma_start3A_303 = tpu.memref_slice %arg8[%dma_start3A_300, %dma_start3A_301, %dma_start3A_302] : memref<5x80x128xbf16, #tpu.memory_space<vmem>> -> memref<1x80x128xbf16, #tpu.memory_space<vmem>>
        %dma_start3A_304 = tpu.memref_squeeze %dma_start3A_303 : memref<1x80x128xbf16, #tpu.memory_space<vmem>> -> memref<80x128xbf16, #tpu.memory_space<vmem>>
        %dma_start3A_305 = tpu.memref_slice %arg6[%mul3A_299] : memref<10000xi32, #tpu.memory_space<vmem>> -> memref<80xi32, #tpu.memory_space<vmem>>
        %dma_start3A_306 = arith.constant 0 : i32
        %dma_start3A_307 = arith.constant 0 : i32
        %dma_start3A_308 = tpu.memref_slice %arg2[%dma_start3A_306, %dma_start3A_307] : memref<10000x128xbf16, #tpu.memory_space<hbm>> -> memref<10000x128xbf16, #tpu.memory_space<hbm>>
        tpu.enqueue_indirect_dma source(%dma_start3A_308 : memref<10000x128xbf16, #tpu.memory_space<hbm>>) target(%dma_start3A_304 : memref<80x128xbf16, #tpu.memory_space<vmem>>) offsets(%dma_start3A_305 : memref<80xi32, #tpu.memory_space<vmem>>) semaphore(%arg15 : memref<!tpu.dma_semaphore, #tpu.memory_space<semaphore_mem>>)
        %mul3A_309 = arith.constant 80 : i32
        %mul3A_310 = arith.muli %add3A_297, %mul3A_309 : i32
        %dma_start3A_311 = arith.constant 4 : i32
        %dma_start3A_312 = arith.constant 0 : i32
        %dma_start3A_313 = arith.constant 0 : i32
        %dma_start3A_314 = tpu.memref_slice %arg9[%dma_start3A_311, %dma_start3A_312, %dma_start3A_313] : memref<5x80x128xbf16, #tpu.memory_space<vmem>> -> memref<1x80x128xbf16, #tpu.memory_space<vmem>>
        %dma_start3A_315 = tpu.memref_squeeze %dma_start3A_314 : memref<1x80x128xbf16, #tpu.memory_space<vmem>> -> memref<80x128xbf16, #tpu.memory_space<vmem>>
        %dma_start3A_316 = tpu.memref_slice %arg7[%mul3A_310] : memref<10000xi32, #tpu.memory_space<vmem>> -> memref<80xi32, #tpu.memory_space<vmem>>
        %dma_start3A_317 = arith.constant 0 : i32
        %dma_start3A_318 = arith.constant 0 : i32
        %dma_start3A_319 = tpu.memref_slice %arg3[%dma_start3A_317, %dma_start3A_318] : memref<10000x128xbf16, #tpu.memory_space<hbm>> -> memref<10000x128xbf16, #tpu.memory_space<hbm>>
        tpu.enqueue_indirect_dma source(%dma_start3A_319 : memref<10000x128xbf16, #tpu.memory_space<hbm>>) target(%dma_start3A_315 : memref<80x128xbf16, #tpu.memory_space<vmem>>) offsets(%dma_start3A_316 : memref<80xi32, #tpu.memory_space<vmem>>) semaphore(%arg15 : memref<!tpu.dma_semaphore, #tpu.memory_space<semaphore_mem>>)
      } else {
      }
    }
    %scan3A_109 = arith.constant 25 : i32
    "tpu.region"() ({
      %run_scoped3A_110 = tpu.sem_alloc : memref<!tpu.dma_semaphore, #tpu.memory_space<semaphore_mem>>
      %dma_start3A_111 = tpu.memref_slice %arg5[%mul3A_2] : memref<320000xf32, #tpu.memory_space<hbm>> -> memref<10000xf32, #tpu.memory_space<hbm>>
      %dma_start3A_112 = tpu.memref_slice %arg5[%mul3A_2] : memref<320000xf32, #tpu.memory_space<hbm>> -> memref<10000xf32, #tpu.memory_space<hbm>>
      tpu.enqueue_dma source(%arg10 : memref<10000xf32, #tpu.memory_space<vmem>>) target(%dma_start3A_112 : memref<10000xf32, #tpu.memory_space<hbm>>) target_semaphore(%run_scoped3A_110 : memref<!tpu.dma_semaphore, #tpu.memory_space<semaphore_mem>>)
      %dma_wait3A = tpu.memref_slice %arg5[%mul3A_2] : memref<320000xf32, #tpu.memory_space<hbm>> -> memref<10000xf32, #tpu.memory_space<hbm>>
      %dma_wait3A_113 = tpu.memref_slice %arg5[%mul3A_2] : memref<320000xf32, #tpu.memory_space<hbm>> -> memref<10000xf32, #tpu.memory_space<hbm>>
      tpu.wait_dma2 semaphore(%run_scoped3A_110 : memref<!tpu.dma_semaphore, #tpu.memory_space<semaphore_mem>>) src(%arg10 : memref<10000xf32, #tpu.memory_space<vmem>>) dst(%dma_wait3A_113 : memref<10000xf32, #tpu.memory_space<hbm>>)
      tpu.yield
    }) : () -> ()
    return
  }
}

</mosaic_0001>

<sc_bundles>
// kernel: kernel.3.cloned.1.call-start
scs
__scs_entry_jumppad:
0x0: {  	(pc) =	sbr.rel $0x88, $3  }
0x1: {  	(tag) =	ssettag $0x0;
	lr =	simm.s32 $0x1  }
0x2: {  	[smem:$0x3F9E] =	sst lr;
	_ =	strace $0xD0000000  }
0x3: {  	_ = 	snop  }
0x4: {  	_ = 	snop  }
0x5: {  	_ = 	snop  }
0x6: {  	_ = 	snop  }
0x7: {  	_ = 	snop  }
__scs_overlays_trampoline_lowered:
0x8: {  	[smem:$0x3FAD] =	sst s0  }
0x9: {  	[smem:$0x3FAE] =	sst s1  }
0xa: {  	[smem:$0x3FAF] =	sst s2  }
0xb: {  	[smem:$0x3FB0] =	sst s3  }
0xc: {  	[smem:$0x3FB1] =	sst s4  }
0xd: {  	[smem:$0x3FB2] =	sst s5  }
0xe: {  	[smem:$0x3FB3] =	sst s6  }
0xf: {  	[smem:$0x3FB4] =	sst s7  }
0x10: {  	[smem:$0x3FB5] =	sst s8  }
0x11: {  	[smem:$0x3FB6] =	sst s9;
	s0 =	simm.s32 @!p0 $0x0  }
0x12: {  	s1 =	sld [smem:$0x3F9C];
	s0 =	simm.s32 @p0 $0x1  }
0x13: {  	[smem:$0x3FB7] =	sst s0;
	s0 =	simm.s32 @!p1 $0x0  }
0x14: {  	s2 =	sld [smem:$0x3F9B];
	s0 =	simm.s32 @p1 $0x1  }
0x15: {  	[smem:$0x3FB8] =	sst s0;
	s0 =	simm.s32 @!p2 $0x0  }
0x16: {  	s3 =	sld [smem:$0x3FDB];
	s0 =	simm.s32 @p2 $0x1  }
0x17: {  	s4 =	simm.s32 $0x1BF5;
	[smem:$0x3FBA] =	sst s0  }
0x18: {  	s0 =	sld [smem:$0x3F9D];
	_ =	swait.ge [sflag:s4], $0x0  }
0x19: {  	s7 =	sld [smem:$0x3F9E]  }
0x1a: {  	s8 =	sadd.s32 $0xFFFFE003, lr  }
0x1b: {  	s9 =	sadd.s32 $0xFFFFFEF7, lr;
	s5 =	simm.s32 $0xFFFFFFFF;
	p2 =	slt.u32 s8, $0xFFFFF086  }
0x1c: {  	p1 =	slt.u32 s9, $0xF7A;
	s5 =	simm.s32 @!p2 $0x0  }
0x1d: {  	s5 =	simm.s32 @p1 $0x1;
	p0 =	seq.s32 s7, s2  }
0x1e: {  	s7 =	smul.u32 @!p0 $0xF7A, s2;
	p2 =	seq.s32 @!p0 s5, $0x0  }
0x1f: {  	s9 =	smul.u32 $0xF7A, s1;
	s8 =	simm.s32 @!p0 $0x1BF5;
	p2 =	por !p2, p0  }
0x20: {  	[sflag:s8] =	ssyncset.s32 @!p0 $0xFFFFF086;
	s6 =	sadd.s32 @!p0 s3, s7;
	s7 =	simm.s32 @!p0 $0x108  }
0x21: {  	s3 =	sadd.s32 s3, s9;
	s6 =	sadd.s32 @!p0 $0x88, s6;
	s7 =	simm.s32 @p2 $0x1082  }
0x22: {  	[simem:s7], [sflag:s8] =	dma.local @!p0 [hbm:s6], $0xF7A  }
0x23: {  	s9 =	sor.u32 $0xD0000000, s2;
	s6 =	simm.s32 $0x108;
	_ =	swait.ge @!p0 [sflag:s8], $0x0  }
0x24: {  	s3 =	sadd.s32 $0x88, s3;
	s6 =	simm.s32 @!p1 $0x1082;
	[sflag:s4] =	ssyncset.s32 $0xFFFFF086  }
0x25: {  	[simem:s6], [sflag:s4] =	dma.local [hbm:s3], $0xF7A  }
0x26: {  	[smem:$0x3F9E] =	sst s1;
	(tag) =	ssettag s2;
	_ =	strace s9  }
0x27: {  	s1 =	sld [smem:$0x3FAE]  }
0x28: {  	s2 =	sld [smem:$0x3FAF]  }
0x29: {  	s4 =	sld [smem:$0x3FB1]  }
0x2a: {  	p0 =	seq.s32 s5, $0x0;
	s5 =	sld [smem:$0x3FB2]  }
0x2b: {  	s6 =	sld [smem:$0x3FB3]  }
0x2c: {  	s7 =	sld [smem:$0x3FB4]  }
0x2d: {  	s3 =	simm.s32 $0x108;
	s8 =	sld [smem:$0x3FB5]  }
0x2e: {  	s3 =	simm.s32 @!p0 $0x1082;
	s9 =	sld [smem:$0x3FB6]  }
0x2f: {  	lr =	sadd.s32 s0, s3;
	s0 =	sld [smem:$0x3FAD]  }
0x30: {  	s3 =	sld [smem:$0x3FB0]  }
0x31: {  	[smem:$0x3FB9] =	sst s10  }
0x32: {  	s10 =	sld [smem:$0x3FB7];
	_ =	sdelay $0x3  }
0x33: {  	p0 =	seq.s32 s10, $0x1;
	s10 =	sld [smem:$0x3FB9];
	_ =	sdelay $0x3  }
0x34: {  	[smem:$0x3FB9] =	sst s10  }
0x35: {  	s10 =	sld [smem:$0x3FB8];
	_ =	sdelay $0x3  }
0x36: {  	p1 =	seq.s32 s10, $0x1;
	s10 =	sld [smem:$0x3FB9];
	_ =	sdelay $0x3  }
0x37: {  	[smem:$0x3FB9] =	sst s10  }
0x38: {  	s10 =	sld [smem:$0x3FBA]  }
0x39: {  	_ = 	snop;
	(pc) =	sbr.ind lr, $3  }
0x3a: {  	_ = 	snop  }
0x3b: {  	_ = 	snop  }
0x3c: {  	p2 =	seq.s32 s10, $0x1;
	s10 =	sld [smem:$0x3FB9]  }
0x3d: {  	_ =	shalt  }
0x3e: {  	_ =	shalt  }
0x3f: {  	_ =	shalt  }
0x40: {  	_ =	shalt  }
0x41: {  	_ =	shalt  }
0x42: {  	_ =	shalt  }
0x43: {  	_ =	shalt  }
0x44: {  	_ =	shalt  }
0x45: {  	_ =	shalt  }
0x46: {  	_ =	shalt  }
0x47: {  	_ =	shalt  }
0x48: {  	_ =	shalt  }
0x49: {  	_ =	shalt  }
0x4a: {  	_ =	shalt  }
0x4b: {  	_ =	shalt  }
0x4c: {  	_ =	shalt  }
0x4d: {  	_ =	shalt  }
0x4e: {  	_ =	shalt  }
0x4f: {  	_ =	shalt  }
0x50: {  	_ =	shalt  }
0x51: {  	_ =	shalt  }
0x52: {  	_ =	shalt  }
0x53: {  	_ =	shalt  }
0x54: {  	_ =	shalt  }
0x55: {  	_ =	shalt  }
0x56: {  	_ =	shalt  }
0x57: {  	_ =	shalt  }
0x58: {  	_ =	shalt  }
0x59: {  	_ =	shalt  }
0x5a: {  	_ =	shalt  }
0x5b: {  	_ =	shalt  }
0x5c: {  	_ =	shalt  }
0x5d: {  	_ =	shalt  }
0x5e: {  	_ =	shalt  }
0x5f: {  	_ =	shalt  }
0x60: {  	_ =	shalt  }
0x61: {  	_ =	shalt  }
0x62: {  	_ =	shalt  }
0x63: {  	_ =	shalt  }
0x64: {  	_ =	shalt  }
0x65: {  	_ =	shalt  }
0x66: {  	_ =	shalt  }
0x67: {  	_ =	shalt  }
0x68: {  	_ =	shalt  }
0x69: {  	_ =	shalt  }
0x6a: {  	_ =	shalt  }
0x6b: {  	_ =	shalt  }
0x6c: {  	_ =	shalt  }
0x6d: {  	_ =	shalt  }
0x6e: {  	_ =	shalt  }
0x6f: {  	_ =	shalt  }
0x70: {  	_ =	shalt  }
0x71: {  	_ =	shalt  }
0x72: {  	_ =	shalt  }
0x73: {  	_ =	shalt  }
0x74: {  	_ =	shalt  }
0x75: {  	_ =	shalt  }
0x76: {  	_ =	shalt  }
0x77: {  	_ =	shalt  }
0x78: {  	_ =	shalt  }
0x79: {  	_ =	shalt  }
0x7a: {  	_ =	shalt  }
0x7b: {  	_ =	shalt  }
0x7c: {  	_ =	shalt  }
0x7d: {  	_ =	shalt  }
0x7e: {  	_ =	shalt  }
0x7f: {  	_ =	shalt  }
0x80: {  	_ =	shalt  }
0x81: {  	_ =	shalt  }
0x82: {  	_ =	shalt  }
0x83: {  	_ =	shalt  }
0x84: {  	_ =	shalt  }
0x85: {  	_ =	shalt  }
0x86: {  	_ =	shalt  }
0x87: {  	_ =	shalt  }
.Lfunc_end0:
.L_simem_size_0:
called_computation_lowered:
.L_overlay_start_0:
0x88: {  	s2 =	sld [smem:$0x3FD9]  }
0x89: {  	s3 =	sld [smem:$0x3FFE];
	_ =	sdelay $0x1  }
0x8a: {  	s1 =	srdreg.scid  }
0x8b: {  	s0 =	sand.u32 $0x1, s1  }
0x8c: {  	s17 =	sshll.u32 s0, $0xA;
	s2 =	sadd.s32 s3, s2  }
0x8d: {  	s2 =	sadd.s32 s2, s17  }
0x8e: {  	[smem:$0x3FC5] =	sst s2  }
0x8f: {  	_ = 	snop  }
0x90: {  	s2 =	sld [smem:$0x3FD0];
	(tm) =	ssettm $0x1  }
0x91: {  	s18 =	sld [smem:$0x3FFB];
	_ =	sdelay $0x3  }
0x92: {  	_ =	strace s18  }
0x93: {  	s3 =	sld [smem:$0x3FFC];
	_ =	sdelay $0x3  }
0x94: {  	_ =	strace s3  }
0x95: {  	s3 =	sld [smem:$0x3FFD];
	_ =	sdelay $0x3  }
0x96: {  	_ =	strace s3  }
0x97: {  	_ =	strace $0x8FFFFFFF  }
0x98: {  	s19 =	sld [smem:$0x3FDB];
	_ =	sdelay $0x1  }
0x99: {  	s4 =	simm.s32 $_scs_section_size  }
0x9a: {  	s5 =	simm.s32 $_size__tile_overlayer_lowered;
	s6 =	simm.s32 $_tile_overlayer_lowered  }
0x9b: {  	s22 =	simm.s32 $0x1BFF;
	s21 =	sshll.u32 s6, $0x1;
	s3 =	sadd.s32 s4, s19  }
0x9c: {  	s7 =	simm.s32 $0x0;
	s20 =	sshll.u32 s5, $0x1;
	s5 =	sadd.s32 s21, s3  }
0x9d: {  	[timem:s7], [sflag:s22] =	dma.local [hbm:s5], s20  }
0x9e: {  	_ =	swait.ge [sflag:s22], s20  }
0x9f: {  	s4 =	ssub.s32 $0x0, s20;
	[sflag:s22] =	ssyncset.done $0x0  }
0xa0: {  	[sflag:s22] =	ssyncadd.s32 s4;
	_ =	sdelay $0x1  }
0xa1: {  	s23 =	simm.s32 $0x1B8B  }
0xa2: {  	_ =	swait.ge [sflag:s23], $0x1  }
0xa3: {  	[sflag:s23] =	ssyncset.done $0x0  }
0xa4: {  	s25 =	simm.s32 $0x1B8E;
	s24 =	sld [smem:$0x3FFE];
	[sflag:s23] =	ssyncadd.s32 $0xFFFFFFFF  }
0xa5: {  	s26 =	simm.s32 $execute0_lowered;
	[smem:$0x3FD2] =	sst s25  }
0xa6: {  	s5 =	sshll.u32 s26, $0x1;
	_ =	strace $0x80000046;
	[dreg:$0x1] =	wrdreg $0xFFFFFFFF  }
0xa7: {  	s28 =	simm.s32 $_size_execute0_lowered;
	s3 =	sadd.s32 s3, s5;
	[dreg:$0x0] =	wrdreg $0x0  }
0xa8: {  	s5 =	sshll.u32 s28, $0x1;
	[dreg:$0x2] =	wrdreg s3  }
0xa9: {  	[dreg:$0x3] =	wrdreg s5  }
0xaa: {  	[dreg:$0x4] =	wrdreg $0xC0  }
0xab: {  	_ =	task [dreg:s7], $0x5FFFF  }
0xac: {  	[dreg:$0x1] =	wrdreg $0xFFFFFFFF  }
0xad: {  	[dreg:$0x0] =	wrdreg $0x60  }
0xae: {  	[dreg:$0x2] =	wrdreg s24  }
0xaf: {  	[dreg:$0x3] =	wrdreg s2  }
0xb0: {  	[dreg:$0x4] =	wrdreg $0x9  }
0xb1: {  	_ =	task.clear_ibuf [dreg:s7], $0x5FFFF;
	_ =	strace $0x90000046  }
0xb2: {  	s29 =	simm.s32 $0x9;
	_ =	strace $0x80000048  }
0xb3: {  	_ =	swait.ge [sflag:s29], $0x1  }
0xb4: {  	[sflag:s29] =	ssyncadd.s32 $0xFFFFFFFF  }
0xb5: {  	_ =	strace $0x90000048  }
0xb6: {  	_ =	sfence  }
0xb7: {  	s30 =	sld [smem:$0x0];
	_ =	sdelay $0x2  }
0xb8: {  	s31 =	sshll.u32 s1, $0xD;
	s1 =	sshrl.u32 s1, $0x2  }
0xb9: {  	s3 =	sand.u32 $0x4000, s31;
	s1 =	sadd.s32 s1, s30  }
0xba: {  	s0 =	sor.u32 s3, s0;
	s1 =	sshll.u32 s1, $0x11  }
0xbb: {  	s0 =	sor.u32 s1, s0  }
0xbc: {  	s0 =	sadd.s32 $0x8F2B, s0  }
0xbd: {  	[sflag:s0] =	ssyncadd.remote.s32 $0x1  }
0xbe: {  	_ =	sfence.sel $0xFFFF  }
0xbf: {  	[dreg:$0x0] =	wrdreg $0xFFFFFFFF;
	(pc) =	sbr.abs _section_cstart, $3  }
0xc0: {  	[dreg:$0x1] =	wrdreg $0xFFFFFFFF  }
0xc1: {  	_ =	task.clear_ibuf [dreg:s7], $0x2FFFF;
	_ =	strace $0x9FFFFFFF  }
0xc2: {  	(tm) =	ssettm $0x7FFFFFFF  }
0xc3: {  	_ =	shalt  }
tec
execute0_lowered:
.L_overlay_start_1:
0x0: {  	(tag) =	ssettag $0x1  }
0x1: {  	s0 =	srdreg.scid;
	s1 =	rddreg [dreg:$0x0]  }
0x2: {  	s2 =	stileid.u32;
	s7 =	rddreg [dreg:$0x1]  }
0x3: {  	s9 =	simm.s32 $0x6;
	s11 =	simm.s32 $0x50;
	s26 =	simm.s32 $0x9E20  }
0x4: {  	s29 =	simm.s32 $0x10220;
	s30 =	simm.s32 $0x1;
	s31 =	simm.s32 $0x11620  }
0x5: {  	s12 =	simm.s32 $0x4;
	s0 =	sand.u32 $0x1, s0;
	s2 =	sshll.u32 s2, $0x1  }
0x6: {  	v0 =	vimm.s32 $0x0;
	vm0 =	vcmask $0x300;
	s13 =	simm.s32 $0x5;
	s14 =	simm.s32 $0x0;
	s3 =	sor.u32 s0, s2  }
0x7: {  	s4 =	sadd.s32 $0x14800, s1;
	v0 =	vsel vm0, $0x3, v0;
	vm0 =	vcmask $0x3F3C;
	s2 =	simm.s32 $0x0;
	s3 =	smul.u32 $0x2710, s3  }
.Ltmp0:
0x8: {  	s0 =	ssub.s32 $0x2, s0;
	[smem:$0x7FF] =	sst s2;
	(pc) =	sbr.rel .LBB2_1-.Ltmp0, $4  }
0x9: {  	s5 =	sshrl.u32 s0, $0x1;
	_ =	strace $0x80000047;
	s8 =	sshrl.u32 s3, $0x3  }
0xa: {  	s0 =	ssub.s32 s0, s5;
	s3 =	sadd.s32 $0xE00, s1;
	s6 =	sadd.s32 s8, s1  }
0xb: {  	s7 =	sadd.s32 s7, s8;
	s8 =	smax.u32 s0, $0x1;
	s1 =	simm.s32 $0x2  }
0xc: {  	s0 =	simm.s32 $0x3;
	s5 =	sadd.s32 $0x28200, s6;
	s6 =	sadd.s32 $0x31E40, s6  }
.LBB2_14:
0xd: {  	s14 =	sadd.s32 $0x1, s14  }
0xe: {  	p0 =	sne.s32 s14, s8  }
.Ltmp1:
0xf: {  	_ = 	snop;
	(pc) =	sbr.rel @!p0 .LBB2_15-.Ltmp1, $4  }
0x10: {  	[hbm4b:s7+s2] =	stream.linear.scatter [tilespmem:s31], [sflag:$0x6], $0x2710, $0x38;
	[tilespmem:$0x13D30] =	vst v63  }
0x11: {  	_ =	swait.ge [sflag:s9], $0x2710  }
0x12: {  	[sflag:s9] =	ssyncset.done $0x0  }
0x13: {  	[sflag:s9] =	ssyncadd.s32 $0xFFFFD8F0  }
.LBB2_1:
0x14: {  	[tilespmem:s2], [sflag:$0x6] =	stream.linear.gather [hbm4b:s5+s2], $0x2710, $0x38;
	[tilespmem:$0x13D30] =	vst v63  }
0x15: {  	_ =	swait.ge [sflag:s9], $0x2710  }
0x16: {  	[sflag:s9] =	ssyncset.done $0x0  }
0x17: {  	s10 =	simm.s32 $0x2710;
	[sflag:s9] =	ssyncadd.s32 $0xFFFFD8F0  }
0x18: {  	[tilespmem:s10], [sflag:$0x6] =	stream.linear.gather [hbm4b:s6+s2], $0x2710, $0x38;
	[tilespmem:$0x13D30] =	vst v63  }
0x19: {  	_ =	swait.ge [sflag:s9], $0x2710  }
0x1a: {  	[sflag:s9] =	ssyncset.done $0x0  }
0x1b: {  	s15 =	simm.s32 $0x4E20;
	[sflag:s9] =	ssyncadd.s32 $0xFFFFD8F0  }
0x1c: {  	[tilespmem:s15], [sflag:$0x1] =	stream.indirect.gather [hbm4b:s3+s11], $0x40, s2, s11, $0xb8;
	[tilespmem:$0x13D30] =	vst v63  }
0x1d: {  	s25 =	simm.s32 $0xB220  }
0x1e: {  	[tilespmem:s25], [sflag:$0x1] =	stream.indirect.gather [hbm4b:s4+s11], $0x40, s10, s11, $0xb8;
	[tilespmem:$0x13D30] =	vst v63  }
0x1f: {  	s28 =	simm.s32 $0x6220  }
0x20: {  	[tilespmem:s28], [sflag:$0x2] =	stream.indirect.gather [hbm4b:s3+s11], $0x40, s11, s11, $0xb8;
	[tilespmem:$0x13D30] =	vst v63  }
0x21: {  	s16 =	simm.s32 $0xC620;
	s15 =	simm.s32 $0x2760  }
0x22: {  	[tilespmem:s16], [sflag:$0x2] =	stream.indirect.gather [hbm4b:s4+s11], $0x40, s15, s11, $0xb8;
	[tilespmem:$0x13D30] =	vst v63  }
0x23: {  	s17 =	simm.s32 $0xA0;
	s18 =	simm.s32 $0x7620  }
0x24: {  	[tilespmem:s18], [sflag:$0x3] =	stream.indirect.gather [hbm4b:s3+s11], $0x40, s17, s11, $0xb8;
	[tilespmem:$0x13D30] =	vst v63  }
0x25: {  	s19 =	simm.s32 $0x27B0;
	s20 =	simm.s32 $0xDA20  }
0x26: {  	[tilespmem:s20], [sflag:$0x3] =	stream.indirect.gather [hbm4b:s4+s11], $0x40, s19, s11, $0xb8;
	[tilespmem:$0x13D30] =	vst v63  }
0x27: {  	s21 =	simm.s32 $0xF0;
	s22 =	simm.s32 $0x8A20  }
0x28: {  	[tilespmem:s22], [sflag:$0x4] =	stream.indirect.gather [hbm4b:s3+s11], $0x40, s21, s11, $0xb8;
	[tilespmem:$0x13D30] =	vst v63  }
0x29: {  	s23 =	simm.s32 $0x2800;
	s24 =	simm.s32 $0xEE20  }
0x2a: {  	[tilespmem:s24], [sflag:$0x4] =	stream.indirect.gather [hbm4b:s4+s11], $0x40, s23, s11, $0xb8;
	[tilespmem:$0x13D30] =	vst v63  }
0x2b: {  	s25 =	simm.s32 $0x140  }
0x2c: {  	[tilespmem:s26], [sflag:$0x5] =	stream.indirect.gather [hbm4b:s3+s11], $0x40, s25, s11, $0xb8;
	[tilespmem:$0x13D30] =	vst v63  }
0x2d: {  	s28 =	simm.s32 $0x2850;
	s15 =	simm.s32 $0x0;
	s16 =	simm.s32 $0x0  }
0x2e: {  	[tilespmem:s29], [sflag:$0x5] =	stream.indirect.gather [hbm4b:s4+s11], $0x40, s28, s11, $0xb8;
	[tilespmem:$0x13D30] =	vst v63  }
.LBB2_2:
0x2f: {  	_ =	swait.ge [sflag:s30], $0x1400  }
0x30: {  	[sflag:s30] =	ssyncset.done $0x0  }
0x31: {  	[sflag:s30] =	ssyncadd.s32 $0xFFFFEC00  }
0x32: {  	_ =	swait.ge [sflag:s30], $0x1400  }
0x33: {  	[sflag:s30] =	ssyncset.done $0x0  }
0x34: {  	s17 =	simm.s32 $0x4F20;
	[sflag:s30] =	ssyncadd.s32 $0xFFFFEC00  }
0x35: {  	s18 =	simm.s32 $0xB320;
	v1 =	vld [tilespmem:s17+$0xE0]  }
0x36: {  	v2 =	vld [tilespmem:s18+$0xE0]  }
0x37: {  	v3 =	vld [tilespmem:s17+$0xC0]  }
0x38: {  	v4 =	vld [tilespmem:s18+$0xC0]  }
0x39: {  	v5 =	vld [tilespmem:s17+$0xD0]  }
0x3a: {  	v6 =	vld [tilespmem:s18+$0xD0]  }
0x3b: {  	v7 =	vld [tilespmem:s17+$0xF0]  }
0x3c: {  	v8 =	vld [tilespmem:s18+$0xF0]  }
0x3d: {  	v9 =	vld [tilespmem:s18+$0xFFFFFF00]  }
0x3e: {  	v10 =	vld [tilespmem:s17+$0xFFFFFF10]  }
0x3f: {  	v11 =	vld [tilespmem:s18+$0xFFFFFF10]  }
0x40: {  	v12 =	vld [tilespmem:s17+$0xFFFFFF40]  }
0x41: {  	v13 =	vld [tilespmem:s18+$0xFFFFFF40]  }
0x42: {  	v14 =	vld [tilespmem:s17+$0xFFFFFF50]  }
0x43: {  	v15 =	vld [tilespmem:s18+$0xFFFFFF50]  }
0x44: {  	v16 =	vld [tilespmem:s17+$0xFFFFFF80]  }
0x45: {  	v17 =	vld [tilespmem:s18+$0xFFFFFF80]  }
0x46: {  	v18 =	vld [tilespmem:s17+$0xFFFFFF90]  }
0x47: {  	v20 =	vld [tilespmem:s18+$0x0]  }
0x48: {  	v23 =	vld [tilespmem:s18+$0x50]  }
0x49: {  	v26 =	vld [tilespmem:s18+$0x90]  }
0x4a: {  	v3 =	vmul.bf16 v4, v3;
	v4 =	vmul.bf16 v6, v5;
	v5 =	vld [tilespmem:s18+$0xFFFFFF90]  }
0x4b: {  	v6 =	vld [tilespmem:s17+$0xFFFFFFC0]  }
0x4c: {  	v1 =	vmul.bf16 v2, v1;
	v2 =	vmul.bf16 v8, v7;
	v7 =	vld [tilespmem:s17+$0xFFFFFFD0];
	v3 =	vadd.bf16 v4, v3  }
0x4d: {  	v4 =	vld [tilespmem:s18+$0xFFFFFFC0]  }
0x4e: {  	v1 =	vadd.bf16 v2, v1;
	v2 =	vld [tilespmem:s18+$0xFFFFFFD0];
	v8 =	vunpack.i.u.bf16.f32 v3;
	v3 =	vunpack.i.l.bf16.f32 v3  }
0x4f: {  	s19 =	sadd.s32 $0xFFFFFFF8, s15;
	v12 =	vmul.bf16 v13, v12;
	v13 =	vmul.bf16 v15, v14;
	v14 =	vld [tilespmem:s17+$0x10];
	v3 =	vadd.f32 v3, v8  }
0x50: {  	s23 =	sadd.s32 $0xB, s19;
	s28 =	sadd.s32 $0xE, s19;
	v10 =	vmul.bf16 v11, v10;
	v11 =	vld [tilespmem:s18+$0x10];
	v19 =	vunpack.i.l.bf16.f32 v1  }
0x51: {  	v22 =	vmov s23;
	v25 =	vmov s28;
	v8 =	vld [tilespmem:s17+$0x0];
	v3 =	vadd.f32 v19, v3  }
0x52: {  	v25 =	vshrl.u32 v25, $0x3;
	v62 =	vld [tilespmem:s18+$0xFFFFFFB0];
	v1 =	vunpack.i.u.bf16.f32 v1;
	v5 =	vmul.bf16 v5, v18  }
0x53: {  	s20 =	sadd.s32 $0x9, s19;
	v18 =	vld [tilespmem:s17+$0x50];
	v4 =	vmul.bf16 v4, v6;
	v2 =	vmul.bf16 v2, v7;
	v15 =	vadd.f32 v3, v1  }
0x54: {  	s21 =	sadd.s32 $0xA, s19;
	s22 =	sadd.s32 $0xF, s19;
	v63 =	vld [tilespmem:s18+$0xFFFFFFE0];
	v1 =	vadd.bf16 v13, v12;
	v3 =	vmul.bf16 v17, v16;
	v13 =	vmov s20  }
0x55: {  	v19 =	vld [tilespmem:s18+$0x40];
	v16 =	vmov s21;
	v17 =	vmov s22;
	v2 =	vadd.bf16 v2, v4  }
0x56: {  	v6 =	vld [tilespmem:s17+$0x80];
	v17 =	vshrl.u32 v17, $0x3;
	v4 =	vmul.bf16 v20, v8;
	v8 =	vmul.bf16 v11, v14  }
0x57: {  	v7 =	vld [tilespmem:s17+$0x90];
	v13 =	vshrl.u32 v13, $0x3;
	v14 =	vshrl.u32 v16, $0x3;
	v16 =	vshrl.u32 v22, $0x3  }
0x58: {  	v12 =	vld [tilespmem:s17+$0x40];
	v18 =	vmul.bf16 v23, v18;
	v21 =	vunpack.i.u.bf16.f32 v1;
	v1 =	vunpack.i.l.bf16.f32 v1  }
0x59: {  	v11 =	vld [tilespmem:s17+$0xFFFFFF00];
	v17 =	vshll.u32 v17, v0;
	v3 =	vadd.bf16 v5, v3;
	v22 =	vunpack.i.u.bf16.f32 v2  }
0x5a: {  	v20 =	vld [tilespmem:s17+$0xFFFFFF20];
	v2 =	vunpack.i.l.bf16.f32 v2;
	v13 =	vshll.u32 v13, v0;
	v14 =	vshll.u32 v14, v0  }
0x5b: {  	s24 =	sadd.s32 $0xC, s19;
	v5 =	vadd.s32 $0x7, v17;
	v17 =	vadd.f32 v1, v21;
	v4 =	vadd.bf16 v8, v4;
	v8 =	vld [tilespmem:s18+$0xFFFFFF20]  }
0x5c: {  	v1 =	vmov s24;
	v2 =	vadd.f32 v2, v22;
	v22 =	vld [tilespmem:s18+$0xFFFFFF30];
	v24 =	vunpack.i.u.bf16.f32 v3  }
0x5d: {  	v3 =	vunpack.i.l.bf16.f32 v3;
	v27 =	vshrl.u32 v1, $0x3;
	v12 =	vmul.bf16 v19, v12;
	v19 =	vld [tilespmem:s17+$0xFFFFFF30]  }
0x5e: {  	s25 =	sadd.s32 $0xD, s19;
	v21 =	vld [tilespmem:s18+$0x80];
	v24 =	vadd.f32 v3, v24;
	v1 =	vunpack.i.u.bf16.f32 v4;
	v4 =	vunpack.i.l.bf16.f32 v4  }
0x5f: {  	v3 =	vmov s25;
	v1 =	vadd.f32 v4, v1;
	v4 =	vld [tilespmem:s17+$0xFFFFFF60];
	v9 =	vmul.bf16 v9, v11  }
0x60: {  	v16 =	vshll.u32 v16, v0;
	v23 =	vshrl.u32 v3, $0x3;
	v11 =	vld [tilespmem:s18+$0xFFFFFF60];
	v3 =	vadd.bf16 v18, v12  }
0x61: {  	v7 =	vmul.bf16 v26, v7;
	v18 =	vld [tilespmem:s17+$0xFFFFFF70];
	v9 =	vadd.bf16 v10, v9;
	v8 =	vmul.bf16 v8, v20  }
0x62: {  	v10 =	vld [tilespmem:s18+$0xFFFFFF70];
	v20 =	vunpack.i.u.bf16.f32 v3;
	v3 =	vunpack.i.l.bf16.f32 v3;
	v19 =	vmul.bf16 v22, v19  }
0x63: {  	v13 =	vadd.s32 $0x1, v13;
	v6 =	vmul.bf16 v21, v6;
	v21 =	vld [tilespmem:s17+$0xFFFFFFA0];
	v3 =	vadd.f32 v3, v20  }
0x64: {  	v20 =	vld [tilespmem:s18+$0xFFFFFFA0];
	v61 =	vunpack.i.u.bf16.f32 v9;
	v9 =	vunpack.i.l.bf16.f32 v9;
	v8 =	vadd.bf16 v19, v8  }
0x65: {  	v14 =	vadd.s32 $0x2, v14;
	v22 =	vshll.u32 v27, v0;
	v9 =	vadd.f32 v9, v61;
	v19 =	vld [tilespmem:s17+$0xFFFFFFB0]  }
0x66: {  	(xrf2) =	vadd.scan.msk.f32 $0xffff, v15;
	v15 =	vld [tilespmem:s17+$0xFFFFFFF0];
	v6 =	vadd.bf16 v7, v6;
	v4 =	vmul.bf16 v11, v4;
	v7 =	vunpack.i.l.bf16.f32 v8  }
0x67: {  	s19 =	sadd.s32 $0x8, s19;
	v10 =	vmul.bf16 v10, v18;
	v18 =	vadd.s32 $0x4, v22;
	v22 =	vld [tilespmem:s18+$0xFFFFFFF0];
	v7 =	vadd.f32 v7, v9  }
0x68: {  	v16 =	vadd.s32 $0x3, v16;
	v12 =	vmov s19;
	v11 =	vld [tilespmem:s17+$0xFFFFFFE0];
	v8 =	vunpack.i.u.bf16.f32 v8  }
0x69: {  	v12 =	vshrl.u32 v12, $0x3;
	v4 =	vadd.bf16 v10, v4;
	v7 =	vadd.f32 v7, v8  }
0x6a: {  	v28 =	vshll.u32 v12, v0;
	v20 =	vmul.bf16 v20, v21;
	v21 =	vld [tilespmem:s17+$0x20];
	v12 =	vmul.bf16 v62, v19  }
0x6b: {  	v9 =	vbroadcast v13, $0x0;
	v13 =	vld [tilespmem:s17+$0x30];
	v10 =	vunpack.i.l.bf16.f32 v4;
	(xrf2) =	vadd.scan.msk.f32 $0xffff, v7;
	v7 =	vbroadcast v14, $0x0  }
0x6c: {  	v12 =	vadd.bf16 v12, v20;
	v20 =	vld [tilespmem:s18+$0x30];
	v14 =	vmul.bf16 v22, v15;
	v15 =	vadd.f32 v10, v17  }
0x6d: {  	v5 =	vbroadcast v5, $0x0;
	v11 =	vmul.bf16 v63, v11;
	v19 =	vld [tilespmem:s18+$0x20];
	v17 =	vunpack.i.u.bf16.f32 v4  }
0x6e: {  	v8 =	vunpack.i.u.bf16.f32 v6;
	v6 =	vunpack.i.l.bf16.f32 v6;
	v17 =	vadd.f32 v15, v17  }
0x6f: {  	v8 =	vadd.f32 v6, v8;
	v6 =	vbroadcast v16, $0x0;
	v16 =	vld [tilespmem:s18+$0x60];
	v10 =	vunpack.i.l.bf16.f32 v12  }
0x70: {  	v25 =	vshll.u32 v25, v0;
	v22 =	vld [tilespmem:s17+$0x60];
	v11 =	vadd.bf16 v14, v11;
	v24 =	vadd.f32 v10, v24;
	v15, _, _ =	vpop (xrf2);
	(xrf2) =	vadd.scan.msk.f32 $0xffff, v17  }
0x71: {  	v12 =	vunpack.i.u.bf16.f32 v12;
	v14 =	vld [tilespmem:s18+$0x70];
	v20 =	vmul.bf16 v20, v13;
	v13 =	vbroadcast v28, $0x0  }
0x72: {  	v4 =	vbroadcast v18, $0x0;
	v10 =	vld [tilespmem:s17+$0x70];
	v18 =	vmul.bf16 v19, v21;
	v19 =	vadd.f32 v24, v12  }
0x73: {  	v25 =	vadd.s32 $0x6, v25;
	v23 =	vshll.u32 v23, v0;
	v21 =	vunpack.i.l.bf16.f32 v11;
	v12 =	vld [tilespmem:s17+$0xA0]  }
0x74: {  	v23 =	vadd.s32 $0x5, v23;
	[tilespmem:v5+s31+$0x0] =	vst.idx.msk vm0, v15;
	v21 =	vadd.f32 v21, v2;
	v15 =	vld [tilespmem:s18+$0xA0];
	(xrf2) =	vadd.scan.msk.f32 $0xffff, v19  }
0x75: {  	v17 =	vunpack.i.u.bf16.f32 v11;
	v11 =	vld [tilespmem:s17+$0xB0];
	v5 =	vbroadcast v23, $0x0;
	v20 =	vadd.bf16 v20, v18  }
0x76: {  	s20 =	simm.s32 $0x5120;
	s19 =	simm.s32 $0x0;
	v2 =	vbroadcast v25, $0x0;
	s17 =	smul.u32 $0x190, s16;
	v18 =	vmul.bf16 v16, v22;
	v16 =	vadd.f32 v21, v17;
	v17 =	vld [tilespmem:s18+$0xB0];
	v19, _, _ =	vpop (xrf2)  }
.LBB2_3:
0x77: {  	v21 =	vld [tilespmem:s20+$0xE0];
	[tilespmem:v13+s31+$0x0] =	vst.idx.msk vm0, v19;
	v13 =	vunpack.i.u.bf16.f32 v20;
	v19 =	vunpack.i.l.bf16.f32 v20;
	v10 =	vmul.bf16 v14, v10;
	s18 =	sadd.s32 $0x200, s18;
	s21 =	smov.u32 s19  }
0x78: {  	v14 =	vld [tilespmem:s18+$0xE0];
	v1 =	vadd.f32 v19, v1;
	(xrf2) =	vadd.scan.msk.f32 $0xffff, v16  }
0x79: {  	v16 =	vld [tilespmem:s20+$0xC0];
	v10 =	vadd.bf16 v10, v18;
	v12 =	vmul.bf16 v15, v12  }
0x7a: {  	v15 =	vld [tilespmem:s18+$0xC0];
	v1 =	vadd.f32 v1, v13;
	v13, _, _ =	vpop (xrf2)  }
0x7b: {  	v18 =	vld [tilespmem:s20+$0xD0];
	[tilespmem:v9+s31+$0x0] =	vst.idx.msk vm0, v13;
	v9 =	vunpack.i.u.bf16.f32 v10;
	v10 =	vunpack.i.l.bf16.f32 v10;
	v11 =	vmul.bf16 v17, v11  }
0x7c: {  	s19 =	sadd.s32 $0x8, s19;
	v13 =	vld [tilespmem:s18+$0xD0];
	v3 =	vadd.f32 v10, v3;
	(xrf2) =	vadd.scan.msk.f32 $0xffff, v1  }
0x7d: {  	p0 =	slt.u32 s19, $0x48;
	v1 =	vld [tilespmem:s20+$0xF0];
	v10 =	vadd.bf16 v11, v12  }
0x7e: {  	v11 =	vld [tilespmem:s18+$0xF0];
	v9 =	vadd.f32 v3, v9;
	v12, _, _ =	vpop (xrf2)  }
0x7f: {  	v3 =	vld [tilespmem:s18+$0xFFFFFF00];
	[tilespmem:v7+s31+$0x0] =	vst.idx.msk vm0, v12;
	v7 =	vunpack.i.u.bf16.f32 v10;
	v10 =	vunpack.i.l.bf16.f32 v10  }
0x80: {  	v12 =	vld [tilespmem:s20+$0xFFFFFF10];
	v17 =	vadd.f32 v10, v8;
	(xrf2) =	vadd.scan.msk.f32 $0xffff, v9  }
0x81: {  	v10 =	vmul.bf16 v15, v16;
	v9 =	vld [tilespmem:s18+$0xFFFFFF10];
	v13 =	vmul.bf16 v13, v18  }
0x82: {  	v15 =	vld [tilespmem:s20+$0xFFFFFF40];
	v7 =	vadd.f32 v17, v7;
	v8, _, _ =	vpop (xrf2)  }
0x83: {  	v16 =	vld [tilespmem:s18+$0xFFFFFF40];
	v17 =	vadd.bf16 v13, v10;
	v13 =	vmul.bf16 v14, v21;
	v1 =	vmul.bf16 v11, v1  }
0x84: {  	v11 =	vld [tilespmem:s20+$0xFFFFFF50];
	[tilespmem:v6+s31+$0x0] =	vst.idx.msk vm0, v8;
	(xrf2) =	vadd.scan.msk.f32 $0xffff, v7  }
0x85: {  	v7 =	vld [tilespmem:s18+$0xFFFFFF50];
	v8 =	vunpack.i.u.bf16.f32 v17;
	v14 =	vunpack.i.l.bf16.f32 v17;
	v1 =	vadd.bf16 v1, v13  }
0x86: {  	v6 =	vmul.bf16 v9, v12;
	v9 =	vld [tilespmem:s20+$0xFFFFFF80];
	v8 =	vadd.f32 v14, v8;
	v10, _, _ =	vpop (xrf2)  }
0x87: {  	v12 =	vld [tilespmem:s18+$0xFFFFFF80];
	v13 =	vunpack.i.l.bf16.f32 v1;
	[tilespmem:v4+s31+$0x0] =	vst.idx.msk vm0, v10  }
0x88: {  	v4 =	vmul.bf16 v16, v15;
	v10 =	vld [tilespmem:s20+$0xFFFFFF90];
	v14 =	vadd.f32 v13, v8  }
0x89: {  	v1 =	vunpack.i.u.bf16.f32 v1;
	v13 =	vld [tilespmem:s18+$0xFFFFFF90]  }
0x8a: {  	v7 =	vmul.bf16 v7, v11;
	v11 =	vld [tilespmem:s20+$0xFFFFFFC0];
	v1 =	vadd.f32 v14, v1;
	v8, _, _ =	vpop (xrf2)  }
0x8b: {  	s21 =	sadd.s32 s21, s15;
	v14 =	vld [tilespmem:s18+$0xFFFFFFC0];
	[tilespmem:v5+s31+$0x0] =	vst.idx.msk vm0, v8  }
0x8c: {  	s22 =	sadd.s32 $0x9, s21;
	s23 =	sadd.s32 $0xA, s21;
	s24 =	sadd.s32 $0xF, s21;
	v4 =	vadd.bf16 v7, v4;
	v5 =	vmul.bf16 v12, v9;
	v7 =	vld [tilespmem:s20+$0xFFFFFFD0];
	(xrf2) =	vadd.scan.msk.f32 $0xffff, v1  }
0x8d: {  	s25 =	sadd.s32 $0xD, s21;
	v8 =	vmov s23;
	s23 =	sadd.s32 $0xC, s21;
	v1 =	vmov s22;
	s22 =	sadd.s32 $0xB, s21;
	v12 =	vmov s24;
	v9 =	vld [tilespmem:s18+$0xFFFFFFD0]  }
0x8e: {  	s24 =	sadd.s32 $0x8, s21;
	s21 =	sadd.s32 $0xE, s21;
	v12 =	vshrl.u32 v12, $0x3;
	v15 =	vunpack.i.u.bf16.f32 v4;
	v10 =	vmul.bf16 v13, v10;
	v13 =	vld [tilespmem:s20+$0x0];
	v16, _, _ =	vpop (xrf2)  }
0x8f: {  	v17 =	vmov s22;
	v4 =	vunpack.i.l.bf16.f32 v4;
	v12 =	vshll.u32 v12, v0;
	v18 =	vld [tilespmem:s18+$0x0];
	[tilespmem:v2+s31+$0x0] =	vst.idx.msk vm0, v16  }
0x90: {  	v2 =	vadd.bf16 v10, v5;
	v5 =	vmul.bf16 v14, v11;
	v11 =	vld [tilespmem:s20+$0x10];
	v10 =	vadd.s32 $0x7, v12  }
0x91: {  	v12 =	vadd.f32 v4, v15;
	v14 =	vmov s23;
	v4 =	vld [tilespmem:s18+$0x10];
	v15 =	vbroadcast v10, $0x0  }
0x92: {  	v10 =	vunpack.i.u.bf16.f32 v2;
	v2 =	vunpack.i.l.bf16.f32 v2;
	v7 =	vmul.bf16 v9, v7;
	v9 =	vld [tilespmem:s20+$0x40]  }
0x93: {  	v19 =	vmov s21;
	v16 =	vmov s25;
	v10 =	vadd.f32 v2, v10;
	v2 =	vld [tilespmem:s18+$0x40]  }
0x94: {  	v1 =	vshrl.u32 v1, $0x3;
	v5 =	vadd.bf16 v7, v5;
	v7 =	vmul.bf16 v18, v13;
	v13 =	vld [tilespmem:s20+$0x50]  }
0x95: {  	v8 =	vshrl.u32 v8, $0x3;
	v17 =	vshrl.u32 v17, $0x3;
	v14 =	vshrl.u32 v14, $0x3;
	v18 =	vld [tilespmem:s18+$0x50]  }
0x96: {  	v20 =	vunpack.i.u.bf16.f32 v5;
	v5 =	vunpack.i.l.bf16.f32 v5;
	v4 =	vmul.bf16 v4, v11;
	v21 =	vld [tilespmem:s20+$0x80];
	v22, _, _ =	vpop (xrf2)  }
0x97: {  	v19 =	vshrl.u32 v19, $0x3;
	v11 =	vadd.f32 v5, v20;
	v5 =	vshrl.u32 v16, $0x3;
	v16 =	vld [tilespmem:s18+$0x80];
	[tilespmem:v15+s31+$0x0] =	vst.idx.msk vm0, v22  }
0x98: {  	v15 =	vmov s24;
	v4 =	vadd.bf16 v4, v7;
	v2 =	vmul.bf16 v2, v9;
	v7 =	vld [tilespmem:s20+$0x90]  }
0x99: {  	v8 =	vshll.u32 v8, v0;
	v17 =	vshll.u32 v17, v0;
	v9 =	vshll.u32 v1, v0;
	v20 =	vld [tilespmem:s18+$0x90]  }
0x9a: {  	v22 =	vld [tilespmem:s20+$0xFFFFFF00];
	v1 =	vunpack.i.u.bf16.f32 v4;
	v4 =	vunpack.i.l.bf16.f32 v4;
	v13 =	vmul.bf16 v18, v13  }
0x9b: {  	v5 =	vshll.u32 v5, v0;
	v18 =	vld [tilespmem:s20+$0xFFFFFF20];
	v1 =	vadd.f32 v4, v1;
	v4 =	vshll.u32 v14, v0  }
0x9c: {  	v14 =	vld [tilespmem:s18+$0xFFFFFF20];
	v2 =	vadd.bf16 v13, v2;
	v13 =	vmul.bf16 v16, v21;
	v16 =	vshll.u32 v19, v0  }
0x9d: {  	v15 =	vshrl.u32 v15, $0x3;
	v9 =	vadd.s32 $0x1, v9;
	v21 =	vadd.s32 $0x2, v8;
	v19 =	vld [tilespmem:s20+$0xFFFFFF30]  }
0x9e: {  	v8 =	vld [tilespmem:s18+$0xFFFFFF30];
	v23 =	vunpack.i.u.bf16.f32 v2;
	v2 =	vunpack.i.l.bf16.f32 v2;
	v7 =	vmul.bf16 v20, v7  }
0x9f: {  	v17 =	vadd.s32 $0x3, v17;
	v20 =	vmul.bf16 v3, v22;
	v22 =	vld [tilespmem:s20+$0xFFFFFF60];
	v3 =	vadd.f32 v2, v23  }
0xa0: {  	v5 =	vadd.s32 $0x5, v5;
	v4 =	vadd.s32 $0x4, v4;
	v2 =	vld [tilespmem:s18+$0xFFFFFF60];
	v7 =	vadd.bf16 v7, v13  }
0xa1: {  	v16 =	vadd.s32 $0x6, v16;
	v6 =	vadd.bf16 v6, v20;
	v13 =	vmul.bf16 v14, v18;
	v14 =	vld [tilespmem:s20+$0xFFFFFF70]  }
0xa2: {  	v15 =	vshll.u32 v15, v0;
	v18 =	vld [tilespmem:s18+$0xFFFFFF70];
	v20 =	vunpack.i.u.bf16.f32 v7;
	v7 =	vunpack.i.l.bf16.f32 v7  }
0xa3: {  	v23 =	vunpack.i.u.bf16.f32 v6;
	v6 =	vunpack.i.l.bf16.f32 v6;
	v19 =	vmul.bf16 v8, v19;
	v24 =	vld [tilespmem:s20+$0xFFFFFFA0]  }
0xa4: {  	v9 =	vbroadcast v9, $0x0;
	v8 =	vadd.f32 v7, v20;
	v23 =	vadd.f32 v6, v23;
	v25 =	vld [tilespmem:s18+$0xFFFFFFA0]  }
0xa5: {  	v7 =	vbroadcast v21, $0x0;
	v13 =	vadd.bf16 v19, v13;
	v19 =	vmul.bf16 v2, v22;
	v20 =	vld [tilespmem:s20+$0xFFFFFFB0]  }
0xa6: {  	v4 =	vbroadcast v4, $0x0;
	v6 =	vbroadcast v17, $0x0;
	v21 =	vld [tilespmem:s18+$0xFFFFFFB0]  }
0xa7: {  	v17 =	vunpack.i.u.bf16.f32 v13;
	v2 =	vunpack.i.l.bf16.f32 v13;
	v14 =	vmul.bf16 v18, v14;
	v18 =	vld [tilespmem:s20+$0xFFFFFFE0]  }
0xa8: {  	v5 =	vbroadcast v5, $0x0;
	v22 =	vadd.f32 v2, v23;
	v23 =	vld [tilespmem:s18+$0xFFFFFFE0];
	v2 =	vbroadcast v16, $0x0  }
0xa9: {  	v13 =	vbroadcast v15, $0x0;
	v14 =	vadd.bf16 v14, v19;
	v15 =	vmul.bf16 v25, v24;
	v16 =	vld [tilespmem:s20+$0xFFFFFFF0]  }
0xaa: {  	v17 =	vadd.f32 v22, v17;
	v19 =	vld [tilespmem:s18+$0xFFFFFFF0]  }
0xab: {  	v22 =	vunpack.i.u.bf16.f32 v14;
	v14 =	vunpack.i.l.bf16.f32 v14;
	v20 =	vmul.bf16 v21, v20;
	v21 =	vld [tilespmem:s20+$0x20]  }
0xac: {  	v12 =	vadd.f32 v14, v12;
	v14 =	vld [tilespmem:s18+$0x20];
	(xrf2) =	vadd.scan.msk.f32 $0xffff, v17  }
0xad: {  	v15 =	vadd.bf16 v20, v15;
	v17 =	vmul.bf16 v23, v18;
	v18 =	vld [tilespmem:s20+$0x30]  }
0xae: {  	v12 =	vadd.f32 v12, v22;
	v20 =	vld [tilespmem:s18+$0x30]  }
0xaf: {  	v22 =	vunpack.i.u.bf16.f32 v15;
	v15 =	vunpack.i.l.bf16.f32 v15;
	v16 =	vmul.bf16 v19, v16;
	v19 =	vld [tilespmem:s20+$0x60]  }
0xb0: {  	v15 =	vadd.f32 v15, v10;
	v23 =	vld [tilespmem:s18+$0x60];
	(xrf2) =	vadd.scan.msk.f32 $0xffff, v12  }
0xb1: {  	v12 =	vadd.bf16 v16, v17;
	v16 =	vmul.bf16 v14, v21;
	v10 =	vld [tilespmem:s20+$0x70]  }
.Ltmp2:
0xb2: {  	v17 =	vadd.f32 v15, v22;
	v14 =	vld [tilespmem:s18+$0x70];
	(pc) =	sbr.rel @p0 .LBB2_3-.Ltmp2, $4  }
0xb3: {  	v21 =	vunpack.i.u.bf16.f32 v12;
	v15 =	vunpack.i.l.bf16.f32 v12;
	v18 =	vmul.bf16 v20, v18;
	v12 =	vld [tilespmem:s20+$0xA0]  }
0xb4: {  	v22 =	vadd.f32 v15, v11;
	v15 =	vld [tilespmem:s18+$0xA0];
	(xrf2) =	vadd.scan.msk.f32 $0xffff, v17  }
0xb5: {  	v20 =	vadd.bf16 v18, v16;
	v18 =	vmul.bf16 v23, v19;
	v11 =	vld [tilespmem:s20+$0xB0]  }
0xb6: {  	s20 =	sadd.s32 $0x200, s20;
	v16 =	vadd.f32 v22, v21;
	v17 =	vld [tilespmem:s18+$0xB0];
	v19, _, _ =	vpop (xrf2)  }
0xb7: {  	_ =	sdelay $0x2  }
0xb8: {  	v10 =	vmul.bf16 v14, v10  }
0xb9: {  	v12 =	vmul.bf16 v15, v12;
	v11 =	vmul.bf16 v17, v11  }
0xba: {  	v10 =	vadd.bf16 v10, v18  }
0xbb: {  	v14 =	vunpack.i.l.bf16.f32 v20;
	v11 =	vadd.bf16 v11, v12  }
0xbc: {  	v1 =	vadd.f32 v14, v1;
	v12 =	vunpack.i.l.bf16.f32 v10  }
0xbd: {  	v14 =	vunpack.i.u.bf16.f32 v20;
	v3 =	vadd.f32 v12, v3;
	v12 =	vunpack.i.l.bf16.f32 v11  }
0xbe: {  	v1 =	vadd.f32 v1, v14;
	v10 =	vunpack.i.u.bf16.f32 v10;
	v8 =	vadd.f32 v12, v8  }
0xbf: {  	(xrf2) =	vadd.scan.msk.f32 $0xffff, v16;
	v3 =	vadd.f32 v3, v10;
	v10 =	vunpack.i.u.bf16.f32 v11  }
0xc0: {  	(xrf2) =	vadd.scan.msk.f32 $0xffff, v1;
	v1 =	vadd.f32 v8, v10  }
0xc1: {  	(xrf2) =	vadd.scan.msk.f32 $0xffff, v3  }
0xc2: {  	(xrf2) =	vadd.scan.msk.f32 $0xffff, v1;
	_ =	sdelay $0x4  }
0xc3: {  	[tilespmem:v13+s31+$0x0] =	vst.idx.msk vm0, v19;
	v1, _, _ =	vpop (xrf2)  }
0xc4: {  	v3, _, _ =	vpop (xrf2);
	[tilespmem:v9+s31+$0x0] =	vst.idx.msk vm0, v1  }
0xc5: {  	v1, _, _ =	vpop (xrf2);
	[tilespmem:v7+s31+$0x0] =	vst.idx.msk vm0, v3  }
0xc6: {  	[tilespmem:v6+s31+$0x0] =	vst.idx.msk vm0, v1;
	v1, _, _ =	vpop (xrf2)  }
0xc7: {  	[tilespmem:v4+s31+$0x0] =	vst.idx.msk vm0, v1;
	v1, _, _ =	vpop (xrf2)  }
0xc8: {  	p0 =	seq.s32 s16, $0x18;
	[tilespmem:v5+s31+$0x0] =	vst.idx.msk vm0, v1;
	v1, _, _ =	vpop (xrf2)  }
0xc9: {  	s18 =	sadd.s32 @!p0 $0x190, s17;
	s19 =	simm.s32 @!p0 $0x50;
	s20 =	simm.s32 @!p0 $0x4E20;
	[tilespmem:v2+s31+$0x0] =	vst.idx.msk vm0, v1  }
0xca: {  	[tilespmem:s20], [sflag:$0x1] =	stream.indirect.gather @!p0 [hbm4b:s3+s19], $0x40, s18, s19, $0xb8;
	[tilespmem:$0x13D30] =	vst v63  }
0xcb: {  	s18 =	sadd.s32 @!p0 $0x28A0, s17;
	s20 =	simm.s32 @!p0 $0xB220  }
0xcc: {  	[tilespmem:s20], [sflag:$0x1] =	stream.indirect.gather @!p0 [hbm4b:s4+s19], $0x40, s18, s19, $0xb8;
	[tilespmem:$0x13D30] =	vst v63  }
0xcd: {  	_ =	swait.ge [sflag:s1], $0x1400  }
0xce: {  	[sflag:s1] =	ssyncset.done $0x0  }
0xcf: {  	[sflag:s1] =	ssyncadd.s32 $0xFFFFEC00  }
0xd0: {  	_ =	swait.ge [sflag:s1], $0x1400  }
0xd1: {  	[sflag:s1] =	ssyncset.done $0x0  }
0xd2: {  	s19 =	simm.s32 $0x6410;
	[sflag:s1] =	ssyncadd.s32 $0xFFFFEC00  }
0xd3: {  	s18 =	simm.s32 $0xC810;
	v1 =	vld [tilespmem:s19+$0xFFFFFFF0]  }
0xd4: {  	v2 =	vld [tilespmem:s18+$0xFFFFFFF0]  }
0xd5: {  	v3 =	vld [tilespmem:s19+$0xFFFFFFD0]  }
0xd6: {  	v4 =	vld [tilespmem:s18+$0xFFFFFFD0]  }
0xd7: {  	v5 =	vld [tilespmem:s19+$0xFFFFFFE0]  }
0xd8: {  	v6 =	vld [tilespmem:s18+$0xFFFFFFE0]  }
0xd9: {  	v7 =	vld [tilespmem:s19+$0x0]  }
0xda: {  	v8 =	vld [tilespmem:s18+$0x0]  }
0xdb: {  	v9 =	vld [tilespmem:s18+$0xFFFFFE10]  }
0xdc: {  	v10 =	vld [tilespmem:s19+$0xFFFFFE20]  }
0xdd: {  	v11 =	vld [tilespmem:s18+$0xFFFFFE20]  }
0xde: {  	v12 =	vld [tilespmem:s19+$0xFFFFFE50]  }
0xdf: {  	v13 =	vld [tilespmem:s18+$0xFFFFFE50]  }
0xe0: {  	v14 =	vld [tilespmem:s19+$0xFFFFFE60]  }
0xe1: {  	v15 =	vld [tilespmem:s18+$0xFFFFFE60]  }
0xe2: {  	v16 =	vld [tilespmem:s19+$0xFFFFFE90]  }
0xe3: {  	v17 =	vld [tilespmem:s18+$0xFFFFFE90]  }
0xe4: {  	v18 =	vld [tilespmem:s19+$0xFFFFFEA0]  }
0xe5: {  	v20 =	vld [tilespmem:s18+$0xFFFFFF10]  }
0xe6: {  	v23 =	vld [tilespmem:s18+$0xFFFFFF60]  }
0xe7: {  	v26 =	vld [tilespmem:s18+$0xFFFFFFA0]  }
0xe8: {  	v3 =	vmul.bf16 v4, v3;
	v4 =	vmul.bf16 v6, v5;
	v5 =	vld [tilespmem:s18+$0xFFFFFEA0]  }
0xe9: {  	v6 =	vld [tilespmem:s19+$0xFFFFFED0]  }
0xea: {  	v1 =	vmul.bf16 v2, v1;
	v2 =	vmul.bf16 v8, v7;
	v7 =	vld [tilespmem:s19+$0xFFFFFEE0];
	v3 =	vadd.bf16 v4, v3  }
0xeb: {  	v4 =	vld [tilespmem:s18+$0xFFFFFED0]  }
0xec: {  	s10 =	sadd.s32 $0xFFFFFFF8, s15;
	v1 =	vadd.bf16 v2, v1;
	v2 =	vld [tilespmem:s18+$0xFFFFFEE0];
	v8 =	vunpack.i.u.bf16.f32 v3;
	v3 =	vunpack.i.l.bf16.f32 v3  }
0xed: {  	s28 =	sadd.s32 $0x5E, s10;
	v12 =	vmul.bf16 v13, v12;
	v13 =	vmul.bf16 v15, v14;
	v14 =	vld [tilespmem:s19+$0xFFFFFF20];
	v3 =	vadd.f32 v3, v8  }
0xee: {  	v25 =	vmov s28;
	v10 =	vmul.bf16 v11, v10;
	v11 =	vld [tilespmem:s18+$0xFFFFFF20];
	v19 =	vunpack.i.l.bf16.f32 v1  }
0xef: {  	v25 =	vshrl.u32 v25, $0x3;
	v8 =	vld [tilespmem:s19+$0xFFFFFF10];
	v3 =	vadd.f32 v19, v3  }
0xf0: {  	v1 =	vunpack.i.u.bf16.f32 v1;
	v5 =	vmul.bf16 v5, v18;
	v18 =	vld [tilespmem:s19+$0xFFFFFF60];
	v4 =	vmul.bf16 v4, v6  }
0xf1: {  	s21 =	sadd.s32 $0x59, s10;
	s23 =	sadd.s32 $0x5F, s10;
	v62 =	vld [tilespmem:s18+$0xFFFFFEC0];
	v2 =	vmul.bf16 v2, v7;
	v15 =	vadd.f32 v3, v1;
	v1 =	vadd.bf16 v13, v12  }
0xf2: {  	s22 =	sadd.s32 $0x5A, s10;
	v63 =	vld [tilespmem:s18+$0xFFFFFEF0];
	v3 =	vmul.bf16 v17, v16;
	v13 =	vmov s21;
	v17 =	vmov s23  }
0xf3: {  	v19 =	vld [tilespmem:s18+$0xFFFFFF50];
	v16 =	vmov s22;
	s23 =	sadd.s32 $0x5B, s10;
	v2 =	vadd.bf16 v2, v4;
	v17 =	vshrl.u32 v17, $0x3  }
0xf4: {  	v6 =	vld [tilespmem:s19+$0xFFFFFF90];
	v22 =	vmov s23;
	v4 =	vmul.bf16 v20, v8;
	v8 =	vmul.bf16 v11, v14  }
0xf5: {  	v7 =	vld [tilespmem:s19+$0xFFFFFFA0];
	v13 =	vshrl.u32 v13, $0x3;
	v14 =	vshrl.u32 v16, $0x3;
	v18 =	vmul.bf16 v23, v18  }
0xf6: {  	v12 =	vld [tilespmem:s19+$0xFFFFFF50];
	v21 =	vunpack.i.u.bf16.f32 v1;
	v1 =	vunpack.i.l.bf16.f32 v1;
	v17 =	vshll.u32 v17, v0  }
0xf7: {  	v11 =	vld [tilespmem:s19+$0xFFFFFE10];
	v3 =	vadd.bf16 v5, v3;
	v16 =	vshrl.u32 v22, $0x3;
	v22 =	vunpack.i.u.bf16.f32 v2  }
0xf8: {  	v20 =	vld [tilespmem:s19+$0xFFFFFE30];
	v2 =	vunpack.i.l.bf16.f32 v2;
	v13 =	vshll.u32 v13, v0;
	v14 =	vshll.u32 v14, v0  }
0xf9: {  	s24 =	sadd.s32 $0x5C, s10;
	v5 =	vadd.s32 $0x7, v17;
	v17 =	vadd.f32 v1, v21;
	v4 =	vadd.bf16 v8, v4;
	v8 =	vld [tilespmem:s18+$0xFFFFFE30]  }
0xfa: {  	v1 =	vmov s24;
	v2 =	vadd.f32 v2, v22;
	v22 =	vld [tilespmem:s18+$0xFFFFFE40];
	v24 =	vunpack.i.u.bf16.f32 v3  }
0xfb: {  	v3 =	vunpack.i.l.bf16.f32 v3;
	v27 =	vshrl.u32 v1, $0x3;
	v12 =	vmul.bf16 v19, v12;
	v19 =	vld [tilespmem:s19+$0xFFFFFE40]  }
0xfc: {  	s25 =	sadd.s32 $0x5D, s10;
	v21 =	vld [tilespmem:s18+$0xFFFFFF90];
	v24 =	vadd.f32 v3, v24;
	v1 =	vunpack.i.u.bf16.f32 v4;
	v4 =	vunpack.i.l.bf16.f32 v4  }
0xfd: {  	v3 =	vmov s25;
	v1 =	vadd.f32 v4, v1;
	v4 =	vld [tilespmem:s19+$0xFFFFFE70];
	v9 =	vmul.bf16 v9, v11  }
0xfe: {  	v16 =	vshll.u32 v16, v0;
	v23 =	vshrl.u32 v3, $0x3;
	v11 =	vld [tilespmem:s18+$0xFFFFFE70];
	v3 =	vadd.bf16 v18, v12  }
0xff: {  	v7 =	vmul.bf16 v26, v7;
	v18 =	vld [tilespmem:s19+$0xFFFFFE80];
	v9 =	vadd.bf16 v10, v9;
	v8 =	vmul.bf16 v8, v20  }
0x100: {  	v10 =	vld [tilespmem:s18+$0xFFFFFE80];
	v20 =	vunpack.i.u.bf16.f32 v3;
	v3 =	vunpack.i.l.bf16.f32 v3;
	v19 =	vmul.bf16 v22, v19  }
0x101: {  	v13 =	vadd.s32 $0x1, v13;
	v6 =	vmul.bf16 v21, v6;
	v21 =	vld [tilespmem:s19+$0xFFFFFEB0];
	v3 =	vadd.f32 v3, v20  }
0x102: {  	v20 =	vld [tilespmem:s18+$0xFFFFFEB0];
	v61 =	vunpack.i.u.bf16.f32 v9;
	v9 =	vunpack.i.l.bf16.f32 v9;
	v8 =	vadd.bf16 v19, v8  }
0x103: {  	v14 =	vadd.s32 $0x2, v14;
	v22 =	vshll.u32 v27, v0;
	v9 =	vadd.f32 v9, v61;
	v19 =	vld [tilespmem:s19+$0xFFFFFEC0]  }
0x104: {  	(xrf2) =	vadd.scan.msk.f32 $0xffff, v15;
	v15 =	vld [tilespmem:s19+$0xFFFFFF00];
	v6 =	vadd.bf16 v7, v6;
	v4 =	vmul.bf16 v11, v4;
	v7 =	vunpack.i.l.bf16.f32 v8  }
0x105: {  	s20 =	sadd.s32 $0x58, s10;
	v10 =	vmul.bf16 v10, v18;
	v18 =	vadd.s32 $0x4, v22;
	v22 =	vld [tilespmem:s18+$0xFFFFFF00];
	v7 =	vadd.f32 v7, v9  }
0x106: {  	v5 =	vbroadcast v5, $0x0;
	v12 =	vmov s20;
	v11 =	vld [tilespmem:s19+$0xFFFFFEF0];
	v8 =	vunpack.i.u.bf16.f32 v8  }
0x107: {  	v12 =	vshrl.u32 v12, $0x3;
	v4 =	vadd.bf16 v10, v4;
	v7 =	vadd.f32 v7, v8  }
0x108: {  	v28 =	vshll.u32 v12, v0;
	v20 =	vmul.bf16 v20, v21;
	v21 =	vld [tilespmem:s19+$0xFFFFFF30];
	v12 =	vmul.bf16 v62, v19  }
0x109: {  	v9 =	vbroadcast v13, $0x0;
	v13 =	vld [tilespmem:s19+$0xFFFFFF40];
	v10 =	vunpack.i.l.bf16.f32 v4;
	(xrf2) =	vadd.scan.msk.f32 $0xffff, v7;
	v7 =	vbroadcast v14, $0x0  }
0x10a: {  	v12 =	vadd.bf16 v12, v20;
	v20 =	vld [tilespmem:s18+$0xFFFFFF40];
	v14 =	vmul.bf16 v22, v15;
	v15 =	vadd.f32 v10, v17  }
0x10b: {  	v16 =	vadd.s32 $0x3, v16;
	v11 =	vmul.bf16 v63, v11;
	v19 =	vld [tilespmem:s18+$0xFFFFFF30];
	v17 =	vunpack.i.u.bf16.f32 v4  }
0x10c: {  	v8 =	vunpack.i.u.bf16.f32 v6;
	v6 =	vunpack.i.l.bf16.f32 v6;
	v17 =	vadd.f32 v15, v17  }
0x10d: {  	v8 =	vadd.f32 v6, v8;
	v6 =	vbroadcast v16, $0x0;
	v16 =	vld [tilespmem:s18+$0xFFFFFF70];
	v10 =	vunpack.i.l.bf16.f32 v12  }
0x10e: {  	v25 =	vshll.u32 v25, v0;
	v22 =	vld [tilespmem:s19+$0xFFFFFF70];
	v11 =	vadd.bf16 v14, v11;
	v24 =	vadd.f32 v10, v24;
	v15, _, _ =	vpop (xrf2);
	(xrf2) =	vadd.scan.msk.f32 $0xffff, v17  }
0x10f: {  	v12 =	vunpack.i.u.bf16.f32 v12;
	v14 =	vld [tilespmem:s18+$0xFFFFFF80];
	v20 =	vmul.bf16 v20, v13;
	v13 =	vbroadcast v28, $0x0  }
0x110: {  	v4 =	vbroadcast v18, $0x0;
	v10 =	vld [tilespmem:s19+$0xFFFFFF80];
	v18 =	vmul.bf16 v19, v21;
	v19 =	vadd.f32 v24, v12  }
0x111: {  	v25 =	vadd.s32 $0x6, v25;
	v23 =	vshll.u32 v23, v0;
	v21 =	vunpack.i.l.bf16.f32 v11;
	v12 =	vld [tilespmem:s19+$0xFFFFFFB0]  }
0x112: {  	v23 =	vadd.s32 $0x5, v23;
	[tilespmem:v5+s31+$0x0] =	vst.idx.msk vm0, v15;
	v21 =	vadd.f32 v21, v2;
	v15 =	vld [tilespmem:s18+$0xFFFFFFB0];
	(xrf2) =	vadd.scan.msk.f32 $0xffff, v19  }
0x113: {  	v17 =	vunpack.i.u.bf16.f32 v11;
	v11 =	vld [tilespmem:s19+$0xFFFFFFC0];
	v5 =	vbroadcast v23, $0x0;
	v20 =	vadd.bf16 v20, v18  }
0x114: {  	s20 =	simm.s32 $0x6610;
	v2 =	vbroadcast v25, $0x0;
	s19 =	simm.s32 $0x0;
	v18 =	vmul.bf16 v16, v22;
	v16 =	vadd.f32 v21, v17;
	v17 =	vld [tilespmem:s18+$0xFFFFFFC0];
	v19, _, _ =	vpop (xrf2)  }
.LBB2_5:
0x115: {  	v21 =	vld [tilespmem:s20+$0xFFFFFFF0];
	[tilespmem:v13+s31+$0x0] =	vst.idx.msk vm0, v19;
	v13 =	vunpack.i.u.bf16.f32 v20;
	v19 =	vunpack.i.l.bf16.f32 v20;
	v10 =	vmul.bf16 v14, v10;
	s18 =	sadd.s32 $0x200, s18;
	s21 =	smov.u32 s19  }
0x116: {  	v14 =	vld [tilespmem:s18+$0xFFFFFFF0];
	v1 =	vadd.f32 v19, v1;
	(xrf2) =	vadd.scan.msk.f32 $0xffff, v16  }
0x117: {  	v16 =	vld [tilespmem:s20+$0xFFFFFFD0];
	v10 =	vadd.bf16 v10, v18;
	v12 =	vmul.bf16 v15, v12  }
0x118: {  	v15 =	vld [tilespmem:s18+$0xFFFFFFD0];
	v1 =	vadd.f32 v1, v13;
	v13, _, _ =	vpop (xrf2)  }
0x119: {  	v18 =	vld [tilespmem:s20+$0xFFFFFFE0];
	[tilespmem:v9+s31+$0x0] =	vst.idx.msk vm0, v13;
	v9 =	vunpack.i.u.bf16.f32 v10;
	v10 =	vunpack.i.l.bf16.f32 v10;
	v11 =	vmul.bf16 v17, v11  }
0x11a: {  	s19 =	sadd.s32 $0x8, s19;
	v13 =	vld [tilespmem:s18+$0xFFFFFFE0];
	v3 =	vadd.f32 v10, v3;
	(xrf2) =	vadd.scan.msk.f32 $0xffff, v1  }
0x11b: {  	p1 =	slt.u32 s19, $0x48;
	v1 =	vld [tilespmem:s20+$0x0];
	v10 =	vadd.bf16 v11, v12  }
0x11c: {  	v11 =	vld [tilespmem:s18+$0x0];
	v9 =	vadd.f32 v3, v9;
	v12, _, _ =	vpop (xrf2)  }
0x11d: {  	v3 =	vld [tilespmem:s18+$0xFFFFFE10];
	[tilespmem:v7+s31+$0x0] =	vst.idx.msk vm0, v12;
	v7 =	vunpack.i.u.bf16.f32 v10;
	v10 =	vunpack.i.l.bf16.f32 v10  }
0x11e: {  	v12 =	vld [tilespmem:s20+$0xFFFFFE20];
	v17 =	vadd.f32 v10, v8;
	(xrf2) =	vadd.scan.msk.f32 $0xffff, v9  }
0x11f: {  	v10 =	vmul.bf16 v15, v16;
	v9 =	vld [tilespmem:s18+$0xFFFFFE20];
	v13 =	vmul.bf16 v13, v18  }
0x120: {  	v15 =	vld [tilespmem:s20+$0xFFFFFE50];
	v7 =	vadd.f32 v17, v7;
	v8, _, _ =	vpop (xrf2)  }
0x121: {  	v16 =	vld [tilespmem:s18+$0xFFFFFE50];
	v17 =	vadd.bf16 v13, v10;
	v13 =	vmul.bf16 v14, v21;
	v1 =	vmul.bf16 v11, v1  }
0x122: {  	v11 =	vld [tilespmem:s20+$0xFFFFFE60];
	[tilespmem:v6+s31+$0x0] =	vst.idx.msk vm0, v8;
	(xrf2) =	vadd.scan.msk.f32 $0xffff, v7  }
0x123: {  	v7 =	vld [tilespmem:s18+$0xFFFFFE60];
	v8 =	vunpack.i.u.bf16.f32 v17;
	v14 =	vunpack.i.l.bf16.f32 v17;
	v1 =	vadd.bf16 v1, v13  }
0x124: {  	v6 =	vmul.bf16 v9, v12;
	v9 =	vld [tilespmem:s20+$0xFFFFFE90];
	v8 =	vadd.f32 v14, v8;
	v10, _, _ =	vpop (xrf2)  }
0x125: {  	v12 =	vld [tilespmem:s18+$0xFFFFFE90];
	v13 =	vunpack.i.l.bf16.f32 v1;
	[tilespmem:v4+s31+$0x0] =	vst.idx.msk vm0, v10  }
0x126: {  	v4 =	vmul.bf16 v16, v15;
	v10 =	vld [tilespmem:s20+$0xFFFFFEA0];
	v14 =	vadd.f32 v13, v8  }
0x127: {  	v1 =	vunpack.i.u.bf16.f32 v1;
	v13 =	vld [tilespmem:s18+$0xFFFFFEA0]  }
0x128: {  	v7 =	vmul.bf16 v7, v11;
	v11 =	vld [tilespmem:s20+$0xFFFFFED0];
	v1 =	vadd.f32 v14, v1;
	v8, _, _ =	vpop (xrf2)  }
0x129: {  	s21 =	sadd.s32 s21, s15;
	v14 =	vld [tilespmem:s18+$0xFFFFFED0];
	[tilespmem:v5+s31+$0x0] =	vst.idx.msk vm0, v8  }
0x12a: {  	s22 =	sadd.s32 $0x59, s21;
	s23 =	sadd.s32 $0x5A, s21;
	s24 =	sadd.s32 $0x5F, s21;
	v4 =	vadd.bf16 v7, v4;
	v5 =	vmul.bf16 v12, v9;
	v7 =	vld [tilespmem:s20+$0xFFFFFEE0];
	(xrf2) =	vadd.scan.msk.f32 $0xffff, v1  }
0x12b: {  	s25 =	sadd.s32 $0x5D, s21;
	v8 =	vmov s23;
	s23 =	sadd.s32 $0x5C, s21;
	v1 =	vmov s22;
	s22 =	sadd.s32 $0x5B, s21;
	v12 =	vmov s24;
	v9 =	vld [tilespmem:s18+$0xFFFFFEE0]  }
0x12c: {  	s24 =	sadd.s32 $0x58, s21;
	s21 =	sadd.s32 $0x5E, s21;
	v12 =	vshrl.u32 v12, $0x3;
	v15 =	vunpack.i.u.bf16.f32 v4;
	v10 =	vmul.bf16 v13, v10;
	v13 =	vld [tilespmem:s20+$0xFFFFFF10];
	v16, _, _ =	vpop (xrf2)  }
0x12d: {  	v17 =	vmov s22;
	v4 =	vunpack.i.l.bf16.f32 v4;
	v12 =	vshll.u32 v12, v0;
	v18 =	vld [tilespmem:s18+$0xFFFFFF10];
	[tilespmem:v2+s31+$0x0] =	vst.idx.msk vm0, v16  }
0x12e: {  	v2 =	vadd.bf16 v10, v5;
	v5 =	vmul.bf16 v14, v11;
	v11 =	vld [tilespmem:s20+$0xFFFFFF20];
	v10 =	vadd.s32 $0x7, v12  }
0x12f: {  	v12 =	vadd.f32 v4, v15;
	v14 =	vmov s23;
	v4 =	vld [tilespmem:s18+$0xFFFFFF20];
	v15 =	vbroadcast v10, $0x0  }
0x130: {  	v10 =	vunpack.i.u.bf16.f32 v2;
	v2 =	vunpack.i.l.bf16.f32 v2;
	v7 =	vmul.bf16 v9, v7;
	v9 =	vld [tilespmem:s20+$0xFFFFFF50]  }
0x131: {  	v19 =	vmov s21;
	v16 =	vmov s25;
	v10 =	vadd.f32 v2, v10;
	v2 =	vld [tilespmem:s18+$0xFFFFFF50]  }
0x132: {  	v1 =	vshrl.u32 v1, $0x3;
	v5 =	vadd.bf16 v7, v5;
	v7 =	vmul.bf16 v18, v13;
	v13 =	vld [tilespmem:s20+$0xFFFFFF60]  }
0x133: {  	v8 =	vshrl.u32 v8, $0x3;
	v17 =	vshrl.u32 v17, $0x3;
	v14 =	vshrl.u32 v14, $0x3;
	v18 =	vld [tilespmem:s18+$0xFFFFFF60]  }
0x134: {  	v20 =	vunpack.i.u.bf16.f32 v5;
	v5 =	vunpack.i.l.bf16.f32 v5;
	v4 =	vmul.bf16 v4, v11;
	v21 =	vld [tilespmem:s20+$0xFFFFFF90];
	v22, _, _ =	vpop (xrf2)  }
0x135: {  	v19 =	vshrl.u32 v19, $0x3;
	v11 =	vadd.f32 v5, v20;
	v5 =	vshrl.u32 v16, $0x3;
	v16 =	vld [tilespmem:s18+$0xFFFFFF90];
	[tilespmem:v15+s31+$0x0] =	vst.idx.msk vm0, v22  }
0x136: {  	v15 =	vmov s24;
	v4 =	vadd.bf16 v4, v7;
	v2 =	vmul.bf16 v2, v9;
	v7 =	vld [tilespmem:s20+$0xFFFFFFA0]  }
0x137: {  	v8 =	vshll.u32 v8, v0;
	v17 =	vshll.u32 v17, v0;
	v9 =	vshll.u32 v1, v0;
	v20 =	vld [tilespmem:s18+$0xFFFFFFA0]  }
0x138: {  	v22 =	vld [tilespmem:s20+$0xFFFFFE10];
	v1 =	vunpack.i.u.bf16.f32 v4;
	v4 =	vunpack.i.l.bf16.f32 v4;
	v13 =	vmul.bf16 v18, v13  }
0x139: {  	v5 =	vshll.u32 v5, v0;
	v18 =	vld [tilespmem:s20+$0xFFFFFE30];
	v1 =	vadd.f32 v4, v1;
	v4 =	vshll.u32 v14, v0  }
0x13a: {  	v14 =	vld [tilespmem:s18+$0xFFFFFE30];
	v2 =	vadd.bf16 v13, v2;
	v13 =	vmul.bf16 v16, v21;
	v16 =	vshll.u32 v19, v0  }
0x13b: {  	v15 =	vshrl.u32 v15, $0x3;
	v9 =	vadd.s32 $0x1, v9;
	v21 =	vadd.s32 $0x2, v8;
	v19 =	vld [tilespmem:s20+$0xFFFFFE40]  }
0x13c: {  	v8 =	vld [tilespmem:s18+$0xFFFFFE40];
	v23 =	vunpack.i.u.bf16.f32 v2;
	v2 =	vunpack.i.l.bf16.f32 v2;
	v7 =	vmul.bf16 v20, v7  }
0x13d: {  	v17 =	vadd.s32 $0x3, v17;
	v20 =	vmul.bf16 v3, v22;
	v22 =	vld [tilespmem:s20+$0xFFFFFE70];
	v3 =	vadd.f32 v2, v23  }
0x13e: {  	v5 =	vadd.s32 $0x5, v5;
	v4 =	vadd.s32 $0x4, v4;
	v2 =	vld [tilespmem:s18+$0xFFFFFE70];
	v7 =	vadd.bf16 v7, v13  }
0x13f: {  	v16 =	vadd.s32 $0x6, v16;
	v6 =	vadd.bf16 v6, v20;
	v13 =	vmul.bf16 v14, v18;
	v14 =	vld [tilespmem:s20+$0xFFFFFE80]  }
0x140: {  	v15 =	vshll.u32 v15, v0;
	v18 =	vld [tilespmem:s18+$0xFFFFFE80];
	v20 =	vunpack.i.u.bf16.f32 v7;
	v7 =	vunpack.i.l.bf16.f32 v7  }
0x141: {  	v23 =	vunpack.i.u.bf16.f32 v6;
	v6 =	vunpack.i.l.bf16.f32 v6;
	v19 =	vmul.bf16 v8, v19;
	v24 =	vld [tilespmem:s20+$0xFFFFFEB0]  }
0x142: {  	v9 =	vbroadcast v9, $0x0;
	v8 =	vadd.f32 v7, v20;
	v23 =	vadd.f32 v6, v23;
	v25 =	vld [tilespmem:s18+$0xFFFFFEB0]  }
0x143: {  	v7 =	vbroadcast v21, $0x0;
	v13 =	vadd.bf16 v19, v13;
	v19 =	vmul.bf16 v2, v22;
	v20 =	vld [tilespmem:s20+$0xFFFFFEC0]  }
0x144: {  	v4 =	vbroadcast v4, $0x0;
	v6 =	vbroadcast v17, $0x0;
	v21 =	vld [tilespmem:s18+$0xFFFFFEC0]  }
0x145: {  	v17 =	vunpack.i.u.bf16.f32 v13;
	v2 =	vunpack.i.l.bf16.f32 v13;
	v14 =	vmul.bf16 v18, v14;
	v18 =	vld [tilespmem:s20+$0xFFFFFEF0]  }
0x146: {  	v5 =	vbroadcast v5, $0x0;
	v22 =	vadd.f32 v2, v23;
	v23 =	vld [tilespmem:s18+$0xFFFFFEF0];
	v2 =	vbroadcast v16, $0x0  }
0x147: {  	v13 =	vbroadcast v15, $0x0;
	v14 =	vadd.bf16 v14, v19;
	v15 =	vmul.bf16 v25, v24;
	v16 =	vld [tilespmem:s20+$0xFFFFFF00]  }
0x148: {  	v17 =	vadd.f32 v22, v17;
	v19 =	vld [tilespmem:s18+$0xFFFFFF00]  }
0x149: {  	v22 =	vunpack.i.u.bf16.f32 v14;
	v14 =	vunpack.i.l.bf16.f32 v14;
	v20 =	vmul.bf16 v21, v20;
	v21 =	vld [tilespmem:s20+$0xFFFFFF30]  }
0x14a: {  	v12 =	vadd.f32 v14, v12;
	v14 =	vld [tilespmem:s18+$0xFFFFFF30];
	(xrf2) =	vadd.scan.msk.f32 $0xffff, v17  }
0x14b: {  	v15 =	vadd.bf16 v20, v15;
	v17 =	vmul.bf16 v23, v18;
	v18 =	vld [tilespmem:s20+$0xFFFFFF40]  }
0x14c: {  	v12 =	vadd.f32 v12, v22;
	v20 =	vld [tilespmem:s18+$0xFFFFFF40]  }
0x14d: {  	v22 =	vunpack.i.u.bf16.f32 v15;
	v15 =	vunpack.i.l.bf16.f32 v15;
	v16 =	vmul.bf16 v19, v16;
	v19 =	vld [tilespmem:s20+$0xFFFFFF70]  }
0x14e: {  	v15 =	vadd.f32 v15, v10;
	v23 =	vld [tilespmem:s18+$0xFFFFFF70];
	(xrf2) =	vadd.scan.msk.f32 $0xffff, v12  }
0x14f: {  	v12 =	vadd.bf16 v16, v17;
	v16 =	vmul.bf16 v14, v21;
	v10 =	vld [tilespmem:s20+$0xFFFFFF80]  }
.Ltmp3:
0x150: {  	v17 =	vadd.f32 v15, v22;
	v14 =	vld [tilespmem:s18+$0xFFFFFF80];
	(pc) =	sbr.rel @p1 .LBB2_5-.Ltmp3, $4  }
0x151: {  	v21 =	vunpack.i.u.bf16.f32 v12;
	v15 =	vunpack.i.l.bf16.f32 v12;
	v18 =	vmul.bf16 v20, v18;
	v12 =	vld [tilespmem:s20+$0xFFFFFFB0]  }
0x152: {  	v22 =	vadd.f32 v15, v11;
	v15 =	vld [tilespmem:s18+$0xFFFFFFB0];
	(xrf2) =	vadd.scan.msk.f32 $0xffff, v17  }
0x153: {  	v20 =	vadd.bf16 v18, v16;
	v18 =	vmul.bf16 v23, v19;
	v11 =	vld [tilespmem:s20+$0xFFFFFFC0]  }
0x154: {  	s20 =	sadd.s32 $0x200, s20;
	v16 =	vadd.f32 v22, v21;
	v17 =	vld [tilespmem:s18+$0xFFFFFFC0];
	v19, _, _ =	vpop (xrf2)  }
0x155: {  	_ =	sdelay $0x2  }
0x156: {  	v10 =	vmul.bf16 v14, v10  }
0x157: {  	v12 =	vmul.bf16 v15, v12;
	v11 =	vmul.bf16 v17, v11  }
0x158: {  	v10 =	vadd.bf16 v10, v18  }
0x159: {  	v14 =	vunpack.i.l.bf16.f32 v20;
	v11 =	vadd.bf16 v11, v12  }
0x15a: {  	v1 =	vadd.f32 v14, v1;
	v12 =	vunpack.i.l.bf16.f32 v10  }
0x15b: {  	v14 =	vunpack.i.u.bf16.f32 v20;
	v3 =	vadd.f32 v12, v3;
	v12 =	vunpack.i.l.bf16.f32 v11  }
0x15c: {  	v1 =	vadd.f32 v1, v14;
	v10 =	vunpack.i.u.bf16.f32 v10;
	v8 =	vadd.f32 v12, v8  }
0x15d: {  	(xrf2) =	vadd.scan.msk.f32 $0xffff, v16;
	v3 =	vadd.f32 v3, v10;
	v10 =	vunpack.i.u.bf16.f32 v11  }
0x15e: {  	(xrf2) =	vadd.scan.msk.f32 $0xffff, v1;
	v1 =	vadd.f32 v8, v10  }
0x15f: {  	(xrf2) =	vadd.scan.msk.f32 $0xffff, v3  }
0x160: {  	(xrf2) =	vadd.scan.msk.f32 $0xffff, v1;
	_ =	sdelay $0x4  }
0x161: {  	[tilespmem:v13+s31+$0x0] =	vst.idx.msk vm0, v19;
	v1, _, _ =	vpop (xrf2)  }
0x162: {  	v3, _, _ =	vpop (xrf2);
	[tilespmem:v9+s31+$0x0] =	vst.idx.msk vm0, v1  }
0x163: {  	v1, _, _ =	vpop (xrf2);
	[tilespmem:v7+s31+$0x0] =	vst.idx.msk vm0, v3  }
0x164: {  	[tilespmem:v6+s31+$0x0] =	vst.idx.msk vm0, v1;
	v1, _, _ =	vpop (xrf2)  }
0x165: {  	[tilespmem:v4+s31+$0x0] =	vst.idx.msk vm0, v1;
	v1, _, _ =	vpop (xrf2)  }
0x166: {  	[tilespmem:v5+s31+$0x0] =	vst.idx.msk vm0, v1;
	v1, _, _ =	vpop (xrf2)  }
0x167: {  	s18 =	sadd.s32 @!p0 $0x1E0, s17;
	s19 =	simm.s32 @!p0 $0x50;
	s20 =	simm.s32 @!p0 $0x6220;
	[tilespmem:v2+s31+$0x0] =	vst.idx.msk vm0, v1  }
0x168: {  	[tilespmem:s20], [sflag:$0x2] =	stream.indirect.gather @!p0 [hbm4b:s3+s19], $0x40, s18, s19, $0xb8;
	[tilespmem:$0x13D30] =	vst v63  }
0x169: {  	s18 =	sadd.s32 @!p0 $0x28F0, s17;
	s20 =	simm.s32 @!p0 $0xC620  }
0x16a: {  	[tilespmem:s20], [sflag:$0x2] =	stream.indirect.gather @!p0 [hbm4b:s4+s19], $0x40, s18, s19, $0xb8;
	[tilespmem:$0x13D30] =	vst v63  }
0x16b: {  	_ =	swait.ge [sflag:s0], $0x1400  }
0x16c: {  	[sflag:s0] =	ssyncset.done $0x0  }
0x16d: {  	[sflag:s0] =	ssyncadd.s32 $0xFFFFEC00  }
0x16e: {  	_ =	swait.ge [sflag:s0], $0x1400  }
0x16f: {  	[sflag:s0] =	ssyncset.done $0x0  }
0x170: {  	s19 =	simm.s32 $0x7810;
	[sflag:s0] =	ssyncadd.s32 $0xFFFFEC00  }
0x171: {  	s18 =	simm.s32 $0xDC10;
	v1 =	vld [tilespmem:s19+$0xFFFFFFF0]  }
0x172: {  	v2 =	vld [tilespmem:s18+$0xFFFFFFF0]  }
0x173: {  	v3 =	vld [tilespmem:s19+$0xFFFFFFD0]  }
0x174: {  	v4 =	vld [tilespmem:s18+$0xFFFFFFD0]  }
0x175: {  	v5 =	vld [tilespmem:s19+$0xFFFFFFE0]  }
0x176: {  	v6 =	vld [tilespmem:s18+$0xFFFFFFE0]  }
0x177: {  	v7 =	vld [tilespmem:s19+$0x0]  }
0x178: {  	v8 =	vld [tilespmem:s18+$0x0]  }
0x179: {  	v9 =	vld [tilespmem:s18+$0xFFFFFE10]  }
0x17a: {  	v10 =	vld [tilespmem:s19+$0xFFFFFE20]  }
0x17b: {  	v11 =	vld [tilespmem:s18+$0xFFFFFE20]  }
0x17c: {  	v12 =	vld [tilespmem:s19+$0xFFFFFE50]  }
0x17d: {  	v13 =	vld [tilespmem:s18+$0xFFFFFE50]  }
0x17e: {  	v14 =	vld [tilespmem:s19+$0xFFFFFE60]  }
0x17f: {  	v15 =	vld [tilespmem:s18+$0xFFFFFE60]  }
0x180: {  	v16 =	vld [tilespmem:s19+$0xFFFFFE90]  }
0x181: {  	v17 =	vld [tilespmem:s18+$0xFFFFFE90]  }
0x182: {  	v18 =	vld [tilespmem:s19+$0xFFFFFEA0]  }
0x183: {  	v20 =	vld [tilespmem:s18+$0xFFFFFF10]  }
0x184: {  	v23 =	vld [tilespmem:s18+$0xFFFFFF60]  }
0x185: {  	v26 =	vld [tilespmem:s18+$0xFFFFFFA0]  }
0x186: {  	v3 =	vmul.bf16 v4, v3;
	v4 =	vmul.bf16 v6, v5;
	v5 =	vld [tilespmem:s18+$0xFFFFFEA0]  }
0x187: {  	v6 =	vld [tilespmem:s19+$0xFFFFFED0]  }
0x188: {  	v1 =	vmul.bf16 v2, v1;
	v2 =	vmul.bf16 v8, v7;
	v7 =	vld [tilespmem:s19+$0xFFFFFEE0];
	v3 =	vadd.bf16 v4, v3  }
0x189: {  	v4 =	vld [tilespmem:s18+$0xFFFFFED0]  }
0x18a: {  	s10 =	sadd.s32 $0xFFFFFFF8, s15;
	v1 =	vadd.bf16 v2, v1;
	v2 =	vld [tilespmem:s18+$0xFFFFFEE0];
	v8 =	vunpack.i.u.bf16.f32 v3;
	v3 =	vunpack.i.l.bf16.f32 v3  }
0x18b: {  	s28 =	sadd.s32 $0xAE, s10;
	v12 =	vmul.bf16 v13, v12;
	v13 =	vmul.bf16 v15, v14;
	v14 =	vld [tilespmem:s19+$0xFFFFFF20];
	v3 =	vadd.f32 v3, v8  }
0x18c: {  	v25 =	vmov s28;
	v10 =	vmul.bf16 v11, v10;
	v11 =	vld [tilespmem:s18+$0xFFFFFF20];
	v19 =	vunpack.i.l.bf16.f32 v1  }
0x18d: {  	v25 =	vshrl.u32 v25, $0x3;
	v8 =	vld [tilespmem:s19+$0xFFFFFF10];
	v3 =	vadd.f32 v19, v3  }
0x18e: {  	v1 =	vunpack.i.u.bf16.f32 v1;
	v5 =	vmul.bf16 v5, v18;
	v18 =	vld [tilespmem:s19+$0xFFFFFF60];
	v4 =	vmul.bf16 v4, v6  }
0x18f: {  	s21 =	sadd.s32 $0xA9, s10;
	s23 =	sadd.s32 $0xAF, s10;
	v62 =	vld [tilespmem:s18+$0xFFFFFEC0];
	v2 =	vmul.bf16 v2, v7;
	v15 =	vadd.f32 v3, v1;
	v1 =	vadd.bf16 v13, v12  }
0x190: {  	s22 =	sadd.s32 $0xAA, s10;
	v63 =	vld [tilespmem:s18+$0xFFFFFEF0];
	v3 =	vmul.bf16 v17, v16;
	v13 =	vmov s21;
	v17 =	vmov s23  }
0x191: {  	v19 =	vld [tilespmem:s18+$0xFFFFFF50];
	v16 =	vmov s22;
	s23 =	sadd.s32 $0xAB, s10;
	v2 =	vadd.bf16 v2, v4;
	v17 =	vshrl.u32 v17, $0x3  }
0x192: {  	v6 =	vld [tilespmem:s19+$0xFFFFFF90];
	v22 =	vmov s23;
	v4 =	vmul.bf16 v20, v8;
	v8 =	vmul.bf16 v11, v14  }
0x193: {  	v7 =	vld [tilespmem:s19+$0xFFFFFFA0];
	v13 =	vshrl.u32 v13, $0x3;
	v14 =	vshrl.u32 v16, $0x3;
	v18 =	vmul.bf16 v23, v18  }
0x194: {  	v12 =	vld [tilespmem:s19+$0xFFFFFF50];
	v21 =	vunpack.i.u.bf16.f32 v1;
	v1 =	vunpack.i.l.bf16.f32 v1;
	v17 =	vshll.u32 v17, v0  }
0x195: {  	v11 =	vld [tilespmem:s19+$0xFFFFFE10];
	v3 =	vadd.bf16 v5, v3;
	v16 =	vshrl.u32 v22, $0x3;
	v22 =	vunpack.i.u.bf16.f32 v2  }
0x196: {  	v20 =	vld [tilespmem:s19+$0xFFFFFE30];
	v2 =	vunpack.i.l.bf16.f32 v2;
	v13 =	vshll.u32 v13, v0;
	v14 =	vshll.u32 v14, v0  }
0x197: {  	s24 =	sadd.s32 $0xAC, s10;
	v5 =	vadd.s32 $0x7, v17;
	v17 =	vadd.f32 v1, v21;
	v4 =	vadd.bf16 v8, v4;
	v8 =	vld [tilespmem:s18+$0xFFFFFE30]  }
0x198: {  	v1 =	vmov s24;
	v2 =	vadd.f32 v2, v22;
	v22 =	vld [tilespmem:s18+$0xFFFFFE40];
	v24 =	vunpack.i.u.bf16.f32 v3  }
0x199: {  	v3 =	vunpack.i.l.bf16.f32 v3;
	v27 =	vshrl.u32 v1, $0x3;
	v12 =	vmul.bf16 v19, v12;
	v19 =	vld [tilespmem:s19+$0xFFFFFE40]  }
0x19a: {  	s25 =	sadd.s32 $0xAD, s10;
	v21 =	vld [tilespmem:s18+$0xFFFFFF90];
	v24 =	vadd.f32 v3, v24;
	v1 =	vunpack.i.u.bf16.f32 v4;
	v4 =	vunpack.i.l.bf16.f32 v4  }
0x19b: {  	v3 =	vmov s25;
	v1 =	vadd.f32 v4, v1;
	v4 =	vld [tilespmem:s19+$0xFFFFFE70];
	v9 =	vmul.bf16 v9, v11  }
0x19c: {  	v16 =	vshll.u32 v16, v0;
	v23 =	vshrl.u32 v3, $0x3;
	v11 =	vld [tilespmem:s18+$0xFFFFFE70];
	v3 =	vadd.bf16 v18, v12  }
0x19d: {  	v7 =	vmul.bf16 v26, v7;
	v18 =	vld [tilespmem:s19+$0xFFFFFE80];
	v9 =	vadd.bf16 v10, v9;
	v8 =	vmul.bf16 v8, v20  }
0x19e: {  	v10 =	vld [tilespmem:s18+$0xFFFFFE80];
	v20 =	vunpack.i.u.bf16.f32 v3;
	v3 =	vunpack.i.l.bf16.f32 v3;
	v19 =	vmul.bf16 v22, v19  }
0x19f: {  	v13 =	vadd.s32 $0x1, v13;
	v6 =	vmul.bf16 v21, v6;
	v21 =	vld [tilespmem:s19+$0xFFFFFEB0];
	v3 =	vadd.f32 v3, v20  }
0x1a0: {  	v20 =	vld [tilespmem:s18+$0xFFFFFEB0];
	v61 =	vunpack.i.u.bf16.f32 v9;
	v9 =	vunpack.i.l.bf16.f32 v9;
	v8 =	vadd.bf16 v19, v8  }
0x1a1: {  	v14 =	vadd.s32 $0x2, v14;
	v22 =	vshll.u32 v27, v0;
	v9 =	vadd.f32 v9, v61;
	v19 =	vld [tilespmem:s19+$0xFFFFFEC0]  }
0x1a2: {  	(xrf2) =	vadd.scan.msk.f32 $0xffff, v15;
	v15 =	vld [tilespmem:s19+$0xFFFFFF00];
	v6 =	vadd.bf16 v7, v6;
	v4 =	vmul.bf16 v11, v4;
	v7 =	vunpack.i.l.bf16.f32 v8  }
0x1a3: {  	s20 =	sadd.s32 $0xA8, s10;
	v10 =	vmul.bf16 v10, v18;
	v18 =	vadd.s32 $0x4, v22;
	v22 =	vld [tilespmem:s18+$0xFFFFFF00];
	v7 =	vadd.f32 v7, v9  }
0x1a4: {  	v5 =	vbroadcast v5, $0x0;
	v12 =	vmov s20;
	v11 =	vld [tilespmem:s19+$0xFFFFFEF0];
	v8 =	vunpack.i.u.bf16.f32 v8  }
0x1a5: {  	v12 =	vshrl.u32 v12, $0x3;
	v4 =	vadd.bf16 v10, v4;
	v7 =	vadd.f32 v7, v8  }
0x1a6: {  	v28 =	vshll.u32 v12, v0;
	v20 =	vmul.bf16 v20, v21;
	v21 =	vld [tilespmem:s19+$0xFFFFFF30];
	v12 =	vmul.bf16 v62, v19  }
0x1a7: {  	v9 =	vbroadcast v13, $0x0;
	v13 =	vld [tilespmem:s19+$0xFFFFFF40];
	v10 =	vunpack.i.l.bf16.f32 v4;
	(xrf2) =	vadd.scan.msk.f32 $0xffff, v7;
	v7 =	vbroadcast v14, $0x0  }
0x1a8: {  	v12 =	vadd.bf16 v12, v20;
	v20 =	vld [tilespmem:s18+$0xFFFFFF40];
	v14 =	vmul.bf16 v22, v15;
	v15 =	vadd.f32 v10, v17  }
0x1a9: {  	v16 =	vadd.s32 $0x3, v16;
	v11 =	vmul.bf16 v63, v11;
	v19 =	vld [tilespmem:s18+$0xFFFFFF30];
	v17 =	vunpack.i.u.bf16.f32 v4  }
0x1aa: {  	v8 =	vunpack.i.u.bf16.f32 v6;
	v6 =	vunpack.i.l.bf16.f32 v6;
	v17 =	vadd.f32 v15, v17  }
0x1ab: {  	v8 =	vadd.f32 v6, v8;
	v6 =	vbroadcast v16, $0x0;
	v16 =	vld [tilespmem:s18+$0xFFFFFF70];
	v10 =	vunpack.i.l.bf16.f32 v12  }
0x1ac: {  	v25 =	vshll.u32 v25, v0;
	v22 =	vld [tilespmem:s19+$0xFFFFFF70];
	v11 =	vadd.bf16 v14, v11;
	v24 =	vadd.f32 v10, v24;
	v15, _, _ =	vpop (xrf2);
	(xrf2) =	vadd.scan.msk.f32 $0xffff, v17  }
0x1ad: {  	v12 =	vunpack.i.u.bf16.f32 v12;
	v14 =	vld [tilespmem:s18+$0xFFFFFF80];
	v20 =	vmul.bf16 v20, v13;
	v13 =	vbroadcast v28, $0x0  }
0x1ae: {  	v4 =	vbroadcast v18, $0x0;
	v10 =	vld [tilespmem:s19+$0xFFFFFF80];
	v18 =	vmul.bf16 v19, v21;
	v19 =	vadd.f32 v24, v12  }
0x1af: {  	v25 =	vadd.s32 $0x6, v25;
	v23 =	vshll.u32 v23, v0;
	v21 =	vunpack.i.l.bf16.f32 v11;
	v12 =	vld [tilespmem:s19+$0xFFFFFFB0]  }
0x1b0: {  	v23 =	vadd.s32 $0x5, v23;
	[tilespmem:v5+s31+$0x0] =	vst.idx.msk vm0, v15;
	v21 =	vadd.f32 v21, v2;
	v15 =	vld [tilespmem:s18+$0xFFFFFFB0];
	(xrf2) =	vadd.scan.msk.f32 $0xffff, v19  }
0x1b1: {  	v17 =	vunpack.i.u.bf16.f32 v11;
	v11 =	vld [tilespmem:s19+$0xFFFFFFC0];
	v5 =	vbroadcast v23, $0x0;
	v20 =	vadd.bf16 v20, v18  }
0x1b2: {  	s20 =	simm.s32 $0x7A10;
	v2 =	vbroadcast v25, $0x0;
	s19 =	simm.s32 $0x0;
	v18 =	vmul.bf16 v16, v22;
	v16 =	vadd.f32 v21, v17;
	v17 =	vld [tilespmem:s18+$0xFFFFFFC0];
	v19, _, _ =	vpop (xrf2)  }
.LBB2_7:
0x1b3: {  	v21 =	vld [tilespmem:s20+$0xFFFFFFF0];
	[tilespmem:v13+s31+$0x0] =	vst.idx.msk vm0, v19;
	v13 =	vunpack.i.u.bf16.f32 v20;
	v19 =	vunpack.i.l.bf16.f32 v20;
	v10 =	vmul.bf16 v14, v10;
	s18 =	sadd.s32 $0x200, s18;
	s21 =	smov.u32 s19  }
0x1b4: {  	v14 =	vld [tilespmem:s18+$0xFFFFFFF0];
	v1 =	vadd.f32 v19, v1;
	(xrf2) =	vadd.scan.msk.f32 $0xffff, v16  }
0x1b5: {  	v16 =	vld [tilespmem:s20+$0xFFFFFFD0];
	v10 =	vadd.bf16 v10, v18;
	v12 =	vmul.bf16 v15, v12  }
0x1b6: {  	v15 =	vld [tilespmem:s18+$0xFFFFFFD0];
	v1 =	vadd.f32 v1, v13;
	v13, _, _ =	vpop (xrf2)  }
0x1b7: {  	v18 =	vld [tilespmem:s20+$0xFFFFFFE0];
	[tilespmem:v9+s31+$0x0] =	vst.idx.msk vm0, v13;
	v9 =	vunpack.i.u.bf16.f32 v10;
	v10 =	vunpack.i.l.bf16.f32 v10;
	v11 =	vmul.bf16 v17, v11  }
0x1b8: {  	s19 =	sadd.s32 $0x8, s19;
	v13 =	vld [tilespmem:s18+$0xFFFFFFE0];
	v3 =	vadd.f32 v10, v3;
	(xrf2) =	vadd.scan.msk.f32 $0xffff, v1  }
0x1b9: {  	p1 =	slt.u32 s19, $0x48;
	v1 =	vld [tilespmem:s20+$0x0];
	v10 =	vadd.bf16 v11, v12  }
0x1ba: {  	v11 =	vld [tilespmem:s18+$0x0];
	v9 =	vadd.f32 v3, v9;
	v12, _, _ =	vpop (xrf2)  }
0x1bb: {  	v3 =	vld [tilespmem:s18+$0xFFFFFE10];
	[tilespmem:v7+s31+$0x0] =	vst.idx.msk vm0, v12;
	v7 =	vunpack.i.u.bf16.f32 v10;
	v10 =	vunpack.i.l.bf16.f32 v10  }
0x1bc: {  	v12 =	vld [tilespmem:s20+$0xFFFFFE20];
	v17 =	vadd.f32 v10, v8;
	(xrf2) =	vadd.scan.msk.f32 $0xffff, v9  }
0x1bd: {  	v10 =	vmul.bf16 v15, v16;
	v9 =	vld [tilespmem:s18+$0xFFFFFE20];
	v13 =	vmul.bf16 v13, v18  }
0x1be: {  	v15 =	vld [tilespmem:s20+$0xFFFFFE50];
	v7 =	vadd.f32 v17, v7;
	v8, _, _ =	vpop (xrf2)  }
0x1bf: {  	v16 =	vld [tilespmem:s18+$0xFFFFFE50];
	v17 =	vadd.bf16 v13, v10;
	v13 =	vmul.bf16 v14, v21;
	v1 =	vmul.bf16 v11, v1  }
0x1c0: {  	v11 =	vld [tilespmem:s20+$0xFFFFFE60];
	[tilespmem:v6+s31+$0x0] =	vst.idx.msk vm0, v8;
	(xrf2) =	vadd.scan.msk.f32 $0xffff, v7  }
0x1c1: {  	v7 =	vld [tilespmem:s18+$0xFFFFFE60];
	v8 =	vunpack.i.u.bf16.f32 v17;
	v14 =	vunpack.i.l.bf16.f32 v17;
	v1 =	vadd.bf16 v1, v13  }
0x1c2: {  	v6 =	vmul.bf16 v9, v12;
	v9 =	vld [tilespmem:s20+$0xFFFFFE90];
	v8 =	vadd.f32 v14, v8;
	v10, _, _ =	vpop (xrf2)  }
0x1c3: {  	v12 =	vld [tilespmem:s18+$0xFFFFFE90];
	v13 =	vunpack.i.l.bf16.f32 v1;
	[tilespmem:v4+s31+$0x0] =	vst.idx.msk vm0, v10  }
0x1c4: {  	v4 =	vmul.bf16 v16, v15;
	v10 =	vld [tilespmem:s20+$0xFFFFFEA0];
	v14 =	vadd.f32 v13, v8  }
0x1c5: {  	v1 =	vunpack.i.u.bf16.f32 v1;
	v13 =	vld [tilespmem:s18+$0xFFFFFEA0]  }
0x1c6: {  	v7 =	vmul.bf16 v7, v11;
	v11 =	vld [tilespmem:s20+$0xFFFFFED0];
	v1 =	vadd.f32 v14, v1;
	v8, _, _ =	vpop (xrf2)  }
0x1c7: {  	s21 =	sadd.s32 s21, s15;
	v14 =	vld [tilespmem:s18+$0xFFFFFED0];
	[tilespmem:v5+s31+$0x0] =	vst.idx.msk vm0, v8  }
0x1c8: {  	s22 =	sadd.s32 $0xA9, s21;
	s23 =	sadd.s32 $0xAA, s21;
	s24 =	sadd.s32 $0xAF, s21;
	v4 =	vadd.bf16 v7, v4;
	v5 =	vmul.bf16 v12, v9;
	v7 =	vld [tilespmem:s20+$0xFFFFFEE0];
	(xrf2) =	vadd.scan.msk.f32 $0xffff, v1  }
0x1c9: {  	s25 =	sadd.s32 $0xAD, s21;
	v8 =	vmov s23;
	s23 =	sadd.s32 $0xAC, s21;
	v1 =	vmov s22;
	s22 =	sadd.s32 $0xAB, s21;
	v12 =	vmov s24;
	v9 =	vld [tilespmem:s18+$0xFFFFFEE0]  }
0x1ca: {  	s24 =	sadd.s32 $0xA8, s21;
	s21 =	sadd.s32 $0xAE, s21;
	v12 =	vshrl.u32 v12, $0x3;
	v15 =	vunpack.i.u.bf16.f32 v4;
	v10 =	vmul.bf16 v13, v10;
	v13 =	vld [tilespmem:s20+$0xFFFFFF10];
	v16, _, _ =	vpop (xrf2)  }
0x1cb: {  	v17 =	vmov s22;
	v4 =	vunpack.i.l.bf16.f32 v4;
	v12 =	vshll.u32 v12, v0;
	v18 =	vld [tilespmem:s18+$0xFFFFFF10];
	[tilespmem:v2+s31+$0x0] =	vst.idx.msk vm0, v16  }
0x1cc: {  	v2 =	vadd.bf16 v10, v5;
	v5 =	vmul.bf16 v14, v11;
	v11 =	vld [tilespmem:s20+$0xFFFFFF20];
	v10 =	vadd.s32 $0x7, v12  }
0x1cd: {  	v12 =	vadd.f32 v4, v15;
	v14 =	vmov s23;
	v4 =	vld [tilespmem:s18+$0xFFFFFF20];
	v15 =	vbroadcast v10, $0x0  }
0x1ce: {  	v10 =	vunpack.i.u.bf16.f32 v2;
	v2 =	vunpack.i.l.bf16.f32 v2;
	v7 =	vmul.bf16 v9, v7;
	v9 =	vld [tilespmem:s20+$0xFFFFFF50]  }
0x1cf: {  	v19 =	vmov s21;
	v16 =	vmov s25;
	v10 =	vadd.f32 v2, v10;
	v2 =	vld [tilespmem:s18+$0xFFFFFF50]  }
0x1d0: {  	v1 =	vshrl.u32 v1, $0x3;
	v5 =	vadd.bf16 v7, v5;
	v7 =	vmul.bf16 v18, v13;
	v13 =	vld [tilespmem:s20+$0xFFFFFF60]  }
0x1d1: {  	v8 =	vshrl.u32 v8, $0x3;
	v17 =	vshrl.u32 v17, $0x3;
	v14 =	vshrl.u32 v14, $0x3;
	v18 =	vld [tilespmem:s18+$0xFFFFFF60]  }
0x1d2: {  	v20 =	vunpack.i.u.bf16.f32 v5;
	v5 =	vunpack.i.l.bf16.f32 v5;
	v4 =	vmul.bf16 v4, v11;
	v21 =	vld [tilespmem:s20+$0xFFFFFF90];
	v22, _, _ =	vpop (xrf2)  }
0x1d3: {  	v19 =	vshrl.u32 v19, $0x3;
	v11 =	vadd.f32 v5, v20;
	v5 =	vshrl.u32 v16, $0x3;
	v16 =	vld [tilespmem:s18+$0xFFFFFF90];
	[tilespmem:v15+s31+$0x0] =	vst.idx.msk vm0, v22  }
0x1d4: {  	v15 =	vmov s24;
	v4 =	vadd.bf16 v4, v7;
	v2 =	vmul.bf16 v2, v9;
	v7 =	vld [tilespmem:s20+$0xFFFFFFA0]  }
0x1d5: {  	v8 =	vshll.u32 v8, v0;
	v17 =	vshll.u32 v17, v0;
	v9 =	vshll.u32 v1, v0;
	v20 =	vld [tilespmem:s18+$0xFFFFFFA0]  }
0x1d6: {  	v22 =	vld [tilespmem:s20+$0xFFFFFE10];
	v1 =	vunpack.i.u.bf16.f32 v4;
	v4 =	vunpack.i.l.bf16.f32 v4;
	v13 =	vmul.bf16 v18, v13  }
0x1d7: {  	v5 =	vshll.u32 v5, v0;
	v18 =	vld [tilespmem:s20+$0xFFFFFE30];
	v1 =	vadd.f32 v4, v1;
	v4 =	vshll.u32 v14, v0  }
0x1d8: {  	v14 =	vld [tilespmem:s18+$0xFFFFFE30];
	v2 =	vadd.bf16 v13, v2;
	v13 =	vmul.bf16 v16, v21;
	v16 =	vshll.u32 v19, v0  }
0x1d9: {  	v15 =	vshrl.u32 v15, $0x3;
	v9 =	vadd.s32 $0x1, v9;
	v21 =	vadd.s32 $0x2, v8;
	v19 =	vld [tilespmem:s20+$0xFFFFFE40]  }
0x1da: {  	v8 =	vld [tilespmem:s18+$0xFFFFFE40];
	v23 =	vunpack.i.u.bf16.f32 v2;
	v2 =	vunpack.i.l.bf16.f32 v2;
	v7 =	vmul.bf16 v20, v7  }
0x1db: {  	v17 =	vadd.s32 $0x3, v17;
	v20 =	vmul.bf16 v3, v22;
	v22 =	vld [tilespmem:s20+$0xFFFFFE70];
	v3 =	vadd.f32 v2, v23  }
0x1dc: {  	v5 =	vadd.s32 $0x5, v5;
	v4 =	vadd.s32 $0x4, v4;
	v2 =	vld [tilespmem:s18+$0xFFFFFE70];
	v7 =	vadd.bf16 v7, v13  }
0x1dd: {  	v16 =	vadd.s32 $0x6, v16;
	v6 =	vadd.bf16 v6, v20;
	v13 =	vmul.bf16 v14, v18;
	v14 =	vld [tilespmem:s20+$0xFFFFFE80]  }
0x1de: {  	v15 =	vshll.u32 v15, v0;
	v18 =	vld [tilespmem:s18+$0xFFFFFE80];
	v20 =	vunpack.i.u.bf16.f32 v7;
	v7 =	vunpack.i.l.bf16.f32 v7  }
0x1df: {  	v23 =	vunpack.i.u.bf16.f32 v6;
	v6 =	vunpack.i.l.bf16.f32 v6;
	v19 =	vmul.bf16 v8, v19;
	v24 =	vld [tilespmem:s20+$0xFFFFFEB0]  }
0x1e0: {  	v9 =	vbroadcast v9, $0x0;
	v8 =	vadd.f32 v7, v20;
	v23 =	vadd.f32 v6, v23;
	v25 =	vld [tilespmem:s18+$0xFFFFFEB0]  }
0x1e1: {  	v7 =	vbroadcast v21, $0x0;
	v13 =	vadd.bf16 v19, v13;
	v19 =	vmul.bf16 v2, v22;
	v20 =	vld [tilespmem:s20+$0xFFFFFEC0]  }
0x1e2: {  	v4 =	vbroadcast v4, $0x0;
	v6 =	vbroadcast v17, $0x0;
	v21 =	vld [tilespmem:s18+$0xFFFFFEC0]  }
0x1e3: {  	v17 =	vunpack.i.u.bf16.f32 v13;
	v2 =	vunpack.i.l.bf16.f32 v13;
	v14 =	vmul.bf16 v18, v14;
	v18 =	vld [tilespmem:s20+$0xFFFFFEF0]  }
0x1e4: {  	v5 =	vbroadcast v5, $0x0;
	v22 =	vadd.f32 v2, v23;
	v23 =	vld [tilespmem:s18+$0xFFFFFEF0];
	v2 =	vbroadcast v16, $0x0  }
0x1e5: {  	v13 =	vbroadcast v15, $0x0;
	v14 =	vadd.bf16 v14, v19;
	v15 =	vmul.bf16 v25, v24;
	v16 =	vld [tilespmem:s20+$0xFFFFFF00]  }
0x1e6: {  	v17 =	vadd.f32 v22, v17;
	v19 =	vld [tilespmem:s18+$0xFFFFFF00]  }
0x1e7: {  	v22 =	vunpack.i.u.bf16.f32 v14;
	v14 =	vunpack.i.l.bf16.f32 v14;
	v20 =	vmul.bf16 v21, v20;
	v21 =	vld [tilespmem:s20+$0xFFFFFF30]  }
0x1e8: {  	v12 =	vadd.f32 v14, v12;
	v14 =	vld [tilespmem:s18+$0xFFFFFF30];
	(xrf2) =	vadd.scan.msk.f32 $0xffff, v17  }
0x1e9: {  	v15 =	vadd.bf16 v20, v15;
	v17 =	vmul.bf16 v23, v18;
	v18 =	vld [tilespmem:s20+$0xFFFFFF40]  }
0x1ea: {  	v12 =	vadd.f32 v12, v22;
	v20 =	vld [tilespmem:s18+$0xFFFFFF40]  }
0x1eb: {  	v22 =	vunpack.i.u.bf16.f32 v15;
	v15 =	vunpack.i.l.bf16.f32 v15;
	v16 =	vmul.bf16 v19, v16;
	v19 =	vld [tilespmem:s20+$0xFFFFFF70]  }
0x1ec: {  	v15 =	vadd.f32 v15, v10;
	v23 =	vld [tilespmem:s18+$0xFFFFFF70];
	(xrf2) =	vadd.scan.msk.f32 $0xffff, v12  }
0x1ed: {  	v12 =	vadd.bf16 v16, v17;
	v16 =	vmul.bf16 v14, v21;
	v10 =	vld [tilespmem:s20+$0xFFFFFF80]  }
.Ltmp4:
0x1ee: {  	v17 =	vadd.f32 v15, v22;
	v14 =	vld [tilespmem:s18+$0xFFFFFF80];
	(pc) =	sbr.rel @p1 .LBB2_7-.Ltmp4, $4  }
0x1ef: {  	v21 =	vunpack.i.u.bf16.f32 v12;
	v15 =	vunpack.i.l.bf16.f32 v12;
	v18 =	vmul.bf16 v20, v18;
	v12 =	vld [tilespmem:s20+$0xFFFFFFB0]  }
0x1f0: {  	v22 =	vadd.f32 v15, v11;
	v15 =	vld [tilespmem:s18+$0xFFFFFFB0];
	(xrf2) =	vadd.scan.msk.f32 $0xffff, v17  }
0x1f1: {  	v20 =	vadd.bf16 v18, v16;
	v18 =	vmul.bf16 v23, v19;
	v11 =	vld [tilespmem:s20+$0xFFFFFFC0]  }
0x1f2: {  	s20 =	sadd.s32 $0x200, s20;
	v16 =	vadd.f32 v22, v21;
	v17 =	vld [tilespmem:s18+$0xFFFFFFC0];
	v19, _, _ =	vpop (xrf2)  }
0x1f3: {  	_ =	sdelay $0x2  }
0x1f4: {  	v10 =	vmul.bf16 v14, v10  }
0x1f5: {  	v12 =	vmul.bf16 v15, v12;
	v11 =	vmul.bf16 v17, v11  }
0x1f6: {  	v10 =	vadd.bf16 v10, v18  }
0x1f7: {  	v14 =	vunpack.i.l.bf16.f32 v20;
	v11 =	vadd.bf16 v11, v12  }
0x1f8: {  	v1 =	vadd.f32 v14, v1;
	v12 =	vunpack.i.l.bf16.f32 v10  }
0x1f9: {  	v14 =	vunpack.i.u.bf16.f32 v20;
	v3 =	vadd.f32 v12, v3;
	v12 =	vunpack.i.l.bf16.f32 v11  }
0x1fa: {  	v1 =	vadd.f32 v1, v14;
	v10 =	vunpack.i.u.bf16.f32 v10;
	v8 =	vadd.f32 v12, v8  }
0x1fb: {  	(xrf2) =	vadd.scan.msk.f32 $0xffff, v16;
	v3 =	vadd.f32 v3, v10;
	v10 =	vunpack.i.u.bf16.f32 v11  }
0x1fc: {  	(xrf2) =	vadd.scan.msk.f32 $0xffff, v1;
	v1 =	vadd.f32 v8, v10  }
0x1fd: {  	(xrf2) =	vadd.scan.msk.f32 $0xffff, v3  }
0x1fe: {  	(xrf2) =	vadd.scan.msk.f32 $0xffff, v1;
	_ =	sdelay $0x4  }
0x1ff: {  	[tilespmem:v13+s31+$0x0] =	vst.idx.msk vm0, v19;
	v1, _, _ =	vpop (xrf2)  }
0x200: {  	v3, _, _ =	vpop (xrf2);
	[tilespmem:v9+s31+$0x0] =	vst.idx.msk vm0, v1  }
0x201: {  	v1, _, _ =	vpop (xrf2);
	[tilespmem:v7+s31+$0x0] =	vst.idx.msk vm0, v3  }
0x202: {  	[tilespmem:v6+s31+$0x0] =	vst.idx.msk vm0, v1;
	v1, _, _ =	vpop (xrf2)  }
0x203: {  	[tilespmem:v4+s31+$0x0] =	vst.idx.msk vm0, v1;
	v1, _, _ =	vpop (xrf2)  }
0x204: {  	[tilespmem:v5+s31+$0x0] =	vst.idx.msk vm0, v1;
	v1, _, _ =	vpop (xrf2)  }
0x205: {  	s18 =	sadd.s32 @!p0 $0x230, s17;
	s19 =	simm.s32 @!p0 $0x50;
	s20 =	simm.s32 @!p0 $0x7620;
	[tilespmem:v2+s31+$0x0] =	vst.idx.msk vm0, v1  }
0x206: {  	[tilespmem:s20], [sflag:$0x3] =	stream.indirect.gather @!p0 [hbm4b:s3+s19], $0x40, s18, s19, $0xb8;
	[tilespmem:$0x13D30] =	vst v63  }
0x207: {  	s18 =	sadd.s32 @!p0 $0x2940, s17;
	s20 =	simm.s32 @!p0 $0xDA20  }
0x208: {  	[tilespmem:s20], [sflag:$0x3] =	stream.indirect.gather @!p0 [hbm4b:s4+s19], $0x40, s18, s19, $0xb8;
	[tilespmem:$0x13D30] =	vst v63  }
0x209: {  	_ =	swait.ge [sflag:s12], $0x1400  }
0x20a: {  	[sflag:s12] =	ssyncset.done $0x0  }
0x20b: {  	[sflag:s12] =	ssyncadd.s32 $0xFFFFEC00  }
0x20c: {  	_ =	swait.ge [sflag:s12], $0x1400  }
0x20d: {  	[sflag:s12] =	ssyncset.done $0x0  }
0x20e: {  	s19 =	simm.s32 $0x8C10;
	[sflag:s12] =	ssyncadd.s32 $0xFFFFEC00  }
0x20f: {  	s18 =	simm.s32 $0xF010;
	v1 =	vld [tilespmem:s19+$0xFFFFFFF0]  }
0x210: {  	v2 =	vld [tilespmem:s18+$0xFFFFFFF0]  }
0x211: {  	v3 =	vld [tilespmem:s19+$0xFFFFFFD0]  }
0x212: {  	v4 =	vld [tilespmem:s18+$0xFFFFFFD0]  }
0x213: {  	v5 =	vld [tilespmem:s19+$0xFFFFFFE0]  }
0x214: {  	v6 =	vld [tilespmem:s18+$0xFFFFFFE0]  }
0x215: {  	v7 =	vld [tilespmem:s19+$0x0]  }
0x216: {  	v8 =	vld [tilespmem:s18+$0x0]  }
0x217: {  	v9 =	vld [tilespmem:s18+$0xFFFFFE10]  }
0x218: {  	v10 =	vld [tilespmem:s19+$0xFFFFFE20]  }
0x219: {  	v11 =	vld [tilespmem:s18+$0xFFFFFE20]  }
0x21a: {  	v12 =	vld [tilespmem:s19+$0xFFFFFE50]  }
0x21b: {  	v13 =	vld [tilespmem:s18+$0xFFFFFE50]  }
0x21c: {  	v14 =	vld [tilespmem:s19+$0xFFFFFE60]  }
0x21d: {  	v15 =	vld [tilespmem:s18+$0xFFFFFE60]  }
0x21e: {  	v16 =	vld [tilespmem:s19+$0xFFFFFE90]  }
0x21f: {  	v17 =	vld [tilespmem:s18+$0xFFFFFE90]  }
0x220: {  	v18 =	vld [tilespmem:s19+$0xFFFFFEA0]  }
0x221: {  	v20 =	vld [tilespmem:s18+$0xFFFFFF10]  }
0x222: {  	v23 =	vld [tilespmem:s18+$0xFFFFFF60]  }
0x223: {  	v26 =	vld [tilespmem:s18+$0xFFFFFFA0]  }
0x224: {  	v3 =	vmul.bf16 v4, v3;
	v4 =	vmul.bf16 v6, v5;
	v5 =	vld [tilespmem:s18+$0xFFFFFEA0]  }
0x225: {  	v6 =	vld [tilespmem:s19+$0xFFFFFED0]  }
0x226: {  	v1 =	vmul.bf16 v2, v1;
	v2 =	vmul.bf16 v8, v7;
	v7 =	vld [tilespmem:s19+$0xFFFFFEE0];
	v3 =	vadd.bf16 v4, v3  }
0x227: {  	v4 =	vld [tilespmem:s18+$0xFFFFFED0]  }
0x228: {  	s10 =	sadd.s32 $0xFFFFFFF8, s15;
	v1 =	vadd.bf16 v2, v1;
	v2 =	vld [tilespmem:s18+$0xFFFFFEE0];
	v8 =	vunpack.i.u.bf16.f32 v3;
	v3 =	vunpack.i.l.bf16.f32 v3  }
0x229: {  	s28 =	sadd.s32 $0xFE, s10;
	v12 =	vmul.bf16 v13, v12;
	v13 =	vmul.bf16 v15, v14;
	v14 =	vld [tilespmem:s19+$0xFFFFFF20];
	v3 =	vadd.f32 v3, v8  }
0x22a: {  	v25 =	vmov s28;
	v10 =	vmul.bf16 v11, v10;
	v11 =	vld [tilespmem:s18+$0xFFFFFF20];
	v19 =	vunpack.i.l.bf16.f32 v1  }
0x22b: {  	v25 =	vshrl.u32 v25, $0x3;
	v8 =	vld [tilespmem:s19+$0xFFFFFF10];
	v3 =	vadd.f32 v19, v3  }
0x22c: {  	v1 =	vunpack.i.u.bf16.f32 v1;
	v5 =	vmul.bf16 v5, v18;
	v18 =	vld [tilespmem:s19+$0xFFFFFF60];
	v4 =	vmul.bf16 v4, v6  }
0x22d: {  	s21 =	sadd.s32 $0xF9, s10;
	s23 =	sadd.s32 $0xFF, s10;
	v62 =	vld [tilespmem:s18+$0xFFFFFEC0];
	v2 =	vmul.bf16 v2, v7;
	v15 =	vadd.f32 v3, v1;
	v1 =	vadd.bf16 v13, v12  }
0x22e: {  	s22 =	sadd.s32 $0xFA, s10;
	v63 =	vld [tilespmem:s18+$0xFFFFFEF0];
	v3 =	vmul.bf16 v17, v16;
	v13 =	vmov s21;
	v17 =	vmov s23  }
0x22f: {  	v19 =	vld [tilespmem:s18+$0xFFFFFF50];
	v16 =	vmov s22;
	s23 =	sadd.s32 $0xFB, s10;
	v2 =	vadd.bf16 v2, v4;
	v17 =	vshrl.u32 v17, $0x3  }
0x230: {  	v6 =	vld [tilespmem:s19+$0xFFFFFF90];
	v22 =	vmov s23;
	v4 =	vmul.bf16 v20, v8;
	v8 =	vmul.bf16 v11, v14  }
0x231: {  	v7 =	vld [tilespmem:s19+$0xFFFFFFA0];
	v13 =	vshrl.u32 v13, $0x3;
	v14 =	vshrl.u32 v16, $0x3;
	v18 =	vmul.bf16 v23, v18  }
0x232: {  	v12 =	vld [tilespmem:s19+$0xFFFFFF50];
	v21 =	vunpack.i.u.bf16.f32 v1;
	v1 =	vunpack.i.l.bf16.f32 v1;
	v17 =	vshll.u32 v17, v0  }
0x233: {  	v11 =	vld [tilespmem:s19+$0xFFFFFE10];
	v3 =	vadd.bf16 v5, v3;
	v16 =	vshrl.u32 v22, $0x3;
	v22 =	vunpack.i.u.bf16.f32 v2  }
0x234: {  	v20 =	vld [tilespmem:s19+$0xFFFFFE30];
	v2 =	vunpack.i.l.bf16.f32 v2;
	v13 =	vshll.u32 v13, v0;
	v14 =	vshll.u32 v14, v0  }
0x235: {  	s24 =	sadd.s32 $0xFC, s10;
	v5 =	vadd.s32 $0x7, v17;
	v17 =	vadd.f32 v1, v21;
	v4 =	vadd.bf16 v8, v4;
	v8 =	vld [tilespmem:s18+$0xFFFFFE30]  }
0x236: {  	v1 =	vmov s24;
	v2 =	vadd.f32 v2, v22;
	v22 =	vld [tilespmem:s18+$0xFFFFFE40];
	v24 =	vunpack.i.u.bf16.f32 v3  }
0x237: {  	v3 =	vunpack.i.l.bf16.f32 v3;
	v27 =	vshrl.u32 v1, $0x3;
	v12 =	vmul.bf16 v19, v12;
	v19 =	vld [tilespmem:s19+$0xFFFFFE40]  }
0x238: {  	s25 =	sadd.s32 $0xFD, s10;
	v21 =	vld [tilespmem:s18+$0xFFFFFF90];
	v24 =	vadd.f32 v3, v24;
	v1 =	vunpack.i.u.bf16.f32 v4;
	v4 =	vunpack.i.l.bf16.f32 v4  }
0x239: {  	v3 =	vmov s25;
	v1 =	vadd.f32 v4, v1;
	v4 =	vld [tilespmem:s19+$0xFFFFFE70];
	v9 =	vmul.bf16 v9, v11  }
0x23a: {  	v16 =	vshll.u32 v16, v0;
	v23 =	vshrl.u32 v3, $0x3;
	v11 =	vld [tilespmem:s18+$0xFFFFFE70];
	v3 =	vadd.bf16 v18, v12  }
0x23b: {  	v7 =	vmul.bf16 v26, v7;
	v18 =	vld [tilespmem:s19+$0xFFFFFE80];
	v9 =	vadd.bf16 v10, v9;
	v8 =	vmul.bf16 v8, v20  }
0x23c: {  	v10 =	vld [tilespmem:s18+$0xFFFFFE80];
	v20 =	vunpack.i.u.bf16.f32 v3;
	v3 =	vunpack.i.l.bf16.f32 v3;
	v19 =	vmul.bf16 v22, v19  }
0x23d: {  	v13 =	vadd.s32 $0x1, v13;
	v6 =	vmul.bf16 v21, v6;
	v21 =	vld [tilespmem:s19+$0xFFFFFEB0];
	v3 =	vadd.f32 v3, v20  }
0x23e: {  	v20 =	vld [tilespmem:s18+$0xFFFFFEB0];
	v61 =	vunpack.i.u.bf16.f32 v9;
	v9 =	vunpack.i.l.bf16.f32 v9;
	v8 =	vadd.bf16 v19, v8  }
0x23f: {  	v14 =	vadd.s32 $0x2, v14;
	v22 =	vshll.u32 v27, v0;
	v9 =	vadd.f32 v9, v61;
	v19 =	vld [tilespmem:s19+$0xFFFFFEC0]  }
0x240: {  	(xrf2) =	vadd.scan.msk.f32 $0xffff, v15;
	v15 =	vld [tilespmem:s19+$0xFFFFFF00];
	v6 =	vadd.bf16 v7, v6;
	v4 =	vmul.bf16 v11, v4;
	v7 =	vunpack.i.l.bf16.f32 v8  }
0x241: {  	s20 =	sadd.s32 $0xF8, s10;
	v10 =	vmul.bf16 v10, v18;
	v18 =	vadd.s32 $0x4, v22;
	v22 =	vld [tilespmem:s18+$0xFFFFFF00];
	v7 =	vadd.f32 v7, v9  }
0x242: {  	v5 =	vbroadcast v5, $0x0;
	v12 =	vmov s20;
	v11 =	vld [tilespmem:s19+$0xFFFFFEF0];
	v8 =	vunpack.i.u.bf16.f32 v8  }
0x243: {  	v12 =	vshrl.u32 v12, $0x3;
	v4 =	vadd.bf16 v10, v4;
	v7 =	vadd.f32 v7, v8  }
0x244: {  	v28 =	vshll.u32 v12, v0;
	v20 =	vmul.bf16 v20, v21;
	v21 =	vld [tilespmem:s19+$0xFFFFFF30];
	v12 =	vmul.bf16 v62, v19  }
0x245: {  	v9 =	vbroadcast v13, $0x0;
	v13 =	vld [tilespmem:s19+$0xFFFFFF40];
	v10 =	vunpack.i.l.bf16.f32 v4;
	(xrf2) =	vadd.scan.msk.f32 $0xffff, v7;
	v7 =	vbroadcast v14, $0x0  }
0x246: {  	v12 =	vadd.bf16 v12, v20;
	v20 =	vld [tilespmem:s18+$0xFFFFFF40];
	v14 =	vmul.bf16 v22, v15;
	v15 =	vadd.f32 v10, v17  }
0x247: {  	v16 =	vadd.s32 $0x3, v16;
	v11 =	vmul.bf16 v63, v11;
	v19 =	vld [tilespmem:s18+$0xFFFFFF30];
	v17 =	vunpack.i.u.bf16.f32 v4  }
0x248: {  	v8 =	vunpack.i.u.bf16.f32 v6;
	v6 =	vunpack.i.l.bf16.f32 v6;
	v17 =	vadd.f32 v15, v17  }
0x249: {  	v8 =	vadd.f32 v6, v8;
	v6 =	vbroadcast v16, $0x0;
	v16 =	vld [tilespmem:s18+$0xFFFFFF70];
	v10 =	vunpack.i.l.bf16.f32 v12  }
0x24a: {  	v25 =	vshll.u32 v25, v0;
	v22 =	vld [tilespmem:s19+$0xFFFFFF70];
	v11 =	vadd.bf16 v14, v11;
	v24 =	vadd.f32 v10, v24;
	v15, _, _ =	vpop (xrf2);
	(xrf2) =	vadd.scan.msk.f32 $0xffff, v17  }
0x24b: {  	v12 =	vunpack.i.u.bf16.f32 v12;
	v14 =	vld [tilespmem:s18+$0xFFFFFF80];
	v20 =	vmul.bf16 v20, v13;
	v13 =	vbroadcast v28, $0x0  }
0x24c: {  	v4 =	vbroadcast v18, $0x0;
	v10 =	vld [tilespmem:s19+$0xFFFFFF80];
	v18 =	vmul.bf16 v19, v21;
	v19 =	vadd.f32 v24, v12  }
0x24d: {  	v25 =	vadd.s32 $0x6, v25;
	v23 =	vshll.u32 v23, v0;
	v21 =	vunpack.i.l.bf16.f32 v11;
	v12 =	vld [tilespmem:s19+$0xFFFFFFB0]  }
0x24e: {  	v23 =	vadd.s32 $0x5, v23;
	[tilespmem:v5+s31+$0x0] =	vst.idx.msk vm0, v15;
	v21 =	vadd.f32 v21, v2;
	v15 =	vld [tilespmem:s18+$0xFFFFFFB0];
	(xrf2) =	vadd.scan.msk.f32 $0xffff, v19  }
0x24f: {  	v17 =	vunpack.i.u.bf16.f32 v11;
	v11 =	vld [tilespmem:s19+$0xFFFFFFC0];
	v5 =	vbroadcast v23, $0x0;
	v20 =	vadd.bf16 v20, v18  }
0x250: {  	s20 =	simm.s32 $0x8E10;
	v2 =	vbroadcast v25, $0x0;
	s19 =	simm.s32 $0x0;
	v18 =	vmul.bf16 v16, v22;
	v16 =	vadd.f32 v21, v17;
	v17 =	vld [tilespmem:s18+$0xFFFFFFC0];
	v19, _, _ =	vpop (xrf2)  }
.LBB2_9:
0x251: {  	v21 =	vld [tilespmem:s20+$0xFFFFFFF0];
	[tilespmem:v13+s31+$0x0] =	vst.idx.msk vm0, v19;
	v13 =	vunpack.i.u.bf16.f32 v20;
	v19 =	vunpack.i.l.bf16.f32 v20;
	v10 =	vmul.bf16 v14, v10;
	s18 =	sadd.s32 $0x200, s18;
	s21 =	smov.u32 s19  }
0x252: {  	v14 =	vld [tilespmem:s18+$0xFFFFFFF0];
	v1 =	vadd.f32 v19, v1;
	(xrf2) =	vadd.scan.msk.f32 $0xffff, v16  }
0x253: {  	v16 =	vld [tilespmem:s20+$0xFFFFFFD0];
	v10 =	vadd.bf16 v10, v18;
	v12 =	vmul.bf16 v15, v12  }
0x254: {  	v15 =	vld [tilespmem:s18+$0xFFFFFFD0];
	v1 =	vadd.f32 v1, v13;
	v13, _, _ =	vpop (xrf2)  }
0x255: {  	v18 =	vld [tilespmem:s20+$0xFFFFFFE0];
	[tilespmem:v9+s31+$0x0] =	vst.idx.msk vm0, v13;
	v9 =	vunpack.i.u.bf16.f32 v10;
	v10 =	vunpack.i.l.bf16.f32 v10;
	v11 =	vmul.bf16 v17, v11  }
0x256: {  	s19 =	sadd.s32 $0x8, s19;
	v13 =	vld [tilespmem:s18+$0xFFFFFFE0];
	v3 =	vadd.f32 v10, v3;
	(xrf2) =	vadd.scan.msk.f32 $0xffff, v1  }
0x257: {  	p1 =	slt.u32 s19, $0x48;
	v1 =	vld [tilespmem:s20+$0x0];
	v10 =	vadd.bf16 v11, v12  }
0x258: {  	v11 =	vld [tilespmem:s18+$0x0];
	v9 =	vadd.f32 v3, v9;
	v12, _, _ =	vpop (xrf2)  }
0x259: {  	v3 =	vld [tilespmem:s18+$0xFFFFFE10];
	[tilespmem:v7+s31+$0x0] =	vst.idx.msk vm0, v12;
	v7 =	vunpack.i.u.bf16.f32 v10;
	v10 =	vunpack.i.l.bf16.f32 v10  }
0x25a: {  	v12 =	vld [tilespmem:s20+$0xFFFFFE20];
	v17 =	vadd.f32 v10, v8;
	(xrf2) =	vadd.scan.msk.f32 $0xffff, v9  }
0x25b: {  	v10 =	vmul.bf16 v15, v16;
	v9 =	vld [tilespmem:s18+$0xFFFFFE20];
	v13 =	vmul.bf16 v13, v18  }
0x25c: {  	v15 =	vld [tilespmem:s20+$0xFFFFFE50];
	v7 =	vadd.f32 v17, v7;
	v8, _, _ =	vpop (xrf2)  }
0x25d: {  	v16 =	vld [tilespmem:s18+$0xFFFFFE50];
	v17 =	vadd.bf16 v13, v10;
	v13 =	vmul.bf16 v14, v21;
	v1 =	vmul.bf16 v11, v1  }
0x25e: {  	v11 =	vld [tilespmem:s20+$0xFFFFFE60];
	[tilespmem:v6+s31+$0x0] =	vst.idx.msk vm0, v8;
	(xrf2) =	vadd.scan.msk.f32 $0xffff, v7  }
0x25f: {  	v7 =	vld [tilespmem:s18+$0xFFFFFE60];
	v8 =	vunpack.i.u.bf16.f32 v17;
	v14 =	vunpack.i.l.bf16.f32 v17;
	v1 =	vadd.bf16 v1, v13  }
0x260: {  	v6 =	vmul.bf16 v9, v12;
	v9 =	vld [tilespmem:s20+$0xFFFFFE90];
	v8 =	vadd.f32 v14, v8;
	v10, _, _ =	vpop (xrf2)  }
0x261: {  	v12 =	vld [tilespmem:s18+$0xFFFFFE90];
	v13 =	vunpack.i.l.bf16.f32 v1;
	[tilespmem:v4+s31+$0x0] =	vst.idx.msk vm0, v10  }
0x262: {  	v4 =	vmul.bf16 v16, v15;
	v10 =	vld [tilespmem:s20+$0xFFFFFEA0];
	v14 =	vadd.f32 v13, v8  }
0x263: {  	v1 =	vunpack.i.u.bf16.f32 v1;
	v13 =	vld [tilespmem:s18+$0xFFFFFEA0]  }
0x264: {  	v7 =	vmul.bf16 v7, v11;
	v11 =	vld [tilespmem:s20+$0xFFFFFED0];
	v1 =	vadd.f32 v14, v1;
	v8, _, _ =	vpop (xrf2)  }
0x265: {  	s21 =	sadd.s32 s21, s15;
	v14 =	vld [tilespmem:s18+$0xFFFFFED0];
	[tilespmem:v5+s31+$0x0] =	vst.idx.msk vm0, v8  }
0x266: {  	s22 =	sadd.s32 $0xF9, s21;
	s23 =	sadd.s32 $0xFA, s21;
	s24 =	sadd.s32 $0xFF, s21;
	v4 =	vadd.bf16 v7, v4;
	v5 =	vmul.bf16 v12, v9;
	v7 =	vld [tilespmem:s20+$0xFFFFFEE0];
	(xrf2) =	vadd.scan.msk.f32 $0xffff, v1  }
0x267: {  	s25 =	sadd.s32 $0xFD, s21;
	v8 =	vmov s23;
	s23 =	sadd.s32 $0xFC, s21;
	v1 =	vmov s22;
	s22 =	sadd.s32 $0xFB, s21;
	v12 =	vmov s24;
	v9 =	vld [tilespmem:s18+$0xFFFFFEE0]  }
0x268: {  	s24 =	sadd.s32 $0xF8, s21;
	s21 =	sadd.s32 $0xFE, s21;
	v12 =	vshrl.u32 v12, $0x3;
	v15 =	vunpack.i.u.bf16.f32 v4;
	v10 =	vmul.bf16 v13, v10;
	v13 =	vld [tilespmem:s20+$0xFFFFFF10];
	v16, _, _ =	vpop (xrf2)  }
0x269: {  	v17 =	vmov s22;
	v4 =	vunpack.i.l.bf16.f32 v4;
	v12 =	vshll.u32 v12, v0;
	v18 =	vld [tilespmem:s18+$0xFFFFFF10];
	[tilespmem:v2+s31+$0x0] =	vst.idx.msk vm0, v16  }
0x26a: {  	v2 =	vadd.bf16 v10, v5;
	v5 =	vmul.bf16 v14, v11;
	v11 =	vld [tilespmem:s20+$0xFFFFFF20];
	v10 =	vadd.s32 $0x7, v12  }
0x26b: {  	v12 =	vadd.f32 v4, v15;
	v14 =	vmov s23;
	v4 =	vld [tilespmem:s18+$0xFFFFFF20];
	v15 =	vbroadcast v10, $0x0  }
0x26c: {  	v10 =	vunpack.i.u.bf16.f32 v2;
	v2 =	vunpack.i.l.bf16.f32 v2;
	v7 =	vmul.bf16 v9, v7;
	v9 =	vld [tilespmem:s20+$0xFFFFFF50]  }
0x26d: {  	v19 =	vmov s21;
	v16 =	vmov s25;
	v10 =	vadd.f32 v2, v10;
	v2 =	vld [tilespmem:s18+$0xFFFFFF50]  }
0x26e: {  	v1 =	vshrl.u32 v1, $0x3;
	v5 =	vadd.bf16 v7, v5;
	v7 =	vmul.bf16 v18, v13;
	v13 =	vld [tilespmem:s20+$0xFFFFFF60]  }
0x26f: {  	v8 =	vshrl.u32 v8, $0x3;
	v17 =	vshrl.u32 v17, $0x3;
	v14 =	vshrl.u32 v14, $0x3;
	v18 =	vld [tilespmem:s18+$0xFFFFFF60]  }
0x270: {  	v20 =	vunpack.i.u.bf16.f32 v5;
	v5 =	vunpack.i.l.bf16.f32 v5;
	v4 =	vmul.bf16 v4, v11;
	v21 =	vld [tilespmem:s20+$0xFFFFFF90];
	v22, _, _ =	vpop (xrf2)  }
0x271: {  	v19 =	vshrl.u32 v19, $0x3;
	v11 =	vadd.f32 v5, v20;
	v5 =	vshrl.u32 v16, $0x3;
	v16 =	vld [tilespmem:s18+$0xFFFFFF90];
	[tilespmem:v15+s31+$0x0] =	vst.idx.msk vm0, v22  }
0x272: {  	v15 =	vmov s24;
	v4 =	vadd.bf16 v4, v7;
	v2 =	vmul.bf16 v2, v9;
	v7 =	vld [tilespmem:s20+$0xFFFFFFA0]  }
0x273: {  	v8 =	vshll.u32 v8, v0;
	v17 =	vshll.u32 v17, v0;
	v9 =	vshll.u32 v1, v0;
	v20 =	vld [tilespmem:s18+$0xFFFFFFA0]  }
0x274: {  	v22 =	vld [tilespmem:s20+$0xFFFFFE10];
	v1 =	vunpack.i.u.bf16.f32 v4;
	v4 =	vunpack.i.l.bf16.f32 v4;
	v13 =	vmul.bf16 v18, v13  }
0x275: {  	v5 =	vshll.u32 v5, v0;
	v18 =	vld [tilespmem:s20+$0xFFFFFE30];
	v1 =	vadd.f32 v4, v1;
	v4 =	vshll.u32 v14, v0  }
0x276: {  	v14 =	vld [tilespmem:s18+$0xFFFFFE30];
	v2 =	vadd.bf16 v13, v2;
	v13 =	vmul.bf16 v16, v21;
	v16 =	vshll.u32 v19, v0  }
0x277: {  	v15 =	vshrl.u32 v15, $0x3;
	v9 =	vadd.s32 $0x1, v9;
	v21 =	vadd.s32 $0x2, v8;
	v19 =	vld [tilespmem:s20+$0xFFFFFE40]  }
0x278: {  	v8 =	vld [tilespmem:s18+$0xFFFFFE40];
	v23 =	vunpack.i.u.bf16.f32 v2;
	v2 =	vunpack.i.l.bf16.f32 v2;
	v7 =	vmul.bf16 v20, v7  }
0x279: {  	v17 =	vadd.s32 $0x3, v17;
	v20 =	vmul.bf16 v3, v22;
	v22 =	vld [tilespmem:s20+$0xFFFFFE70];
	v3 =	vadd.f32 v2, v23  }
0x27a: {  	v5 =	vadd.s32 $0x5, v5;
	v4 =	vadd.s32 $0x4, v4;
	v2 =	vld [tilespmem:s18+$0xFFFFFE70];
	v7 =	vadd.bf16 v7, v13  }
0x27b: {  	v16 =	vadd.s32 $0x6, v16;
	v6 =	vadd.bf16 v6, v20;
	v13 =	vmul.bf16 v14, v18;
	v14 =	vld [tilespmem:s20+$0xFFFFFE80]  }
0x27c: {  	v15 =	vshll.u32 v15, v0;
	v18 =	vld [tilespmem:s18+$0xFFFFFE80];
	v20 =	vunpack.i.u.bf16.f32 v7;
	v7 =	vunpack.i.l.bf16.f32 v7  }
0x27d: {  	v23 =	vunpack.i.u.bf16.f32 v6;
	v6 =	vunpack.i.l.bf16.f32 v6;
	v19 =	vmul.bf16 v8, v19;
	v24 =	vld [tilespmem:s20+$0xFFFFFEB0]  }
0x27e: {  	v9 =	vbroadcast v9, $0x0;
	v8 =	vadd.f32 v7, v20;
	v23 =	vadd.f32 v6, v23;
	v25 =	vld [tilespmem:s18+$0xFFFFFEB0]  }
0x27f: {  	v7 =	vbroadcast v21, $0x0;
	v13 =	vadd.bf16 v19, v13;
	v19 =	vmul.bf16 v2, v22;
	v20 =	vld [tilespmem:s20+$0xFFFFFEC0]  }
0x280: {  	v4 =	vbroadcast v4, $0x0;
	v6 =	vbroadcast v17, $0x0;
	v21 =	vld [tilespmem:s18+$0xFFFFFEC0]  }
0x281: {  	v17 =	vunpack.i.u.bf16.f32 v13;
	v2 =	vunpack.i.l.bf16.f32 v13;
	v14 =	vmul.bf16 v18, v14;
	v18 =	vld [tilespmem:s20+$0xFFFFFEF0]  }
0x282: {  	v5 =	vbroadcast v5, $0x0;
	v22 =	vadd.f32 v2, v23;
	v23 =	vld [tilespmem:s18+$0xFFFFFEF0];
	v2 =	vbroadcast v16, $0x0  }
0x283: {  	v13 =	vbroadcast v15, $0x0;
	v14 =	vadd.bf16 v14, v19;
	v15 =	vmul.bf16 v25, v24;
	v16 =	vld [tilespmem:s20+$0xFFFFFF00]  }
0x284: {  	v17 =	vadd.f32 v22, v17;
	v19 =	vld [tilespmem:s18+$0xFFFFFF00]  }
0x285: {  	v22 =	vunpack.i.u.bf16.f32 v14;
	v14 =	vunpack.i.l.bf16.f32 v14;
	v20 =	vmul.bf16 v21, v20;
	v21 =	vld [tilespmem:s20+$0xFFFFFF30]  }
0x286: {  	v12 =	vadd.f32 v14, v12;
	v14 =	vld [tilespmem:s18+$0xFFFFFF30];
	(xrf2) =	vadd.scan.msk.f32 $0xffff, v17  }
0x287: {  	v15 =	vadd.bf16 v20, v15;
	v17 =	vmul.bf16 v23, v18;
	v18 =	vld [tilespmem:s20+$0xFFFFFF40]  }
0x288: {  	v12 =	vadd.f32 v12, v22;
	v20 =	vld [tilespmem:s18+$0xFFFFFF40]  }
0x289: {  	v22 =	vunpack.i.u.bf16.f32 v15;
	v15 =	vunpack.i.l.bf16.f32 v15;
	v16 =	vmul.bf16 v19, v16;
	v19 =	vld [tilespmem:s20+$0xFFFFFF70]  }
0x28a: {  	v15 =	vadd.f32 v15, v10;
	v23 =	vld [tilespmem:s18+$0xFFFFFF70];
	(xrf2) =	vadd.scan.msk.f32 $0xffff, v12  }
0x28b: {  	v12 =	vadd.bf16 v16, v17;
	v16 =	vmul.bf16 v14, v21;
	v10 =	vld [tilespmem:s20+$0xFFFFFF80]  }
.Ltmp5:
0x28c: {  	v17 =	vadd.f32 v15, v22;
	v14 =	vld [tilespmem:s18+$0xFFFFFF80];
	(pc) =	sbr.rel @p1 .LBB2_9-.Ltmp5, $4  }
0x28d: {  	v21 =	vunpack.i.u.bf16.f32 v12;
	v15 =	vunpack.i.l.bf16.f32 v12;
	v18 =	vmul.bf16 v20, v18;
	v12 =	vld [tilespmem:s20+$0xFFFFFFB0]  }
0x28e: {  	v22 =	vadd.f32 v15, v11;
	v15 =	vld [tilespmem:s18+$0xFFFFFFB0];
	(xrf2) =	vadd.scan.msk.f32 $0xffff, v17  }
0x28f: {  	v20 =	vadd.bf16 v18, v16;
	v18 =	vmul.bf16 v23, v19;
	v11 =	vld [tilespmem:s20+$0xFFFFFFC0]  }
0x290: {  	s20 =	sadd.s32 $0x200, s20;
	v16 =	vadd.f32 v22, v21;
	v17 =	vld [tilespmem:s18+$0xFFFFFFC0];
	v19, _, _ =	vpop (xrf2)  }
0x291: {  	_ =	sdelay $0x2  }
0x292: {  	v10 =	vmul.bf16 v14, v10  }
0x293: {  	v12 =	vmul.bf16 v15, v12;
	v11 =	vmul.bf16 v17, v11  }
0x294: {  	v10 =	vadd.bf16 v10, v18  }
0x295: {  	v14 =	vunpack.i.l.bf16.f32 v20;
	v11 =	vadd.bf16 v11, v12  }
0x296: {  	v1 =	vadd.f32 v14, v1;
	v12 =	vunpack.i.l.bf16.f32 v10  }
0x297: {  	v14 =	vunpack.i.u.bf16.f32 v20;
	v3 =	vadd.f32 v12, v3;
	v12 =	vunpack.i.l.bf16.f32 v11  }
0x298: {  	v1 =	vadd.f32 v1, v14;
	v10 =	vunpack.i.u.bf16.f32 v10;
	v8 =	vadd.f32 v12, v8  }
0x299: {  	(xrf2) =	vadd.scan.msk.f32 $0xffff, v16;
	v3 =	vadd.f32 v3, v10;
	v10 =	vunpack.i.u.bf16.f32 v11  }
0x29a: {  	(xrf2) =	vadd.scan.msk.f32 $0xffff, v1;
	v1 =	vadd.f32 v8, v10  }
0x29b: {  	(xrf2) =	vadd.scan.msk.f32 $0xffff, v3  }
0x29c: {  	(xrf2) =	vadd.scan.msk.f32 $0xffff, v1;
	_ =	sdelay $0x4  }
0x29d: {  	[tilespmem:v13+s31+$0x0] =	vst.idx.msk vm0, v19;
	v1, _, _ =	vpop (xrf2)  }
0x29e: {  	v3, _, _ =	vpop (xrf2);
	[tilespmem:v9+s31+$0x0] =	vst.idx.msk vm0, v1  }
0x29f: {  	v1, _, _ =	vpop (xrf2);
	[tilespmem:v7+s31+$0x0] =	vst.idx.msk vm0, v3  }
0x2a0: {  	[tilespmem:v6+s31+$0x0] =	vst.idx.msk vm0, v1;
	v1, _, _ =	vpop (xrf2)  }
0x2a1: {  	[tilespmem:v4+s31+$0x0] =	vst.idx.msk vm0, v1;
	v1, _, _ =	vpop (xrf2)  }
0x2a2: {  	[tilespmem:v5+s31+$0x0] =	vst.idx.msk vm0, v1;
	v1, _, _ =	vpop (xrf2)  }
0x2a3: {  	s18 =	sadd.s32 @!p0 $0x280, s17;
	s19 =	simm.s32 @!p0 $0x50;
	s20 =	simm.s32 @!p0 $0x8A20;
	[tilespmem:v2+s31+$0x0] =	vst.idx.msk vm0, v1  }
0x2a4: {  	[tilespmem:s20], [sflag:$0x4] =	stream.indirect.gather @!p0 [hbm4b:s3+s19], $0x40, s18, s19, $0xb8;
	[tilespmem:$0x13D30] =	vst v63  }
0x2a5: {  	s18 =	sadd.s32 @!p0 $0x2990, s17;
	s20 =	simm.s32 @!p0 $0xEE20  }
0x2a6: {  	[tilespmem:s20], [sflag:$0x4] =	stream.indirect.gather @!p0 [hbm4b:s4+s19], $0x40, s18, s19, $0xb8;
	[tilespmem:$0x13D30] =	vst v63  }
0x2a7: {  	_ =	swait.ge [sflag:s13], $0x1400  }
0x2a8: {  	[sflag:s13] =	ssyncset.done $0x0  }
0x2a9: {  	[sflag:s13] =	ssyncadd.s32 $0xFFFFEC00  }
0x2aa: {  	_ =	swait.ge [sflag:s13], $0x1400  }
0x2ab: {  	[sflag:s13] =	ssyncset.done $0x0  }
0x2ac: {  	s18 =	simm.s32 $0x0;
	[sflag:s13] =	ssyncadd.s32 $0xFFFFEC00  }
0x2ad: {  	v1 =	vld [tilespmem:s18+$0xA000]  }
0x2ae: {  	v2 =	vld [tilespmem:s18+$0x10400]  }
0x2af: {  	v3 =	vld [tilespmem:s18+$0x9FE0]  }
0x2b0: {  	v4 =	vld [tilespmem:s18+$0x103E0]  }
0x2b1: {  	v5 =	vld [tilespmem:s18+$0x9FF0]  }
0x2b2: {  	v6 =	vld [tilespmem:s18+$0x103F0]  }
0x2b3: {  	v7 =	vld [tilespmem:s18+$0xA010]  }
0x2b4: {  	v8 =	vld [tilespmem:s18+$0x10410]  }
0x2b5: {  	v9 =	vld [tilespmem:s18+$0x9E20]  }
0x2b6: {  	v10 =	vld [tilespmem:s18+$0x10220]  }
0x2b7: {  	v11 =	vld [tilespmem:s18+$0x9E30]  }
0x2b8: {  	v12 =	vld [tilespmem:s18+$0x10230]  }
0x2b9: {  	v13 =	vld [tilespmem:s18+$0x9E60]  }
0x2ba: {  	v14 =	vld [tilespmem:s18+$0x10260]  }
0x2bb: {  	v15 =	vld [tilespmem:s18+$0x9E70]  }
0x2bc: {  	v16 =	vld [tilespmem:s18+$0x10270]  }
0x2bd: {  	v17 =	vld [tilespmem:s18+$0x9EA0]  }
0x2be: {  	v18 =	vld [tilespmem:s18+$0x102A0]  }
0x2bf: {  	v19 =	vld [tilespmem:s18+$0x10360]  }
0x2c0: {  	v22 =	vld [tilespmem:s18+$0x10370]  }
0x2c1: {  	v26 =	vld [tilespmem:s18+$0x9E40]  }
0x2c2: {  	v49 =	vld [tilespmem:s18+$0x10240]  }
0x2c3: {  	v3 =	vmul.bf16 v4, v3;
	v4 =	vmul.bf16 v6, v5;
	v5 =	vld [tilespmem:s18+$0x9EB0]  }
0x2c4: {  	v6 =	vld [tilespmem:s18+$0x102B0]  }
0x2c5: {  	v1 =	vmul.bf16 v2, v1;
	v2 =	vmul.bf16 v8, v7;
	v7 =	vld [tilespmem:s18+$0x102E0];
	v3 =	vadd.bf16 v4, v3  }
0x2c6: {  	v9 =	vmul.bf16 v10, v9;
	v4 =	vld [tilespmem:s18+$0x9EE0]  }
0x2c7: {  	s19 =	sadd.s32 $0xFFFFFFF8, s15;
	v10 =	vld [tilespmem:s18+$0x102F0];
	v1 =	vadd.bf16 v2, v1;
	v8 =	vunpack.i.u.bf16.f32 v3;
	v3 =	vunpack.i.l.bf16.f32 v3  }
0x2c8: {  	s23 =	sadd.s32 $0x14B, s19;
	v2 =	vld [tilespmem:s18+$0x9EF0];
	v3 =	vadd.f32 v3, v8;
	v8 =	vmul.bf16 v12, v11  }
0x2c9: {  	v21 =	vmov s23;
	v11 =	vunpack.i.l.bf16.f32 v1;
	v12 =	vld [tilespmem:s18+$0x9F20];
	v5 =	vmul.bf16 v6, v5  }
0x2ca: {  	v3 =	vadd.f32 v11, v3;
	v8 =	vadd.bf16 v8, v9;
	v9 =	vld [tilespmem:s18+$0x10320];
	v11 =	vmul.bf16 v14, v13  }
0x2cb: {  	v1 =	vunpack.i.u.bf16.f32 v1;
	v13 =	vmul.bf16 v16, v15;
	v14 =	vld [tilespmem:s18+$0x9F30];
	v4 =	vmul.bf16 v7, v4  }
0x2cc: {  	s10 =	sadd.s32 $0x149, s19;
	v15 =	vld [tilespmem:s18+$0x10330];
	v1 =	vadd.f32 v3, v1;
	v3 =	vunpack.i.u.bf16.f32 v8;
	v8 =	vunpack.i.l.bf16.f32 v8  }
0x2cd: {  	s21 =	sadd.s32 $0x14A, s19;
	s25 =	sadd.s32 $0x14D, s19;
	s28 =	sadd.s32 $0x14E, s19;
	v6 =	vld [tilespmem:s18+$0x9F70];
	v2 =	vmul.bf16 v10, v2;
	v16 =	vadd.f32 v8, v3;
	v3 =	vadd.bf16 v13, v11  }
0x2ce: {  	s22 =	sadd.s32 $0x14F, s19;
	s24 =	sadd.s32 $0x14C, s19;
	s19 =	sadd.s32 $0x148, s19;
	v24 =	vmov s25;
	v25 =	vmov s28;
	v7 =	vld [tilespmem:s18+$0x9FA0];
	v8 =	vmul.bf16 v18, v17  }
0x2cf: {  	v27 =	vmov s19;
	v10 =	vld [tilespmem:s18+$0x9FB0];
	v2 =	vadd.bf16 v2, v4;
	v20 =	vunpack.i.u.bf16.f32 v3  }
0x2d0: {  	v11 =	vld [tilespmem:s18+$0x9F60];
	v3 =	vunpack.i.l.bf16.f32 v3;
	v5 =	vadd.bf16 v5, v8;
	v4 =	vmul.bf16 v9, v12  }
0x2d1: {  	v8 =	vld [tilespmem:s18+$0x103A0];
	v14 =	vmul.bf16 v15, v14;
	v20 =	vadd.f32 v3, v20;
	v3 =	vmov s24  }
0x2d2: {  	v15 =	vld [tilespmem:s18+$0x9E50];
	v23 =	vunpack.i.u.bf16.f32 v5;
	v5 =	vunpack.i.l.bf16.f32 v5;
	v12 =	vshrl.u32 v3, $0x3  }
0x2d3: {  	v3 =	vunpack.i.u.bf16.f32 v2;
	v2 =	vunpack.i.l.bf16.f32 v2;
	v23 =	vadd.f32 v5, v23;
	v5 =	vld [tilespmem:s18+$0x103B0]  }
0x2d4: {  	v24 =	vshrl.u32 v24, $0x3;
	v53 =	vshrl.u32 v27, $0x3;
	v28 =	vadd.f32 v2, v3;
	v2 =	vld [tilespmem:s18+$0x10250]  }
0x2d5: {  	v6 =	vmul.bf16 v22, v6;
	v3 =	vadd.bf16 v14, v4;
	v4 =	vmul.bf16 v19, v11;
	v11 =	vld [tilespmem:s18+$0x9E80]  }
0x2d6: {  	v24 =	vshll.u32 v24, v0;
	v13 =	vmov s22;
	v17 =	vmov s10;
	v19 =	vld [tilespmem:s18+$0x10280]  }
0x2d7: {  	v18 =	vmov s21;
	v13 =	vshrl.u32 v13, $0x3;
	v4 =	vadd.bf16 v6, v4;
	v6 =	vld [tilespmem:s18+$0x9E90]  }
0x2d8: {  	v17 =	vshrl.u32 v17, $0x3;
	v18 =	vshrl.u32 v18, $0x3;
	v7 =	vmul.bf16 v8, v7;
	v8 =	vld [tilespmem:s18+$0x10290]  }
0x2d9: {  	v13 =	vshll.u32 v13, v0;
	v9 =	vshrl.u32 v21, $0x3;
	v17 =	vshll.u32 v17, v0  }
0x2da: {  	v18 =	vshll.u32 v18, v0;
	v21 =	vmul.bf16 v49, v26;
	v13 =	vadd.s32 $0x7, v13  }
0x2db: {  	v9 =	vshll.u32 v9, v0;
	v17 =	vadd.s32 $0x1, v17;
	v5 =	vmul.bf16 v5, v10  }
0x2dc: {  	v52 =	vld [tilespmem:s18+$0x102C0];
	v18 =	vadd.s32 $0x2, v18;
	v13 =	vbroadcast v13, $0x0;
	v2 =	vmul.bf16 v2, v15  }
0x2dd: {  	v54 =	vld [tilespmem:s18+$0x9ED0];
	v5 =	vadd.bf16 v5, v7;
	v7 =	vmul.bf16 v19, v11;
	v6 =	vmul.bf16 v8, v6  }
0x2de: {  	(xrf2) =	vadd.scan.msk.f32 $0xffff, v1;
	v1 =	vadd.s32 $0x3, v9;
	v9 =	vbroadcast v17, $0x0;
	v10 =	vld [tilespmem:s18+$0x9EC0];
	v2 =	vadd.bf16 v2, v21  }
0x2df: {  	v15 =	vld [tilespmem:s18+$0x102D0];
	v8 =	vunpack.i.u.bf16.f32 v5;
	v5 =	vunpack.i.l.bf16.f32 v5;
	v57 =	vadd.bf16 v6, v7  }
0x2e0: {  	v55 =	vld [tilespmem:s18+$0x9F00];
	v14 =	vshrl.u32 v25, $0x3;
	v8 =	vadd.f32 v5, v8;
	v5 =	vunpack.i.l.bf16.f32 v2  }
0x2e1: {  	v56 =	vld [tilespmem:s18+$0x9F10];
	v12 =	vshll.u32 v12, v0;
	v5 =	vadd.f32 v5, v16;
	v6 =	vunpack.i.l.bf16.f32 v57  }
0x2e2: {  	v29 =	vld [tilespmem:s18+$0x10310];
	v17 =	vadd.f32 v6, v20;
	v6 =	vbroadcast v1, $0x0;
	v1 =	vunpack.i.u.bf16.f32 v2  }
0x2e3: {  	v25 =	vshll.u32 v53, v0;
	v14 =	vshll.u32 v14, v0;
	v11 =	vld [tilespmem:s18+$0x10300];
	v1 =	vadd.f32 v5, v1  }
0x2e4: {  	v58 =	vld [tilespmem:s18+$0x10340];
	v12 =	vadd.s32 $0x4, v12;
	v10 =	vmul.bf16 v52, v10;
	v15 =	vmul.bf16 v15, v54  }
0x2e5: {  	v50 =	vunpack.i.u.bf16.f32 v3;
	v3 =	vunpack.i.l.bf16.f32 v3;
	v7 =	vbroadcast v18, $0x0;
	v18 =	vld [tilespmem:s18+$0x9F50];
	(xrf2) =	vadd.scan.msk.f32 $0xffff, v1  }
0x2e6: {  	v14 =	vadd.s32 $0x6, v14;
	v16 =	vld [tilespmem:s18+$0x9F40];
	v15 =	vadd.bf16 v15, v10;
	v2 =	vunpack.i.u.bf16.f32 v57  }
0x2e7: {  	v3 =	vadd.f32 v3, v50;
	v19 =	vadd.s32 $0x5, v24;
	v20 =	vld [tilespmem:s18+$0x10350];
	v17 =	vadd.f32 v17, v2  }
0x2e8: {  	v59 =	vld [tilespmem:s18+$0x9F80];
	v21 =	vmul.bf16 v29, v56;
	v11 =	vmul.bf16 v11, v55;
	v10 =	vunpack.i.l.bf16.f32 v15  }
0x2e9: {  	v60 =	vld [tilespmem:s18+$0x10380];
	v61, _, _ =	vpop (xrf2);
	v5 =	vbroadcast v12, $0x0;
	v2 =	vbroadcast v19, $0x0;
	v19 =	vadd.f32 v10, v23;
	(xrf2) =	vadd.scan.msk.f32 $0xffff, v17  }
0x2ea: {  	[tilespmem:v13+s31+$0x0] =	vst.idx.msk vm0, v61;
	v12 =	vbroadcast v25, $0x0;
	v13 =	vunpack.i.u.bf16.f32 v15;
	v15 =	vadd.bf16 v21, v11;
	v11 =	vld [tilespmem:s18+$0x10390]  }
0x2eb: {  	v10 =	vld [tilespmem:s18+$0x9F90];
	v1 =	vbroadcast v14, $0x0;
	v62 =	vmul.bf16 v58, v16;
	v63 =	vadd.f32 v19, v13  }
0x2ec: {  	v16 =	vunpack.i.u.bf16.f32 v15;
	v14 =	vunpack.i.l.bf16.f32 v15;
	v15 =	vld [tilespmem:s18+$0x103C0];
	v18 =	vmul.bf16 v20, v18  }
0x2ed: {  	v51 =	vunpack.i.u.bf16.f32 v4;
	v4 =	vunpack.i.l.bf16.f32 v4;
	v13 =	vld [tilespmem:s18+$0x9FC0];
	v19 =	vadd.f32 v14, v28;
	(xrf2) =	vadd.scan.msk.f32 $0xffff, v63  }
0x2ee: {  	s20 =	simm.s32 $0x800;
	s19 =	simm.s32 $0x0;
	v4 =	vadd.f32 v4, v51;
	v14 =	vld [tilespmem:s18+$0x9FD0];
	v17 =	vadd.bf16 v18, v62;
	v18 =	vmul.bf16 v60, v59  }
.LBB2_11:
0x2ef: {  	v16 =	vadd.f32 v19, v16;
	v19 =	vld [tilespmem:s18+$0x103D0];
	s18 =	sshra.s32 s20, $0x2;
	v20, _, _ =	vpop (xrf2);
	s21 =	smov.u32 s19  }
0x2f0: {  	v21 =	vld [tilespmem:s18+$0xA000];
	[tilespmem:v12+s31+$0x0] =	vst.idx.msk vm0, v20;
	v12 =	vunpack.i.u.bf16.f32 v17;
	v17 =	vunpack.i.l.bf16.f32 v17;
	v10 =	vmul.bf16 v11, v10  }
0x2f1: {  	v11 =	vld [tilespmem:s18+$0x10400];
	v3 =	vadd.f32 v17, v3;
	(xrf2) =	vadd.scan.msk.f32 $0xffff, v16  }
0x2f2: {  	v16 =	vld [tilespmem:s18+$0x9FE0];
	v10 =	vadd.bf16 v10, v18;
	v13 =	vmul.bf16 v15, v13  }
0x2f3: {  	v15 =	vld [tilespmem:s18+$0x103E0];
	v3 =	vadd.f32 v3, v12;
	v12, _, _ =	vpop (xrf2)  }
0x2f4: {  	s19 =	sadd.s32 $0x8, s19;
	v17 =	vld [tilespmem:s18+$0x9FF0];
	[tilespmem:v9+s31+$0x0] =	vst.idx.msk vm0, v12;
	v9 =	vunpack.i.u.bf16.f32 v10;
	v10 =	vunpack.i.l.bf16.f32 v10;
	v12 =	vmul.bf16 v19, v14  }
0x2f5: {  	p1 =	slt.u32 s19, $0x48;
	v14 =	vld [tilespmem:s18+$0x103F0];
	v4 =	vadd.f32 v10, v4;
	(xrf2) =	vadd.scan.msk.f32 $0xffff, v3  }
0x2f6: {  	v3 =	vld [tilespmem:s18+$0xA010];
	v10 =	vadd.bf16 v12, v13  }
0x2f7: {  	v12 =	vld [tilespmem:s18+$0x10410];
	v4 =	vadd.f32 v4, v9;
	v9, _, _ =	vpop (xrf2)  }
0x2f8: {  	v13 =	vld [tilespmem:s18+$0x9E20];
	[tilespmem:v7+s31+$0x0] =	vst.idx.msk vm0, v9;
	v7 =	vunpack.i.u.bf16.f32 v10;
	v9 =	vunpack.i.l.bf16.f32 v10  }
0x2f9: {  	v10 =	vld [tilespmem:s18+$0x10220];
	v18 =	vadd.f32 v9, v8;
	(xrf2) =	vadd.scan.msk.f32 $0xffff, v4  }
0x2fa: {  	v9 =	vmul.bf16 v15, v16;
	v4 =	vld [tilespmem:s18+$0x9E30];
	v14 =	vmul.bf16 v14, v17  }
0x2fb: {  	v15 =	vld [tilespmem:s18+$0x10230];
	v7 =	vadd.f32 v18, v7;
	v8, _, _ =	vpop (xrf2)  }
0x2fc: {  	v11 =	vmul.bf16 v11, v21;
	v16 =	vld [tilespmem:s18+$0x9E60];
	v9 =	vadd.bf16 v14, v9;
	v3 =	vmul.bf16 v12, v3  }
0x2fd: {  	v12 =	vld [tilespmem:s18+$0x10260];
	[tilespmem:v6+s31+$0x0] =	vst.idx.msk vm0, v8;
	(xrf2) =	vadd.scan.msk.f32 $0xffff, v7  }
0x2fe: {  	v6 =	vld [tilespmem:s18+$0x9E70];
	v7 =	vunpack.i.u.bf16.f32 v9;
	v14 =	vunpack.i.l.bf16.f32 v9;
	v3 =	vadd.bf16 v3, v11  }
0x2ff: {  	v9 =	vmul.bf16 v10, v13;
	v10 =	vld [tilespmem:s18+$0x10270];
	v7 =	vadd.f32 v14, v7;
	v8, _, _ =	vpop (xrf2)  }
0x300: {  	v4 =	vmul.bf16 v15, v4;
	v11 =	vld [tilespmem:s18+$0x9EA0];
	v13 =	vunpack.i.l.bf16.f32 v3;
	[tilespmem:v5+s31+$0x0] =	vst.idx.msk vm0, v8  }
0x301: {  	v5 =	vld [tilespmem:s18+$0x102A0];
	v13 =	vadd.f32 v13, v7  }
0x302: {  	v3 =	vunpack.i.u.bf16.f32 v3;
	v4 =	vadd.bf16 v4, v9;
	v8 =	vmul.bf16 v12, v16;
	v9 =	vld [tilespmem:s18+$0x9EB0]  }
0x303: {  	v12 =	vld [tilespmem:s18+$0x102B0];
	v3 =	vadd.f32 v13, v3;
	v7, _, _ =	vpop (xrf2)  }
0x304: {  	s21 =	sadd.s32 s21, s15;
	v13 =	vunpack.i.u.bf16.f32 v4;
	v4 =	vunpack.i.l.bf16.f32 v4;
	v6 =	vmul.bf16 v10, v6;
	v14 =	vld [tilespmem:s18+$0x9EE0];
	[tilespmem:v2+s31+$0x0] =	vst.idx.msk vm0, v7  }
0x305: {  	s22 =	sadd.s32 $0x149, s21;
	s23 =	sadd.s32 $0x14A, s21;
	s24 =	sadd.s32 $0x14F, s21;
	v10 =	vadd.f32 v4, v13;
	v2 =	vld [tilespmem:s18+$0x102E0];
	(xrf2) =	vadd.scan.msk.f32 $0xffff, v3  }
0x306: {  	s25 =	sadd.s32 $0x14B, s21;
	s28 =	sadd.s32 $0x14C, s21;
	s10 =	sadd.s32 $0x14D, s21;
	v3 =	vadd.bf16 v6, v8;
	v4 =	vmul.bf16 v5, v11;
	v5 =	vld [tilespmem:s18+$0x9EF0];
	v6 =	vmov s24  }
0x307: {  	v7 =	vmov s22;
	s24 =	sadd.s32 $0x148, s21;
	v8 =	vmov s23;
	s21 =	sadd.s32 $0x14E, s21;
	v11 =	vld [tilespmem:s18+$0x102F0];
	v6 =	vshrl.u32 v6, $0x3;
	v13, _, _ =	vpop (xrf2)  }
0x308: {  	v15 =	vunpack.i.u.bf16.f32 v3;
	v9 =	vmul.bf16 v12, v9;
	v12 =	vld [tilespmem:s18+$0x9F20];
	v6 =	vshll.u32 v6, v0;
	[tilespmem:v1+s31+$0x0] =	vst.idx.msk vm0, v13  }
0x309: {  	v1 =	vunpack.i.l.bf16.f32 v3;
	v3 =	vmov s25;
	v13 =	vld [tilespmem:s18+$0x10320];
	v6 =	vadd.s32 $0x7, v6  }
0x30a: {  	v4 =	vadd.bf16 v9, v4;
	v2 =	vmul.bf16 v2, v14;
	v9 =	vld [tilespmem:s18+$0x9F30];
	v6 =	vbroadcast v6, $0x0  }
0x30b: {  	v16 =	vmov s10;
	v14 =	vadd.f32 v1, v15;
	v15 =	vmov s28;
	v1 =	vld [tilespmem:s18+$0x10330]  }
0x30c: {  	v17 =	vunpack.i.u.bf16.f32 v4;
	v4 =	vunpack.i.l.bf16.f32 v4;
	v5 =	vmul.bf16 v11, v5;
	v18 =	vld [tilespmem:s18+$0x9F60]  }
0x30d: {  	v7 =	vshrl.u32 v7, $0x3;
	v11 =	vadd.f32 v4, v17;
	v4 =	vld [tilespmem:s18+$0x10360];
	v17 =	vmov s21  }
0x30e: {  	v8 =	vshrl.u32 v8, $0x3;
	v2 =	vadd.bf16 v5, v2;
	v5 =	vmul.bf16 v13, v12;
	v12 =	vld [tilespmem:s18+$0x9F70]  }
0x30f: {  	v16 =	vshrl.u32 v16, $0x3;
	v3 =	vshrl.u32 v3, $0x3;
	v13 =	vshrl.u32 v15, $0x3;
	v15 =	vld [tilespmem:s18+$0x10370];
	v19, _, _ =	vpop (xrf2)  }
0x310: {  	v20 =	vunpack.i.u.bf16.f32 v2;
	v2 =	vunpack.i.l.bf16.f32 v2;
	v1 =	vmul.bf16 v1, v9;
	v9 =	vld [tilespmem:s18+$0x9FA0];
	[tilespmem:v6+s31+$0x0] =	vst.idx.msk vm0, v19  }
0x311: {  	v17 =	vshrl.u32 v17, $0x3;
	v6 =	vmov s24;
	v19 =	vadd.f32 v2, v20;
	v2 =	vld [tilespmem:s18+$0x103A0]  }
0x312: {  	v7 =	vshll.u32 v7, v0;
	v1 =	vadd.bf16 v1, v5;
	v4 =	vmul.bf16 v4, v18;
	v5 =	vld [tilespmem:s18+$0x9FB0]  }
0x313: {  	v8 =	vshll.u32 v8, v0;
	v13 =	vshll.u32 v13, v0;
	v18 =	vshll.u32 v3, v0;
	v20 =	vld [tilespmem:s18+$0x103B0]  }
0x314: {  	v21 =	vld [tilespmem:s18+$0x9E40];
	v3 =	vunpack.i.u.bf16.f32 v1;
	v1 =	vunpack.i.l.bf16.f32 v1;
	v12 =	vmul.bf16 v15, v12  }
0x315: {  	v15 =	vld [tilespmem:s18+$0x10240];
	v3 =	vadd.f32 v1, v3;
	v1 =	vshll.u32 v16, v0;
	v16 =	vshll.u32 v17, v0  }
0x316: {  	v6 =	vshrl.u32 v6, $0x3;
	v17 =	vld [tilespmem:s18+$0x9E50];
	v4 =	vadd.bf16 v12, v4;
	v2 =	vmul.bf16 v2, v9  }
0x317: {  	v7 =	vadd.s32 $0x1, v7;
	v8 =	vadd.s32 $0x2, v8;
	v18 =	vadd.s32 $0x3, v18;
	v12 =	vld [tilespmem:s18+$0x10250]  }
0x318: {  	v22 =	vld [tilespmem:s18+$0x9E80];
	v9 =	vunpack.i.u.bf16.f32 v4;
	v4 =	vunpack.i.l.bf16.f32 v4;
	v5 =	vmul.bf16 v20, v5  }
0x319: {  	v13 =	vadd.s32 $0x4, v13;
	v1 =	vadd.s32 $0x5, v1;
	v20 =	vld [tilespmem:s18+$0x10280];
	v4 =	vadd.f32 v4, v9  }
0x31a: {  	v16 =	vadd.s32 $0x6, v16;
	v15 =	vmul.bf16 v15, v21;
	v21 =	vld [tilespmem:s18+$0x9E90];
	v2 =	vadd.bf16 v5, v2  }
0x31b: {  	v23 =	vshll.u32 v6, v0;
	v9 =	vbroadcast v7, $0x0;
	v7 =	vbroadcast v8, $0x0;
	v24 =	vld [tilespmem:s18+$0x10290]  }
0x31c: {  	v12 =	vmul.bf16 v12, v17;
	v17 =	vld [tilespmem:s18+$0x9EC0];
	v8 =	vunpack.i.u.bf16.f32 v2;
	v2 =	vunpack.i.l.bf16.f32 v2  }
0x31d: {  	v6 =	vbroadcast v18, $0x0;
	v5 =	vbroadcast v13, $0x0;
	v25 =	vld [tilespmem:s18+$0x102C0];
	v8 =	vadd.f32 v2, v8  }
0x31e: {  	v2 =	vbroadcast v1, $0x0;
	v13 =	vadd.bf16 v12, v15;
	v15 =	vmul.bf16 v20, v22;
	v18 =	vld [tilespmem:s18+$0x9ED0]  }
0x31f: {  	v1 =	vbroadcast v16, $0x0;
	v12 =	vbroadcast v23, $0x0;
	v20 =	vld [tilespmem:s18+$0x102D0]  }
0x320: {  	v16 =	vunpack.i.u.bf16.f32 v13;
	v13 =	vunpack.i.l.bf16.f32 v13;
	v21 =	vmul.bf16 v24, v21;
	v22 =	vld [tilespmem:s18+$0x9F00]  }
0x321: {  	v10 =	vadd.f32 v13, v10;
	v13 =	vld [tilespmem:s18+$0x10300]  }
0x322: {  	v15 =	vadd.bf16 v21, v15;
	v17 =	vmul.bf16 v25, v17;
	v21 =	vld [tilespmem:s18+$0x9F10]  }
0x323: {  	v10 =	vadd.f32 v10, v16;
	v16 =	vld [tilespmem:s18+$0x10310]  }
0x324: {  	v23 =	vunpack.i.u.bf16.f32 v15;
	v15 =	vunpack.i.l.bf16.f32 v15;
	v18 =	vmul.bf16 v20, v18;
	v20 =	vld [tilespmem:s18+$0x9F40]  }
0x325: {  	v14 =	vadd.f32 v15, v14;
	v15 =	vld [tilespmem:s18+$0x10340];
	(xrf2) =	vadd.scan.msk.f32 $0xffff, v10  }
0x326: {  	v10 =	vadd.bf16 v18, v17;
	v13 =	vmul.bf16 v13, v22;
	v17 =	vld [tilespmem:s18+$0x9F50]  }
0x327: {  	v14 =	vadd.f32 v14, v23;
	v18 =	vld [tilespmem:s18+$0x10350]  }
0x328: {  	v22 =	vunpack.i.u.bf16.f32 v10;
	v10 =	vunpack.i.l.bf16.f32 v10;
	v16 =	vmul.bf16 v16, v21;
	v21 =	vld [tilespmem:s18+$0x9F80]  }
0x329: {  	v11 =	vadd.f32 v10, v11;
	v23 =	vld [tilespmem:s18+$0x10380];
	(xrf2) =	vadd.scan.msk.f32 $0xffff, v14  }
.Ltmp6:
0x32a: {  	v13 =	vadd.bf16 v16, v13;
	v14 =	vmul.bf16 v15, v20;
	v10 =	vld [tilespmem:s18+$0x9F90];
	(pc) =	sbr.rel @p1 .LBB2_11-.Ltmp6, $4  }
0x32b: {  	v20 =	vadd.f32 v11, v22;
	v11 =	vld [tilespmem:s18+$0x10390]  }
0x32c: {  	v16 =	vunpack.i.u.bf16.f32 v13;
	v15 =	vunpack.i.l.bf16.f32 v13;
	v17 =	vmul.bf16 v18, v17;
	v13 =	vld [tilespmem:s18+$0x9FC0]  }
0x32d: {  	v19 =	vadd.f32 v15, v19;
	v15 =	vld [tilespmem:s18+$0x103C0];
	(xrf2) =	vadd.scan.msk.f32 $0xffff, v20  }
0x32e: {  	s20 =	sadd.s32 $0x800, s20;
	v17 =	vadd.bf16 v17, v14;
	v18 =	vmul.bf16 v23, v21;
	v14 =	vld [tilespmem:s18+$0x9FD0]  }
0x32f: {  	v20 =	vld [tilespmem:s18+$0x103D0];
	_ =	sdelay $0x3  }
0x330: {  	v10 =	vmul.bf16 v11, v10  }
0x331: {  	v54 =	vmul.bf16 v15, v13;
	v55 =	vmul.bf16 v20, v14  }
0x332: {  	v10 =	vadd.bf16 v10, v18  }
0x333: {  	v56 =	vunpack.i.l.bf16.f32 v17;
	v11 =	vadd.bf16 v55, v54  }
0x334: {  	v57 =	vadd.f32 v19, v16;
	v3 =	vadd.f32 v56, v3;
	v58 =	vunpack.i.l.bf16.f32 v10  }
0x335: {  	v59 =	vunpack.i.u.bf16.f32 v17;
	v4 =	vadd.f32 v58, v4;
	v60 =	vunpack.i.l.bf16.f32 v11  }
0x336: {  	v3 =	vadd.f32 v3, v59;
	v10 =	vunpack.i.u.bf16.f32 v10;
	v8 =	vadd.f32 v60, v8  }
0x337: {  	(xrf2) =	vadd.scan.msk.f32 $0xffff, v57;
	v4 =	vadd.f32 v4, v10;
	v61 =	vunpack.i.u.bf16.f32 v11  }
0x338: {  	(xrf2) =	vadd.scan.msk.f32 $0xffff, v3;
	v3 =	vadd.f32 v8, v61  }
0x339: {  	(xrf2) =	vadd.scan.msk.f32 $0xffff, v4  }
0x33a: {  	(xrf2) =	vadd.scan.msk.f32 $0xffff, v3;
	_ =	sdelay $0x3  }
0x33b: {  	v3, _, _ =	vpop (xrf2)  }
0x33c: {  	v62, _, _ =	vpop (xrf2);
	[tilespmem:v12+s31+$0x0] =	vst.idx.msk vm0, v3  }
0x33d: {  	v3, _, _ =	vpop (xrf2);
	[tilespmem:v9+s31+$0x0] =	vst.idx.msk vm0, v62  }
.Ltmp7:
0x33e: {  	v63, _, _ =	vpop (xrf2);
	[tilespmem:v7+s31+$0x0] =	vst.idx.msk vm0, v3;
	(pc) =	sbr.rel @p0 .LBB2_14-.Ltmp7, $4  }
0x33f: {  	[tilespmem:v6+s31+$0x0] =	vst.idx.msk vm0, v63;
	v3, _, _ =	vpop (xrf2)  }
0x340: {  	[tilespmem:v5+s31+$0x0] =	vst.idx.msk vm0, v3;
	v3, _, _ =	vpop (xrf2)  }
0x341: {  	[tilespmem:v2+s31+$0x0] =	vst.idx.msk vm0, v3;
	v2, _, _ =	vpop (xrf2)  }
0x342: {  	[tilespmem:v1+s31+$0x0] =	vst.idx.msk vm0, v2  }
.Ltmp8:
0x343: {  	(pc) =	sbr.rel .LBB2_2-.Ltmp8, $4  }
0x344: {  	s10 =	sadd.s32 $0x2D0, s17  }
0x345: {  	[tilespmem:s26], [sflag:$0x5] =	stream.indirect.gather [hbm4b:s3+s11], $0x40, s10, s11, $0xb8;
	[tilespmem:$0x13D30] =	vst v63  }
0x346: {  	s28 =	sadd.s32 $0x29E0, s17;
	s16 =	sadd.s32 $0x1, s16;
	s15 =	sadd.s32 $0x190, s15  }
0x347: {  	[tilespmem:s29], [sflag:$0x5] =	stream.indirect.gather [hbm4b:s4+s11], $0x40, s28, s11, $0xb8;
	[tilespmem:$0x13D30] =	vst v63  }
.LBB2_15:
0x348: {  	_ =	sfence.sel $0x180000  }
0x349: {  	[bflag:$0x0] =	sbarrier.arrive $0xFFFF  }
0x34a: {  	_ =	strace $0x90000047  }
0x34b: {  	s0 =	stileid.u32;
	[bflag:$0x2] =	sbarrier.arrive $0xFFFF  }
0x34c: {  	p0 =	sne.s32 s0, $0x0;
	s0 =	rddreg [dreg:$0x2]  }
0x34d: {  	s0 =	sadd.s32 @!p0 $0x100000, s0  }
0x34e: {  	[sflag:s0] =	ssyncadd.tile.s32 @!p0 $0x1;
	_ =	shalt  }
.Lfunc_end2:
_tile_overlayer_lowered:
.L_overlay_start_2:
0x34f: {  	(tag) =	ssettag $0x2  }
0x350: {  	s0 =	rddreg [dreg:$0x0];
	s2 =	stileid.u32  }
0x351: {  	s1 =	rddreg [dreg:$0x1];
	p0 =	sne.s32 s2, $0x0  }
0x352: {  	s3 =	rddreg [dreg:$0x2];
	[bflag:$0x3] =	sbarrier.arrive $0xFFFF;
	s2 =	simm.s32 @!p0 $0x1C06  }
0x353: {  	[timem:s3], [sflag:s2] =	dma.local @!p0 [hbm:s0], s1  }
0x354: {  	s0 =	simm.s32 @!p0 $0x6  }
0x355: {  	_ =	swait.ge @!p0 [sflag:s0], s1  }
0x356: {  	s1 =	ssub.s32 @!p0 $0x0, s1;
	[sflag:s0] =	ssyncset.done @!p0 $0x0  }
0x357: {  	[sflag:s0] =	ssyncadd.s32 @!p0 s1  }
0x358: {  	[bflag:$0x3] =	sbarrier.arrive $0xFFFF  }
0x359: {  	_ =	shalt  }

</sc_bundles>
